<compile_context>
chip_gen: v7x
topology: tpu7x:2x2x1
jax: 0.10.2.dev20260603
libtpu: 0.0.44.dev20260713+nightly
codegen_flags: <defaults>
</compile_context>

<pallas_src>
import functools

import jax
import jax.numpy as jnp
from jax import lax
from jax.experimental import pallas as pl
from jax.experimental.pallas import tpu as pltpu
from jax.experimental.pallas import tpu_sc as plsc

NC = 2
NS = 16
NW = NC * NS
K = 128
L = 16


def _mesh():
  return plsc.VectorSubcoreMesh(core_axis_name="c", subcore_axis_name="s")


def _degree_kernel(ch, full_ch, tail, np_pad):
  rows = np_pad // K

  def body(src_hbm, dst_hbm, zeros_hbm, degp_hbm, src_v, dst_v, dego_v,
           degi_v, ib, acc_o, acc_i):
    cid = lax.axis_index("c")
    sid = lax.axis_index("s")
    wid = cid * NS + sid
    pltpu.sync_copy(src_hbm.at[wid], src_v)
    pltpu.sync_copy(dst_hbm.at[wid], dst_v)
    pltpu.sync_copy(zeros_hbm, dego_v)
    pltpu.sync_copy(zeros_hbm, degi_v)

    @pl.when(sid == 0)
    def _():
      pltpu.sync_copy(zeros_hbm, acc_o)
      pltpu.sync_copy(zeros_hbm, acc_i)

    for t in range(rows // L):
      ib[pl.ds(t * L, L)] = lax.iota(jnp.int32, L) + t * L
    plsc.subcore_barrier()

    one16 = jnp.ones((L,), jnp.float32)

    def scat(j, t):
      sl = pl.ds(t * L, L)
      s16 = src_v[j, sl]
      d16 = dst_v[j, sl]
      plsc.addupdate_scatter(dego_v, [s16 >> 7, s16 & 127], one16)
      plsc.addupdate_scatter(degi_v, [d16 >> 7, d16 & 127], one16)

    def step(j, carry):
      for t in range(K // L):
        scat(j, t)
      return carry

    lax.fori_loop(0, full_ch, step, 0)
    for t in range(tail // L):
      scat(full_ch, t)

    pltpu.sync_copy(dego_v, acc_o.at[ib], add=True)
    pltpu.sync_copy(degi_v, acc_i.at[ib], add=True)
    plsc.subcore_barrier()

    @pl.when(sid == 0)
    def _():
      pltpu.sync_copy(acc_o, degp_hbm.at[cid, 0])
      pltpu.sync_copy(acc_i, degp_hbm.at[cid, 1])

  return pl.kernel(
      body,
      out_type=jax.ShapeDtypeStruct((NC, 2, rows, K), jnp.float32),
      mesh=_mesh(),
      compiler_params=pltpu.CompilerParams(needs_layout_passes=False),
      scratch_types=[
          pltpu.VMEM((ch, K), jnp.int32),
          pltpu.VMEM((ch, K), jnp.int32),
          pltpu.VMEM((rows, K), jnp.float32),
          pltpu.VMEM((rows, K), jnp.float32),
          pltpu.VMEM((rows,), jnp.int32),
          pltpu.VMEM_SHARED((rows, K), jnp.float32),
          pltpu.VMEM_SHARED((rows, K), jnp.float32),
      ],
  )


def _norm_body(degp_ref, norm_ref):
  d = degp_ref[...]
  deg = d[0] + d[1]
  norm_ref[...] = lax.rsqrt(jnp.clip(deg, 1.0, None))


def _coef_kernel(ch, np_pad):
  rows = np_pad // K

  def body(src_hbm, dst_hbm, ew_hbm, norm_hbm, cp_hbm, src_v, dst_v, ew_v,
           c_v, ns_v, nd_v):
    cid = lax.axis_index("c")
    sid = lax.axis_index("s")
    wid = cid * NS + sid
    pltpu.sync_copy(src_hbm.at[wid], src_v)
    pltpu.sync_copy(dst_hbm.at[wid], dst_v)
    pltpu.sync_copy(ew_hbm.at[wid], ew_v)
    pltpu.sync_copy(norm_hbm.at[0], ns_v)
    pltpu.sync_copy(norm_hbm.at[1], nd_v)

    def step(j, carry):
      for t in range(K // L):
        sl = pl.ds(t * L, L)
        s16 = src_v[j, sl]
        d16 = dst_v[j, sl]
        w16 = ew_v[j, sl]
        ns = plsc.load_gather(ns_v, [s16 >> 7, s16 & 127])
        nd = plsc.load_gather(nd_v, [d16 >> 7, d16 & 127])
        c_v[j, sl] = w16 * ns * nd
      return carry

    lax.fori_loop(0, ch, step, 0)
    pltpu.sync_copy(c_v, cp_hbm.at[wid])

  return pl.kernel(
      body,
      out_type=jax.ShapeDtypeStruct((NW, ch, K), jnp.float32),
      mesh=_mesh(),
      compiler_params=pltpu.CompilerParams(needs_layout_passes=False),
      scratch_types=[
          pltpu.VMEM((ch, K), jnp.int32),
          pltpu.VMEM((ch, K), jnp.int32),
          pltpu.VMEM((ch, K), jnp.float32),
          pltpu.VMEM((ch, K), jnp.float32),
          pltpu.VMEM((rows, K), jnp.float32),
          pltpu.VMEM((rows, K), jnp.float32),
      ],
  )


def _layer_kernel(n, np_pad, d, ch):
  nb = np_pad // NS
  nb_last = n - nb * (NS - 1)

  def body(h_hbm, src_hbm, dst_hbm, cp_hbm, zeros_hbm, part_hbm, src_v,
           srcb0, srcb1, dstb0, dstb1, cb0, cb1, rows0, rows1, acc, sem0,
           sem1):
    cid = lax.axis_index("c")
    sid = lax.axis_index("s")
    wid = cid * NS + sid
    pltpu.sync_copy(src_hbm.at[wid], src_v)

    @pl.when(sid < NS - 1)
    def _():
      pltpu.sync_copy(zeros_hbm, acc.at[pl.ds(nb * sid, nb)])

    @pl.when(sid == NS - 1)
    def _():
      pltpu.sync_copy(zeros_hbm.at[pl.ds(0, nb_last)],
                      acc.at[pl.ds(nb * (NS - 1), nb_last)])

    plsc.subcore_barrier()

    def issue(j, srcb, rows_ref, dstb, cb, sem):
      for t in range(K // L):
        sl = pl.ds(t * L, L)
        srcb[sl] = src_v[j, sl]
      pltpu.async_copy(h_hbm.at[srcb], rows_ref, sem)
      pltpu.async_copy(dst_hbm.at[wid, j], dstb, sem)
      pltpu.async_copy(cp_hbm.at[wid, j], cb, sem)

    def drain(j, srcb, rows_ref, dstb, cb, sem):
      pltpu.make_async_copy(h_hbm.at[srcb], rows_ref, sem).wait()
      pltpu.make_async_copy(dst_hbm.at[wid, j], dstb, sem).wait()
      pltpu.make_async_copy(cp_hbm.at[wid, j], cb, sem).wait()

    def scale_scatter(rows_ref, dstb, cb):
      def sk(k, carry):
        c16 = plsc.load_gather(cb, [jnp.full((L,), 0, jnp.int32) + k])
        for f in range(d // L):
          sl = pl.ds(f * L, L)
          rows_ref[k, sl] = rows_ref[k, sl] * c16
        return carry

      lax.fori_loop(0, K, sk, 0)
      pltpu.sync_copy(rows_ref, acc.at[dstb], add=True)

    def step2(i, carry):
      j0 = 2 * i
      j1 = 2 * i + 1
      issue(j0, srcb0, rows0, dstb0, cb0, sem0)
      drain(j0, srcb0, rows0, dstb0, cb0, sem0)
      issue(j1, srcb1, rows1, dstb1, cb1, sem1)
      scale_scatter(rows0, dstb0, cb0)
      drain(j1, srcb1, rows1, dstb1, cb1, sem1)
      scale_scatter(rows1, dstb1, cb1)
      return carry

    lax.fori_loop(0, ch // 2, step2, 0)
    plsc.subcore_barrier()

    @pl.when(sid < NS - 1)
    def _():
      sl = pl.ds(nb * sid, nb)
      pltpu.sync_copy(acc.at[sl], part_hbm.at[cid, sl])

    @pl.when(sid == NS - 1)
    def _():
      sl = pl.ds(nb * (NS - 1), nb_last)
      pltpu.sync_copy(acc.at[sl], part_hbm.at[cid, sl])

  return pl.kernel(
      body,
      out_type=jax.ShapeDtypeStruct((NC, n, d), jnp.float32),
      mesh=_mesh(),
      compiler_params=pltpu.CompilerParams(needs_layout_passes=False),
      scratch_types=[
          pltpu.VMEM((ch, K), jnp.int32),
          pltpu.VMEM((K,), jnp.int32),
          pltpu.VMEM((K,), jnp.int32),
          pltpu.VMEM((K,), jnp.int32),
          pltpu.VMEM((K,), jnp.int32),
          pltpu.VMEM((K,), jnp.float32),
          pltpu.VMEM((K,), jnp.float32),
          pltpu.VMEM((K, d), jnp.float32),
          pltpu.VMEM((K, d), jnp.float32),
          pltpu.VMEM_SHARED((n, d), jnp.float32),
          pltpu.SemaphoreType.DMA,
          pltpu.SemaphoreType.DMA,
      ],
  )


def _matmul_body(p_ref, w_ref, a_ref, h_ref, pool_ref):
  i = pl.program_id(0)
  agg = p_ref[0] + p_ref[1]
  out = jnp.dot(agg, w_ref[...], preferred_element_type=jnp.float32)
  out = jnp.where(out > 0, out, a_ref[...] * out)
  h_ref[...] = out

  @pl.when(i == 0)
  def _():
    pool_ref[...] = jnp.zeros_like(pool_ref)

  pool_ref[...] += jnp.sum(out, axis=0, keepdims=True)


def _matmul_call(part, w, a, n, d, bn):
  grid = n // bn
  return pl.pallas_call(
      _matmul_body,
      grid=(grid,),
      in_specs=[
          pl.BlockSpec((2, bn, d), lambda i: (0, i, 0)),
          pl.BlockSpec((d, d), lambda i: (0, 0)),
          pl.BlockSpec((1, d), lambda i: (0, 0)),
      ],
      out_specs=[
          pl.BlockSpec((bn, d), lambda i: (i, 0)),
          pl.BlockSpec((1, d), lambda i: (0, 0)),
      ],
      out_shape=[
          jax.ShapeDtypeStruct((n, d), jnp.float32),
          jax.ShapeDtypeStruct((1, d), jnp.float32),
      ],
  )(part, w, jnp.broadcast_to(a.reshape(1, 1), (1, d)))


def kernel(feat, edge_index, edge_weight, W0, a0, W1, a1):
  n, d = feat.shape
  e = edge_index.shape[1]
  per_w = -(-e // NW)
  nch = -(-per_w // K) + 2
  nch += nch % 2
  ep_worker = nch * K
  ch = ep_worker // K
  full_ch, tail = divmod(per_w, K)
  np_pad = -(-n // (L * NS)) * (L * NS)

  feat = feat.astype(jnp.float32)
  src = edge_index[0].astype(jnp.int32)
  dst = edge_index[1].astype(jnp.int32)
  ew = edge_weight.astype(jnp.float32)

  pad_w = ep_worker - per_w
  spread = jnp.broadcast_to(jnp.arange(pad_w, dtype=jnp.int32) % n,
                            (NW, pad_w))

  def _shard(x, pad_idx):
    x = jnp.pad(x, (0, NW * per_w - e)).reshape(NW, per_w)
    fill = spread if pad_idx else jnp.zeros((NW, pad_w), x.dtype)
    return jnp.concatenate([x, fill.astype(x.dtype)],
                           axis=1).reshape(NW, ch, K)

  src_p = _shard(src, True)
  dst_p = _shard(dst, True)
  ew_p = _shard(ew, False)

  zeros_deg = jnp.zeros((np_pad // K, K), jnp.float32)
  zeros_acc = jnp.zeros((np_pad // NS, d), jnp.float32)

  degp = _degree_kernel(ch, full_ch, tail, np_pad)(src_p, dst_p, zeros_deg)

  norms = pl.pallas_call(
      _norm_body,
      out_shape=jax.ShapeDtypeStruct((2, np_pad // K, K), jnp.float32),
  )(degp)

  cp = _coef_kernel(ch, np_pad)(src_p, dst_p, ew_p, norms)


  layer = _layer_kernel(n, np_pad, d, ch)
  bn = 1000 if n % 1000 == 0 else n // NS

  part1 = layer(feat, src_p, dst_p, cp, zeros_acc)

  h1, pool1 = _matmul_call(part1, W0, a0, n, d, bn)
  part2 = layer(h1, src_p, dst_p, cp, zeros_acc)
  h2, pool2 = _matmul_call(part2, W1, a1, n, d, bn)
  hg = jnp.concatenate([pool1, pool2], axis=-1)
  return (h2, hg)

# --- scband reference (transcript-rebuilt; emitter-appended) ---
"""Pipeline reference for scband-gcn-16501264351451 (READ-ONLY COPY).

The authoritative reference and input builder live on the scoring server;
editing this copy changes nothing except your own understanding.
"""

import jax, jax.numpy as jnp
import numpy as np

N = 10000
E = 320000
D = 128

def setup_inputs(seed: int = 0) -> dict:
    key = jax.random.key(seed)
    ks = jax.random.split(key, 6)
    feat = jax.random.normal(ks[0], (N, D), dtype=jnp.float32)
    edge_index = jax.random.randint(ks[1], (2, E), 0, N)
    edge_weight = jax.random.uniform(ks[2], (E,), dtype=jnp.float32)
    # GraphConv weights (bias=False), xavier-ish init
    W0 = jax.random.normal(ks[3], (D, D), dtype=jnp.float32) * (1.0 / np.sqrt(D))
    W1 = jax.random.normal(ks[4], (D, D), dtype=jnp.float32) * (1.0 / np.sqrt(D))
    # PReLU learned slopes (default init 0.25)
    a0 = jnp.full((1,), 0.25, dtype=jnp.float32)
    a1 = jnp.full((1,), 0.25, dtype=jnp.float32)
    return {"feat": feat, "edge_index": edge_index, "edge_weight": edge_weight,
            "W0": W0, "a0": a0, "W1": W1, "a1": a1}

def _prelu(x, a):
    return jnp.where(x > 0, x, a * x)

def reference(feat, edge_index, edge_weight, W0, a0, W1, a1):
    # DGL-style GraphConv with norm='both', bias=False, activation=PReLU,
    # followed by SumPooling after each layer; hg = concat of pooled outputs.
    src = edge_index[0]
    dst = edge_index[1]
    n = feat.shape[0]
    ones = jnp.ones((src.shape[0],), dtype=feat.dtype)
    deg_out = jnp.zeros((n,), dtype=feat.dtype).at[src].add(ones)
    deg_in = jnp.zeros((n,), dtype=feat.dtype).at[dst].add(ones)
    norm_src = jnp.power(jnp.clip(deg_out, 1.0, None), -0.5)
    norm_dst = jnp.power(jnp.clip(deg_in, 1.0, None), -0.5)

    def conv(h, W, a):
        hs = h * norm_src[:, None]                      # D_out^{-1/2} * h
        m = hs[src] * edge_weight[:, None]              # gather + edge weight
        agg = jnp.zeros_like(h).at[dst].add(m)          # scatter-add aggregate
        agg = agg * norm_dst[:, None]                   # D_in^{-1/2}
        out = agg @ W                                   # linear, no bias
        return _prelu(out, a)

    h = conv(feat, W0, a0)
    hg = jnp.sum(h, axis=0, keepdims=True)              # SumPooling (single graph)
    h = conv(h, W1, a1)
    hg = jnp.concatenate([hg, jnp.sum(h, axis=0, keepdims=True)], axis=-1)
    return (h, hg)

if __name__ == "__main__":
    import jax
    _d = setup_inputs()
    print(jax.jit(kernel)(*tuple(_d.values())))

</pallas_src>

<mosaic_0001>
#map = affine_map<(d0, d1) -> (0, 0)>
#map1 = affine_map<(d0, d1) -> (0, 0, 0)>
module attributes {stable_mosaic.version = 14 : i64} {
  func.func @body(%arg0: i32, %arg1: i32, %arg2: memref<10000x128xf32, #tpu.memory_space<hbm>>, %arg3: memref<32x82x128xi32, #tpu.memory_space<hbm>>, %arg4: memref<32x82x128xi32, #tpu.memory_space<hbm>>, %arg5: memref<32x82x128xf32, #tpu.memory_space<hbm>>, %arg6: memref<640x128xf32, #tpu.memory_space<hbm>>, %arg7: memref<2x10000x128xf32, #tpu.memory_space<hbm>>, %arg8: memref<82x128xi32, #tpu.memory_space<vmem>>, %arg9: memref<128xi32, #tpu.memory_space<vmem>>, %arg10: memref<128xi32, #tpu.memory_space<vmem>>, %arg11: memref<128xi32, #tpu.memory_space<vmem>>, %arg12: memref<128xi32, #tpu.memory_space<vmem>>, %arg13: memref<128xf32, #tpu.memory_space<vmem>>, %arg14: memref<128xf32, #tpu.memory_space<vmem>>, %arg15: memref<128x128xf32, #tpu.memory_space<vmem>>, %arg16: memref<128x128xf32, #tpu.memory_space<vmem>>, %arg17: memref<10000x128xf32, #tpu.memory_space<vmem_shared>>, %arg18: memref<!tpu.dma_semaphore, #tpu.memory_space<semaphore_mem>>, %arg19: memref<!tpu.dma_semaphore, #tpu.memory_space<semaphore_mem>>) attributes {dimension_semantics = [#tpu.dimension_semantics<core_parallel>, #tpu.dimension_semantics<subcore_parallel>], iteration_bounds = array<i64: 2, 16>, scalar_prefetch = 0 : i64, scratch_operands = 12 : i64, tpu.core_type = #tpu.core_type<sc_vector_subcore>, window_params = [{transform_indices = #map}, {transform_indices = #map1}, {transform_indices = #map1}, {transform_indices = #map1}, {transform_indices = #map}, {transform_indices = #map1}]} {
    %mul3A = arith.constant 16 : i32
    %mul3A_0 = arith.muli %arg0, %mul3A : i32
    %add3A = arith.addi %mul3A_0, %arg1 : i32
    "tpu.region"() ({
      %run_scoped3A = tpu.sem_alloc : memref<!tpu.dma_semaphore, #tpu.memory_space<semaphore_mem>>
      %dma_start3A = arith.constant 0 : i32
      %dma_start3A_23 = arith.constant 0 : i32
      %dma_start3A_24 = tpu.memref_slice %arg3[%add3A, %dma_start3A, %dma_start3A_23] : memref<32x82x128xi32, #tpu.memory_space<hbm>> -> memref<1x82x128xi32, #tpu.memory_space<hbm>>
      %dma_start3A_25 = tpu.memref_squeeze %dma_start3A_24 : memref<1x82x128xi32, #tpu.memory_space<hbm>> -> memref<82x128xi32, #tpu.memory_space<hbm>>
      %dma_start3A_26 = arith.constant 0 : i32
      %dma_start3A_27 = arith.constant 0 : i32
      %dma_start3A_28 = tpu.memref_slice %arg3[%add3A, %dma_start3A_26, %dma_start3A_27] : memref<32x82x128xi32, #tpu.memory_space<hbm>> -> memref<1x82x128xi32, #tpu.memory_space<hbm>>
      %dma_start3A_29 = tpu.memref_squeeze %dma_start3A_28 : memref<1x82x128xi32, #tpu.memory_space<hbm>> -> memref<82x128xi32, #tpu.memory_space<hbm>>
      tpu.enqueue_dma source(%dma_start3A_29 : memref<82x128xi32, #tpu.memory_space<hbm>>) target(%arg8 : memref<82x128xi32, #tpu.memory_space<vmem>>) target_semaphore(%run_scoped3A : memref<!tpu.dma_semaphore, #tpu.memory_space<semaphore_mem>>)
      %dma_wait3A = arith.constant 0 : i32
      %dma_wait3A_30 = arith.constant 0 : i32
      %dma_wait3A_31 = tpu.memref_slice %arg3[%add3A, %dma_wait3A, %dma_wait3A_30] : memref<32x82x128xi32, #tpu.memory_space<hbm>> -> memref<1x82x128xi32, #tpu.memory_space<hbm>>
      %dma_wait3A_32 = tpu.memref_squeeze %dma_wait3A_31 : memref<1x82x128xi32, #tpu.memory_space<hbm>> -> memref<82x128xi32, #tpu.memory_space<hbm>>
      %dma_wait3A_33 = arith.constant 0 : i32
      %dma_wait3A_34 = arith.constant 0 : i32
      %dma_wait3A_35 = tpu.memref_slice %arg3[%add3A, %dma_wait3A_33, %dma_wait3A_34] : memref<32x82x128xi32, #tpu.memory_space<hbm>> -> memref<1x82x128xi32, #tpu.memory_space<hbm>>
      %dma_wait3A_36 = tpu.memref_squeeze %dma_wait3A_35 : memref<1x82x128xi32, #tpu.memory_space<hbm>> -> memref<82x128xi32, #tpu.memory_space<hbm>>
      tpu.wait_dma2 semaphore(%run_scoped3A : memref<!tpu.dma_semaphore, #tpu.memory_space<semaphore_mem>>) src(%dma_wait3A_36 : memref<82x128xi32, #tpu.memory_space<hbm>>) dst(%arg8 : memref<82x128xi32, #tpu.memory_space<vmem>>)
      tpu.yield
    }) : () -> ()
    %lt3A = arith.constant 15 : i32
    %lt3A_1 = arith.cmpi slt, %arg1, %lt3A : i32
    %convert_element_type3A = arith.extui %lt3A_1 : i1 to i32
    %cond3A = arith.constant 0 : i32
    %cond3A_2 = arith.cmpi ne, %convert_element_type3A, %cond3A : i32
    scf.if %cond3A_2 {
      %mul3A_23 = arith.constant 640 : i32
      %mul3A_24 = arith.muli %mul3A_23, %arg1 : i32
      "tpu.region"() ({
        %run_scoped3A = tpu.sem_alloc : memref<!tpu.dma_semaphore, #tpu.memory_space<semaphore_mem>>
        %dma_start3A = arith.constant 0 : i32
        %dma_start3A_25 = tpu.memref_slice %arg17[%mul3A_24, %dma_start3A] : memref<10000x128xf32, #tpu.memory_space<vmem_shared>> -> memref<640x128xf32, #tpu.memory_space<vmem_shared>>
        tpu.enqueue_dma source(%arg6 : memref<640x128xf32, #tpu.memory_space<hbm>>) target(%dma_start3A_25 : memref<640x128xf32, #tpu.memory_space<vmem_shared>>) target_semaphore(%run_scoped3A : memref<!tpu.dma_semaphore, #tpu.memory_space<semaphore_mem>>)
        %dma_wait3A = arith.constant 0 : i32
        %dma_wait3A_26 = tpu.memref_slice %arg17[%mul3A_24, %dma_wait3A] : memref<10000x128xf32, #tpu.memory_space<vmem_shared>> -> memref<640x128xf32, #tpu.memory_space<vmem_shared>>
        tpu.wait_dma2 semaphore(%run_scoped3A : memref<!tpu.dma_semaphore, #tpu.memory_space<semaphore_mem>>) src(%arg6 : memref<640x128xf32, #tpu.memory_space<hbm>>) dst(%dma_wait3A_26 : memref<640x128xf32, #tpu.memory_space<vmem_shared>>)
        tpu.yield
      }) : () -> ()
    } else {
    }
    %eq3A = arith.constant 15 : i32
    %eq3A_3 = arith.cmpi eq, %arg1, %eq3A : i32
    %convert_element_type3A_4 = arith.extui %eq3A_3 : i1 to i32
    %cond3A_5 = arith.constant 0 : i32
    %cond3A_6 = arith.cmpi ne, %convert_element_type3A_4, %cond3A_5 : i32
    scf.if %cond3A_6 {
      "tpu.region"() ({
        %run_scoped3A = tpu.sem_alloc : memref<!tpu.dma_semaphore, #tpu.memory_space<semaphore_mem>>
        %dma_start3A = arith.constant 9600 : i32
        %dma_start3A_23 = arith.constant 0 : i32
        %dma_start3A_24 = tpu.memref_slice %arg17[%dma_start3A, %dma_start3A_23] : memref<10000x128xf32, #tpu.memory_space<vmem_shared>> -> memref<400x128xf32, #tpu.memory_space<vmem_shared>>
        %dma_start3A_25 = arith.constant 0 : i32
        %dma_start3A_26 = arith.constant 0 : i32
        %dma_start3A_27 = tpu.memref_slice %arg6[%dma_start3A_25, %dma_start3A_26] : memref<640x128xf32, #tpu.memory_space<hbm>> -> memref<400x128xf32, #tpu.memory_space<hbm>>
        tpu.enqueue_dma source(%dma_start3A_27 : memref<400x128xf32, #tpu.memory_space<hbm>>) target(%dma_start3A_24 : memref<400x128xf32, #tpu.memory_space<vmem_shared>>) target_semaphore(%run_scoped3A : memref<!tpu.dma_semaphore, #tpu.memory_space<semaphore_mem>>)
        %dma_wait3A = arith.constant 9600 : i32
        %dma_wait3A_28 = arith.constant 0 : i32
        %dma_wait3A_29 = tpu.memref_slice %arg17[%dma_wait3A, %dma_wait3A_28] : memref<10000x128xf32, #tpu.memory_space<vmem_shared>> -> memref<400x128xf32, #tpu.memory_space<vmem_shared>>
        %dma_wait3A_30 = arith.constant 0 : i32
        %dma_wait3A_31 = arith.constant 0 : i32
        %dma_wait3A_32 = tpu.memref_slice %arg6[%dma_wait3A_30, %dma_wait3A_31] : memref<640x128xf32, #tpu.memory_space<hbm>> -> memref<400x128xf32, #tpu.memory_space<hbm>>
        tpu.wait_dma2 semaphore(%run_scoped3A : memref<!tpu.dma_semaphore, #tpu.memory_space<semaphore_mem>>) src(%dma_wait3A_32 : memref<400x128xf32, #tpu.memory_space<hbm>>) dst(%dma_wait3A_29 : memref<400x128xf32, #tpu.memory_space<vmem_shared>>)
        tpu.yield
      }) : () -> ()
    } else {
    }
    %barrier3A = arith.constant 0 : index
    tpu.barrier barrier_id(%barrier3A)
    %scan3A = arith.constant 0 : i32
    %scan3A_7 = arith.constant 0 : i32
    %scan3A_8 = arith.constant 41 : i32
    %scan3A_9 = arith.addi %scan3A_7, %scan3A_8 : i32
    %scan3A_10 = arith.constant 1 : i32
    scf.for %scan3A_23 = %scan3A_7 to %scan3A_9 step %scan3A_10  : i32 {
      %mul3A_24 = arith.constant 2 : i32
      %mul3A_25 = arith.muli %mul3A_24, %scan3A_23 : i32
      %mul3A_26 = arith.constant 2 : i32
      %mul3A_27 = arith.muli %mul3A_26, %scan3A_23 : i32
      %add3A_28 = arith.constant 1 : i32
      %add3A_29 = arith.addi %mul3A_27, %add3A_28 : i32
      %get3A = arith.index_cast %mul3A_25 : i32 to index
      %get3A_30 = arith.constant 0 : index
      %get3A_31 = tpu.vector_load %arg8[%get3A, %get3A_30] {strides = array<i32>} : memref<82x128xi32, #tpu.memory_space<vmem>>, vector<16xi32>,
      %swap3A = arith.constant 0 : index
      %swap3A_32 = tpu.vector_load %arg9[%swap3A] {strides = array<i32>} : memref<128xi32, #tpu.memory_space<vmem>>, vector<16xi32>,
      tpu.vector_store %arg9[%swap3A], %get3A_31 {strides = array<i32>} : memref<128xi32, #tpu.memory_space<vmem>>, vector<16xi32>,
      %get3A_33 = arith.index_cast %mul3A_25 : i32 to index
      %get3A_34 = arith.constant 16 : index
      %get3A_35 = tpu.vector_load %arg8[%get3A_33, %get3A_34] {strides = array<i32>} : memref<82x128xi32, #tpu.memory_space<vmem>>, vector<16xi32>,
      %swap3A_36 = arith.constant 16 : index
      %swap3A_37 = tpu.vector_load %arg9[%swap3A_36] {strides = array<i32>} : memref<128xi32, #tpu.memory_space<vmem>>, vector<16xi32>,
      tpu.vector_store %arg9[%swap3A_36], %get3A_35 {strides = array<i32>} : memref<128xi32, #tpu.memory_space<vmem>>, vector<16xi32>,
      %get3A_38 = arith.index_cast %mul3A_25 : i32 to index
      %get3A_39 = arith.constant 32 : index
      %get3A_40 = tpu.vector_load %arg8[%get3A_38, %get3A_39] {strides = array<i32>} : memref<82x128xi32, #tpu.memory_space<vmem>>, vector<16xi32>,
      %swap3A_41 = arith.constant 32 : index
      %swap3A_42 = tpu.vector_load %arg9[%swap3A_41] {strides = array<i32>} : memref<128xi32, #tpu.memory_space<vmem>>, vector<16xi32>,
      tpu.vector_store %arg9[%swap3A_41], %get3A_40 {strides = array<i32>} : memref<128xi32, #tpu.memory_space<vmem>>, vector<16xi32>,
      %get3A_43 = arith.index_cast %mul3A_25 : i32 to index
      %get3A_44 = arith.constant 48 : index
      %get3A_45 = tpu.vector_load %arg8[%get3A_43, %get3A_44] {strides = array<i32>} : memref<82x128xi32, #tpu.memory_space<vmem>>, vector<16xi32>,
      %swap3A_46 = arith.constant 48 : index
      %swap3A_47 = tpu.vector_load %arg9[%swap3A_46] {strides = array<i32>} : memref<128xi32, #tpu.memory_space<vmem>>, vector<16xi32>,
      tpu.vector_store %arg9[%swap3A_46], %get3A_45 {strides = array<i32>} : memref<128xi32, #tpu.memory_space<vmem>>, vector<16xi32>,
      %get3A_48 = arith.index_cast %mul3A_25 : i32 to index
      %get3A_49 = arith.constant 64 : index
      %get3A_50 = tpu.vector_load %arg8[%get3A_48, %get3A_49] {strides = array<i32>} : memref<82x128xi32, #tpu.memory_space<vmem>>, vector<16xi32>,
      %swap3A_51 = arith.constant 64 : index
      %swap3A_52 = tpu.vector_load %arg9[%swap3A_51] {strides = array<i32>} : memref<128xi32, #tpu.memory_space<vmem>>, vector<16xi32>,
      tpu.vector_store %arg9[%swap3A_51], %get3A_50 {strides = array<i32>} : memref<128xi32, #tpu.memory_space<vmem>>, vector<16xi32>,
      %get3A_53 = arith.index_cast %mul3A_25 : i32 to index
      %get3A_54 = arith.constant 80 : index
      %get3A_55 = tpu.vector_load %arg8[%get3A_53, %get3A_54] {strides = array<i32>} : memref<82x128xi32, #tpu.memory_space<vmem>>, vector<16xi32>,
      %swap3A_56 = arith.constant 80 : index
      %swap3A_57 = tpu.vector_load %arg9[%swap3A_56] {strides = array<i32>} : memref<128xi32, #tpu.memory_space<vmem>>, vector<16xi32>,
      tpu.vector_store %arg9[%swap3A_56], %get3A_55 {strides = array<i32>} : memref<128xi32, #tpu.memory_space<vmem>>, vector<16xi32>,
      %get3A_58 = arith.index_cast %mul3A_25 : i32 to index
      %get3A_59 = arith.constant 96 : index
      %get3A_60 = tpu.vector_load %arg8[%get3A_58, %get3A_59] {strides = array<i32>} : memref<82x128xi32, #tpu.memory_space<vmem>>, vector<16xi32>,
      %swap3A_61 = arith.constant 96 : index
      %swap3A_62 = tpu.vector_load %arg9[%swap3A_61] {strides = array<i32>} : memref<128xi32, #tpu.memory_space<vmem>>, vector<16xi32>,
      tpu.vector_store %arg9[%swap3A_61], %get3A_60 {strides = array<i32>} : memref<128xi32, #tpu.memory_space<vmem>>, vector<16xi32>,
      %get3A_63 = arith.index_cast %mul3A_25 : i32 to index
      %get3A_64 = arith.constant 112 : index
      %get3A_65 = tpu.vector_load %arg8[%get3A_63, %get3A_64] {strides = array<i32>} : memref<82x128xi32, #tpu.memory_space<vmem>>, vector<16xi32>,
      %swap3A_66 = arith.constant 112 : index
      %swap3A_67 = tpu.vector_load %arg9[%swap3A_66] {strides = array<i32>} : memref<128xi32, #tpu.memory_space<vmem>>, vector<16xi32>,
      tpu.vector_store %arg9[%swap3A_66], %get3A_65 {strides = array<i32>} : memref<128xi32, #tpu.memory_space<vmem>>, vector<16xi32>,
      %dma_start3A = arith.constant 0 : i32
      %dma_start3A_68 = arith.constant 0 : i32
      %dma_start3A_69 = tpu.memref_slice %arg2[%dma_start3A, %dma_start3A_68] : memref<10000x128xf32, #tpu.memory_space<hbm>> -> memref<10000x128xf32, #tpu.memory_space<hbm>>
      tpu.enqueue_indirect_dma source(%dma_start3A_69 : memref<10000x128xf32, #tpu.memory_space<hbm>>) target(%arg15 : memref<128x128xf32, #tpu.memory_space<vmem>>) offsets(%arg9 : memref<128xi32, #tpu.memory_space<vmem>>) semaphore(%arg18 : memref<!tpu.dma_semaphore, #tpu.memory_space<semaphore_mem>>)
      %dma_start3A_70 = arith.constant 0 : i32
      %dma_start3A_71 = tpu.memref_slice %arg4[%add3A, %mul3A_25, %dma_start3A_70] : memref<32x82x128xi32, #tpu.memory_space<hbm>> -> memref<1x1x128xi32, #tpu.memory_space<hbm>>
      %dma_start3A_72 = tpu.memref_squeeze %dma_start3A_71 : memref<1x1x128xi32, #tpu.memory_space<hbm>> -> memref<128xi32, #tpu.memory_space<hbm>>
      %dma_start3A_73 = arith.constant 0 : i32
      %dma_start3A_74 = tpu.memref_slice %arg4[%add3A, %mul3A_25, %dma_start3A_73] : memref<32x82x128xi32, #tpu.memory_space<hbm>> -> memref<1x1x128xi32, #tpu.memory_space<hbm>>
      %dma_start3A_75 = tpu.memref_squeeze %dma_start3A_74 : memref<1x1x128xi32, #tpu.memory_space<hbm>> -> memref<128xi32, #tpu.memory_space<hbm>>
      tpu.enqueue_dma source(%dma_start3A_75 : memref<128xi32, #tpu.memory_space<hbm>>) target(%arg11 : memref<128xi32, #tpu.memory_space<vmem>>) target_semaphore(%arg18 : memref<!tpu.dma_semaphore, #tpu.memory_space<semaphore_mem>>)
      %dma_start3A_76 = arith.constant 0 : i32
      %dma_start3A_77 = tpu.memref_slice %arg5[%add3A, %mul3A_25, %dma_start3A_76] : memref<32x82x128xf32, #tpu.memory_space<hbm>> -> memref<1x1x128xf32, #tpu.memory_space<hbm>>
      %dma_start3A_78 = tpu.memref_squeeze %dma_start3A_77 : memref<1x1x128xf32, #tpu.memory_space<hbm>> -> memref<128xf32, #tpu.memory_space<hbm>>
      %dma_start3A_79 = arith.constant 0 : i32
      %dma_start3A_80 = tpu.memref_slice %arg5[%add3A, %mul3A_25, %dma_start3A_79] : memref<32x82x128xf32, #tpu.memory_space<hbm>> -> memref<1x1x128xf32, #tpu.memory_space<hbm>>
      %dma_start3A_81 = tpu.memref_squeeze %dma_start3A_80 : memref<1x1x128xf32, #tpu.memory_space<hbm>> -> memref<128xf32, #tpu.memory_space<hbm>>
      tpu.enqueue_dma source(%dma_start3A_81 : memref<128xf32, #tpu.memory_space<hbm>>) target(%arg13 : memref<128xf32, #tpu.memory_space<vmem>>) target_semaphore(%arg18 : memref<!tpu.dma_semaphore, #tpu.memory_space<semaphore_mem>>)
      %dma_wait3A = arith.constant 0 : i32
      %dma_wait3A_82 = arith.constant 0 : i32
      %dma_wait3A_83 = tpu.memref_slice %arg2[%dma_wait3A, %dma_wait3A_82] : memref<10000x128xf32, #tpu.memory_space<hbm>> -> memref<10000x128xf32, #tpu.memory_space<hbm>>
      tpu.wait_indirect_dma semaphore(%arg18 : memref<!tpu.dma_semaphore, #tpu.memory_space<semaphore_mem>>) src(%dma_wait3A_83 : memref<10000x128xf32, #tpu.memory_space<hbm>>) dst(%arg15 : memref<128x128xf32, #tpu.memory_space<vmem>>)
      %dma_wait3A_84 = arith.constant 0 : i32
      %dma_wait3A_85 = tpu.memref_slice %arg4[%add3A, %mul3A_25, %dma_wait3A_84] : memref<32x82x128xi32, #tpu.memory_space<hbm>> -> memref<1x1x128xi32, #tpu.memory_space<hbm>>
      %dma_wait3A_86 = tpu.memref_squeeze %dma_wait3A_85 : memref<1x1x128xi32, #tpu.memory_space<hbm>> -> memref<128xi32, #tpu.memory_space<hbm>>
      %dma_wait3A_87 = arith.constant 0 : i32
      %dma_wait3A_88 = tpu.memref_slice %arg4[%add3A, %mul3A_25, %dma_wait3A_87] : memref<32x82x128xi32, #tpu.memory_space<hbm>> -> memref<1x1x128xi32, #tpu.memory_space<hbm>>
      %dma_wait3A_89 = tpu.memref_squeeze %dma_wait3A_88 : memref<1x1x128xi32, #tpu.memory_space<hbm>> -> memref<128xi32, #tpu.memory_space<hbm>>
      tpu.wait_dma2 semaphore(%arg18 : memref<!tpu.dma_semaphore, #tpu.memory_space<semaphore_mem>>) src(%dma_wait3A_89 : memref<128xi32, #tpu.memory_space<hbm>>) dst(%arg11 : memref<128xi32, #tpu.memory_space<vmem>>)
      %dma_wait3A_90 = arith.constant 0 : i32
      %dma_wait3A_91 = tpu.memref_slice %arg5[%add3A, %mul3A_25, %dma_wait3A_90] : memref<32x82x128xf32, #tpu.memory_space<hbm>> -> memref<1x1x128xf32, #tpu.memory_space<hbm>>
      %dma_wait3A_92 = tpu.memref_squeeze %dma_wait3A_91 : memref<1x1x128xf32, #tpu.memory_space<hbm>> -> memref<128xf32, #tpu.memory_space<hbm>>
      %dma_wait3A_93 = arith.constant 0 : i32
      %dma_wait3A_94 = tpu.memref_slice %arg5[%add3A, %mul3A_25, %dma_wait3A_93] : memref<32x82x128xf32, #tpu.memory_space<hbm>> -> memref<1x1x128xf32, #tpu.memory_space<hbm>>
      %dma_wait3A_95 = tpu.memref_squeeze %dma_wait3A_94 : memref<1x1x128xf32, #tpu.memory_space<hbm>> -> memref<128xf32, #tpu.memory_space<hbm>>
      tpu.wait_dma2 semaphore(%arg18 : memref<!tpu.dma_semaphore, #tpu.memory_space<semaphore_mem>>) src(%dma_wait3A_95 : memref<128xf32, #tpu.memory_space<hbm>>) dst(%arg13 : memref<128xf32, #tpu.memory_space<vmem>>)
      %get3A_96 = arith.index_cast %add3A_29 : i32 to index
      %get3A_97 = arith.constant 0 : index
      %get3A_98 = tpu.vector_load %arg8[%get3A_96, %get3A_97] {strides = array<i32>} : memref<82x128xi32, #tpu.memory_space<vmem>>, vector<16xi32>,
      %swap3A_99 = arith.constant 0 : index
      %swap3A_100 = tpu.vector_load %arg10[%swap3A_99] {strides = array<i32>} : memref<128xi32, #tpu.memory_space<vmem>>, vector<16xi32>,
      tpu.vector_store %arg10[%swap3A_99], %get3A_98 {strides = array<i32>} : memref<128xi32, #tpu.memory_space<vmem>>, vector<16xi32>,
      %get3A_101 = arith.index_cast %add3A_29 : i32 to index
      %get3A_102 = arith.constant 16 : index
      %get3A_103 = tpu.vector_load %arg8[%get3A_101, %get3A_102] {strides = array<i32>} : memref<82x128xi32, #tpu.memory_space<vmem>>, vector<16xi32>,
      %swap3A_104 = arith.constant 16 : index
      %swap3A_105 = tpu.vector_load %arg10[%swap3A_104] {strides = array<i32>} : memref<128xi32, #tpu.memory_space<vmem>>, vector<16xi32>,
      tpu.vector_store %arg10[%swap3A_104], %get3A_103 {strides = array<i32>} : memref<128xi32, #tpu.memory_space<vmem>>, vector<16xi32>,
      %get3A_106 = arith.index_cast %add3A_29 : i32 to index
      %get3A_107 = arith.constant 32 : index
      %get3A_108 = tpu.vector_load %arg8[%get3A_106, %get3A_107] {strides = array<i32>} : memref<82x128xi32, #tpu.memory_space<vmem>>, vector<16xi32>,
      %swap3A_109 = arith.constant 32 : index
      %swap3A_110 = tpu.vector_load %arg10[%swap3A_109] {strides = array<i32>} : memref<128xi32, #tpu.memory_space<vmem>>, vector<16xi32>,
      tpu.vector_store %arg10[%swap3A_109], %get3A_108 {strides = array<i32>} : memref<128xi32, #tpu.memory_space<vmem>>, vector<16xi32>,
      %get3A_111 = arith.index_cast %add3A_29 : i32 to index
      %get3A_112 = arith.constant 48 : index
      %get3A_113 = tpu.vector_load %arg8[%get3A_111, %get3A_112] {strides = array<i32>} : memref<82x128xi32, #tpu.memory_space<vmem>>, vector<16xi32>,
      %swap3A_114 = arith.constant 48 : index
      %swap3A_115 = tpu.vector_load %arg10[%swap3A_114] {strides = array<i32>} : memref<128xi32, #tpu.memory_space<vmem>>, vector<16xi32>,
      tpu.vector_store %arg10[%swap3A_114], %get3A_113 {strides = array<i32>} : memref<128xi32, #tpu.memory_space<vmem>>, vector<16xi32>,
      %get3A_116 = arith.index_cast %add3A_29 : i32 to index
      %get3A_117 = arith.constant 64 : index
      %get3A_118 = tpu.vector_load %arg8[%get3A_116, %get3A_117] {strides = array<i32>} : memref<82x128xi32, #tpu.memory_space<vmem>>, vector<16xi32>,
      %swap3A_119 = arith.constant 64 : index
      %swap3A_120 = tpu.vector_load %arg10[%swap3A_119] {strides = array<i32>} : memref<128xi32, #tpu.memory_space<vmem>>, vector<16xi32>,
      tpu.vector_store %arg10[%swap3A_119], %get3A_118 {strides = array<i32>} : memref<128xi32, #tpu.memory_space<vmem>>, vector<16xi32>,
      %get3A_121 = arith.index_cast %add3A_29 : i32 to index
      %get3A_122 = arith.constant 80 : index
      %get3A_123 = tpu.vector_load %arg8[%get3A_121, %get3A_122] {strides = array<i32>} : memref<82x128xi32, #tpu.memory_space<vmem>>, vector<16xi32>,
      %swap3A_124 = arith.constant 80 : index
      %swap3A_125 = tpu.vector_load %arg10[%swap3A_124] {strides = array<i32>} : memref<128xi32, #tpu.memory_space<vmem>>, vector<16xi32>,
      tpu.vector_store %arg10[%swap3A_124], %get3A_123 {strides = array<i32>} : memref<128xi32, #tpu.memory_space<vmem>>, vector<16xi32>,
      %get3A_126 = arith.index_cast %add3A_29 : i32 to index
      %get3A_127 = arith.constant 96 : index
      %get3A_128 = tpu.vector_load %arg8[%get3A_126, %get3A_127] {strides = array<i32>} : memref<82x128xi32, #tpu.memory_space<vmem>>, vector<16xi32>,
      %swap3A_129 = arith.constant 96 : index
      %swap3A_130 = tpu.vector_load %arg10[%swap3A_129] {strides = array<i32>} : memref<128xi32, #tpu.memory_space<vmem>>, vector<16xi32>,
      tpu.vector_store %arg10[%swap3A_129], %get3A_128 {strides = array<i32>} : memref<128xi32, #tpu.memory_space<vmem>>, vector<16xi32>,
      %get3A_131 = arith.index_cast %add3A_29 : i32 to index
      %get3A_132 = arith.constant 112 : index
      %get3A_133 = tpu.vector_load %arg8[%get3A_131, %get3A_132] {strides = array<i32>} : memref<82x128xi32, #tpu.memory_space<vmem>>, vector<16xi32>,
      %swap3A_134 = arith.constant 112 : index
      %swap3A_135 = tpu.vector_load %arg10[%swap3A_134] {strides = array<i32>} : memref<128xi32, #tpu.memory_space<vmem>>, vector<16xi32>,
      tpu.vector_store %arg10[%swap3A_134], %get3A_133 {strides = array<i32>} : memref<128xi32, #tpu.memory_space<vmem>>, vector<16xi32>,
      %dma_start3A_136 = arith.constant 0 : i32
      %dma_start3A_137 = arith.constant 0 : i32
      %dma_start3A_138 = tpu.memref_slice %arg2[%dma_start3A_136, %dma_start3A_137] : memref<10000x128xf32, #tpu.memory_space<hbm>> -> memref<10000x128xf32, #tpu.memory_space<hbm>>
      tpu.enqueue_indirect_dma source(%dma_start3A_138 : memref<10000x128xf32, #tpu.memory_space<hbm>>) target(%arg16 : memref<128x128xf32, #tpu.memory_space<vmem>>) offsets(%arg10 : memref<128xi32, #tpu.memory_space<vmem>>) semaphore(%arg19 : memref<!tpu.dma_semaphore, #tpu.memory_space<semaphore_mem>>)
      %dma_start3A_139 = arith.constant 0 : i32
      %dma_start3A_140 = tpu.memref_slice %arg4[%add3A, %add3A_29, %dma_start3A_139] : memref<32x82x128xi32, #tpu.memory_space<hbm>> -> memref<1x1x128xi32, #tpu.memory_space<hbm>>
      %dma_start3A_141 = tpu.memref_squeeze %dma_start3A_140 : memref<1x1x128xi32, #tpu.memory_space<hbm>> -> memref<128xi32, #tpu.memory_space<hbm>>
      %dma_start3A_142 = arith.constant 0 : i32
      %dma_start3A_143 = tpu.memref_slice %arg4[%add3A, %add3A_29, %dma_start3A_142] : memref<32x82x128xi32, #tpu.memory_space<hbm>> -> memref<1x1x128xi32, #tpu.memory_space<hbm>>
      %dma_start3A_144 = tpu.memref_squeeze %dma_start3A_143 : memref<1x1x128xi32, #tpu.memory_space<hbm>> -> memref<128xi32, #tpu.memory_space<hbm>>
      tpu.enqueue_dma source(%dma_start3A_144 : memref<128xi32, #tpu.memory_space<hbm>>) target(%arg12 : memref<128xi32, #tpu.memory_space<vmem>>) target_semaphore(%arg19 : memref<!tpu.dma_semaphore, #tpu.memory_space<semaphore_mem>>)
      %dma_start3A_145 = arith.constant 0 : i32
      %dma_start3A_146 = tpu.memref_slice %arg5[%add3A, %add3A_29, %dma_start3A_145] : memref<32x82x128xf32, #tpu.memory_space<hbm>> -> memref<1x1x128xf32, #tpu.memory_space<hbm>>
      %dma_start3A_147 = tpu.memref_squeeze %dma_start3A_146 : memref<1x1x128xf32, #tpu.memory_space<hbm>> -> memref<128xf32, #tpu.memory_space<hbm>>
      %dma_start3A_148 = arith.constant 0 : i32
      %dma_start3A_149 = tpu.memref_slice %arg5[%add3A, %add3A_29, %dma_start3A_148] : memref<32x82x128xf32, #tpu.memory_space<hbm>> -> memref<1x1x128xf32, #tpu.memory_space<hbm>>
      %dma_start3A_150 = tpu.memref_squeeze %dma_start3A_149 : memref<1x1x128xf32, #tpu.memory_space<hbm>> -> memref<128xf32, #tpu.memory_space<hbm>>
      tpu.enqueue_dma source(%dma_start3A_150 : memref<128xf32, #tpu.memory_space<hbm>>) target(%arg14 : memref<128xf32, #tpu.memory_space<vmem>>) target_semaphore(%arg19 : memref<!tpu.dma_semaphore, #tpu.memory_space<semaphore_mem>>)
      %scan3A_151 = arith.constant 0 : i32
      %scan3A_152 = arith.constant 0 : i32
      %scan3A_153 = arith.constant 128 : i32
      %scan3A_154 = arith.addi %scan3A_152, %scan3A_153 : i32
      %scan3A_155 = arith.constant 1 : i32
      scf.for %scan3A_178 = %scan3A_152 to %scan3A_154 step %scan3A_155  : i32 {
        %broadcast_in_dim3A = arith.constant 0 : i32
        %broadcast_in_dim3A_179 = vector.broadcast %broadcast_in_dim3A : i32 to vector<16xi32>
        %add3A_180 = vector.broadcast %scan3A_178 : i32 to vector<16xi32>
        %add3A_181 = arith.addi %broadcast_in_dim3A_179, %add3A_180 : vector<16xi32>
        %gather3A = tpu.vector_load_idx %arg13[%add3A_181] : memref<128xf32, #tpu.memory_space<vmem>>[vector<16xi32>], vector<16xf32>,
        %get3A_182 = arith.index_cast %scan3A_178 : i32 to index
        %get3A_183 = arith.constant 0 : index
        %get3A_184 = tpu.vector_load %arg15[%get3A_182, %get3A_183] {strides = array<i32>} : memref<128x128xf32, #tpu.memory_space<vmem>>, vector<16xf32>,
        %mul3A_185 = arith.mulf %get3A_184, %gather3A : vector<16xf32>
        %swap3A_186 = arith.index_cast %scan3A_178 : i32 to index
        %swap3A_187 = arith.constant 0 : index
        %swap3A_188 = tpu.vector_load %arg15[%swap3A_186, %swap3A_187] {strides = array<i32>} : memref<128x128xf32, #tpu.memory_space<vmem>>, vector<16xf32>,
        tpu.vector_store %arg15[%swap3A_186, %swap3A_187], %mul3A_185 {strides = array<i32>} : memref<128x128xf32, #tpu.memory_space<vmem>>, vector<16xf32>,
        %get3A_189 = arith.index_cast %scan3A_178 : i32 to index
        %get3A_190 = arith.constant 16 : index
        %get3A_191 = tpu.vector_load %arg15[%get3A_189, %get3A_190] {strides = array<i32>} : memref<128x128xf32, #tpu.memory_space<vmem>>, vector<16xf32>,
        %mul3A_192 = arith.mulf %get3A_191, %gather3A : vector<16xf32>
        %swap3A_193 = arith.index_cast %scan3A_178 : i32 to index
        %swap3A_194 = arith.constant 16 : index
        %swap3A_195 = tpu.vector_load %arg15[%swap3A_193, %swap3A_194] {strides = array<i32>} : memref<128x128xf32, #tpu.memory_space<vmem>>, vector<16xf32>,
        tpu.vector_store %arg15[%swap3A_193, %swap3A_194], %mul3A_192 {strides = array<i32>} : memref<128x128xf32, #tpu.memory_space<vmem>>, vector<16xf32>,
        %get3A_196 = arith.index_cast %scan3A_178 : i32 to index
        %get3A_197 = arith.constant 32 : index
        %get3A_198 = tpu.vector_load %arg15[%get3A_196, %get3A_197] {strides = array<i32>} : memref<128x128xf32, #tpu.memory_space<vmem>>, vector<16xf32>,
        %mul3A_199 = arith.mulf %get3A_198, %gather3A : vector<16xf32>
        %swap3A_200 = arith.index_cast %scan3A_178 : i32 to index
        %swap3A_201 = arith.constant 32 : index
        %swap3A_202 = tpu.vector_load %arg15[%swap3A_200, %swap3A_201] {strides = array<i32>} : memref<128x128xf32, #tpu.memory_space<vmem>>, vector<16xf32>,
        tpu.vector_store %arg15[%swap3A_200, %swap3A_201], %mul3A_199 {strides = array<i32>} : memref<128x128xf32, #tpu.memory_space<vmem>>, vector<16xf32>,
        %get3A_203 = arith.index_cast %scan3A_178 : i32 to index
        %get3A_204 = arith.constant 48 : index
        %get3A_205 = tpu.vector_load %arg15[%get3A_203, %get3A_204] {strides = array<i32>} : memref<128x128xf32, #tpu.memory_space<vmem>>, vector<16xf32>,
        %mul3A_206 = arith.mulf %get3A_205, %gather3A : vector<16xf32>
        %swap3A_207 = arith.index_cast %scan3A_178 : i32 to index
        %swap3A_208 = arith.constant 48 : index
        %swap3A_209 = tpu.vector_load %arg15[%swap3A_207, %swap3A_208] {strides = array<i32>} : memref<128x128xf32, #tpu.memory_space<vmem>>, vector<16xf32>,
        tpu.vector_store %arg15[%swap3A_207, %swap3A_208], %mul3A_206 {strides = array<i32>} : memref<128x128xf32, #tpu.memory_space<vmem>>, vector<16xf32>,
        %get3A_210 = arith.index_cast %scan3A_178 : i32 to index
        %get3A_211 = arith.constant 64 : index
        %get3A_212 = tpu.vector_load %arg15[%get3A_210, %get3A_211] {strides = array<i32>} : memref<128x128xf32, #tpu.memory_space<vmem>>, vector<16xf32>,
        %mul3A_213 = arith.mulf %get3A_212, %gather3A : vector<16xf32>
        %swap3A_214 = arith.index_cast %scan3A_178 : i32 to index
        %swap3A_215 = arith.constant 64 : index
        %swap3A_216 = tpu.vector_load %arg15[%swap3A_214, %swap3A_215] {strides = array<i32>} : memref<128x128xf32, #tpu.memory_space<vmem>>, vector<16xf32>,
        tpu.vector_store %arg15[%swap3A_214, %swap3A_215], %mul3A_213 {strides = array<i32>} : memref<128x128xf32, #tpu.memory_space<vmem>>, vector<16xf32>,
        %get3A_217 = arith.index_cast %scan3A_178 : i32 to index
        %get3A_218 = arith.constant 80 : index
        %get3A_219 = tpu.vector_load %arg15[%get3A_217, %get3A_218] {strides = array<i32>} : memref<128x128xf32, #tpu.memory_space<vmem>>, vector<16xf32>,
        %mul3A_220 = arith.mulf %get3A_219, %gather3A : vector<16xf32>
        %swap3A_221 = arith.index_cast %scan3A_178 : i32 to index
        %swap3A_222 = arith.constant 80 : index
        %swap3A_223 = tpu.vector_load %arg15[%swap3A_221, %swap3A_222] {strides = array<i32>} : memref<128x128xf32, #tpu.memory_space<vmem>>, vector<16xf32>,
        tpu.vector_store %arg15[%swap3A_221, %swap3A_222], %mul3A_220 {strides = array<i32>} : memref<128x128xf32, #tpu.memory_space<vmem>>, vector<16xf32>,
        %get3A_224 = arith.index_cast %scan3A_178 : i32 to index
        %get3A_225 = arith.constant 96 : index
        %get3A_226 = tpu.vector_load %arg15[%get3A_224, %get3A_225] {strides = array<i32>} : memref<128x128xf32, #tpu.memory_space<vmem>>, vector<16xf32>,
        %mul3A_227 = arith.mulf %get3A_226, %gather3A : vector<16xf32>
        %swap3A_228 = arith.index_cast %scan3A_178 : i32 to index
        %swap3A_229 = arith.constant 96 : index
        %swap3A_230 = tpu.vector_load %arg15[%swap3A_228, %swap3A_229] {strides = array<i32>} : memref<128x128xf32, #tpu.memory_space<vmem>>, vector<16xf32>,
        tpu.vector_store %arg15[%swap3A_228, %swap3A_229], %mul3A_227 {strides = array<i32>} : memref<128x128xf32, #tpu.memory_space<vmem>>, vector<16xf32>,
        %get3A_231 = arith.index_cast %scan3A_178 : i32 to index
        %get3A_232 = arith.constant 112 : index
        %get3A_233 = tpu.vector_load %arg15[%get3A_231, %get3A_232] {strides = array<i32>} : memref<128x128xf32, #tpu.memory_space<vmem>>, vector<16xf32>,
        %mul3A_234 = arith.mulf %get3A_233, %gather3A : vector<16xf32>
        %swap3A_235 = arith.index_cast %scan3A_178 : i32 to index
        %swap3A_236 = arith.constant 112 : index
        %swap3A_237 = tpu.vector_load %arg15[%swap3A_235, %swap3A_236] {strides = array<i32>} : memref<128x128xf32, #tpu.memory_space<vmem>>, vector<16xf32>,
        tpu.vector_store %arg15[%swap3A_235, %swap3A_236], %mul3A_234 {strides = array<i32>} : memref<128x128xf32, #tpu.memory_space<vmem>>, vector<16xf32>,
      }
      %scan3A_156 = arith.constant 128 : i32
      "tpu.region"() ({
        %run_scoped3A = tpu.sem_alloc : memref<!tpu.dma_semaphore, #tpu.memory_space<semaphore_mem>>
        %dma_start3A_178 = arith.constant 0 : i32
        %dma_start3A_179 = arith.constant 0 : i32
        %dma_start3A_180 = tpu.memref_slice %arg17[%dma_start3A_178, %dma_start3A_179] : memref<10000x128xf32, #tpu.memory_space<vmem_shared>> -> memref<10000x128xf32, #tpu.memory_space<vmem_shared>>
        tpu.enqueue_indirect_dma source(%arg15 : memref<128x128xf32, #tpu.memory_space<vmem>>) target(%dma_start3A_180 : memref<10000x128xf32, #tpu.memory_space<vmem_shared>>) offsets(%arg11 : memref<128xi32, #tpu.memory_space<vmem>>) semaphore(%run_scoped3A : memref<!tpu.dma_semaphore, #tpu.memory_space<semaphore_mem>>) {add = true}
        %dma_wait3A_181 = arith.constant 0 : i32
        %dma_wait3A_182 = arith.constant 0 : i32
        %dma_wait3A_183 = tpu.memref_slice %arg17[%dma_wait3A_181, %dma_wait3A_182] : memref<10000x128xf32, #tpu.memory_space<vmem_shared>> -> memref<10000x128xf32, #tpu.memory_space<vmem_shared>>
        tpu.wait_indirect_dma semaphore(%run_scoped3A : memref<!tpu.dma_semaphore, #tpu.memory_space<semaphore_mem>>) src(%arg15 : memref<128x128xf32, #tpu.memory_space<vmem>>) dst(%dma_wait3A_183 : memref<10000x128xf32, #tpu.memory_space<vmem_shared>>)
        tpu.yield
      }) : () -> ()
      %dma_wait3A_157 = arith.constant 0 : i32
      %dma_wait3A_158 = arith.constant 0 : i32
      %dma_wait3A_159 = tpu.memref_slice %arg2[%dma_wait3A_157, %dma_wait3A_158] : memref<10000x128xf32, #tpu.memory_space<hbm>> -> memref<10000x128xf32, #tpu.memory_space<hbm>>
      tpu.wait_indirect_dma semaphore(%arg19 : memref<!tpu.dma_semaphore, #tpu.memory_space<semaphore_mem>>) src(%dma_wait3A_159 : memref<10000x128xf32, #tpu.memory_space<hbm>>) dst(%arg16 : memref<128x128xf32, #tpu.memory_space<vmem>>)
      %dma_wait3A_160 = arith.constant 0 : i32
      %dma_wait3A_161 = tpu.memref_slice %arg4[%add3A, %add3A_29, %dma_wait3A_160] : memref<32x82x128xi32, #tpu.memory_space<hbm>> -> memref<1x1x128xi32, #tpu.memory_space<hbm>>
      %dma_wait3A_162 = tpu.memref_squeeze %dma_wait3A_161 : memref<1x1x128xi32, #tpu.memory_space<hbm>> -> memref<128xi32, #tpu.memory_space<hbm>>
      %dma_wait3A_163 = arith.constant 0 : i32
      %dma_wait3A_164 = tpu.memref_slice %arg4[%add3A, %add3A_29, %dma_wait3A_163] : memref<32x82x128xi32, #tpu.memory_space<hbm>> -> memref<1x1x128xi32, #tpu.memory_space<hbm>>
      %dma_wait3A_165 = tpu.memref_squeeze %dma_wait3A_164 : memref<1x1x128xi32, #tpu.memory_space<hbm>> -> memref<128xi32, #tpu.memory_space<hbm>>
      tpu.wait_dma2 semaphore(%arg19 : memref<!tpu.dma_semaphore, #tpu.memory_space<semaphore_mem>>) src(%dma_wait3A_165 : memref<128xi32, #tpu.memory_space<hbm>>) dst(%arg12 : memref<128xi32, #tpu.memory_space<vmem>>)
      %dma_wait3A_166 = arith.constant 0 : i32
      %dma_wait3A_167 = tpu.memref_slice %arg5[%add3A, %add3A_29, %dma_wait3A_166] : memref<32x82x128xf32, #tpu.memory_space<hbm>> -> memref<1x1x128xf32, #tpu.memory_space<hbm>>
      %dma_wait3A_168 = tpu.memref_squeeze %dma_wait3A_167 : memref<1x1x128xf32, #tpu.memory_space<hbm>> -> memref<128xf32, #tpu.memory_space<hbm>>
      %dma_wait3A_169 = arith.constant 0 : i32
      %dma_wait3A_170 = tpu.memref_slice %arg5[%add3A, %add3A_29, %dma_wait3A_169] : memref<32x82x128xf32, #tpu.memory_space<hbm>> -> memref<1x1x128xf32, #tpu.memory_space<hbm>>
      %dma_wait3A_171 = tpu.memref_squeeze %dma_wait3A_170 : memref<1x1x128xf32, #tpu.memory_space<hbm>> -> memref<128xf32, #tpu.memory_space<hbm>>
      tpu.wait_dma2 semaphore(%arg19 : memref<!tpu.dma_semaphore, #tpu.memory_space<semaphore_mem>>) src(%dma_wait3A_171 : memref<128xf32, #tpu.memory_space<hbm>>) dst(%arg14 : memref<128xf32, #tpu.memory_space<vmem>>)
      %scan3A_172 = arith.constant 0 : i32
      %scan3A_173 = arith.constant 0 : i32
      %scan3A_174 = arith.constant 128 : i32
      %scan3A_175 = arith.addi %scan3A_173, %scan3A_174 : i32
      %scan3A_176 = arith.constant 1 : i32
      scf.for %scan3A_178 = %scan3A_173 to %scan3A_175 step %scan3A_176  : i32 {
        %broadcast_in_dim3A = arith.constant 0 : i32
        %broadcast_in_dim3A_179 = vector.broadcast %broadcast_in_dim3A : i32 to vector<16xi32>
        %add3A_180 = vector.broadcast %scan3A_178 : i32 to vector<16xi32>
        %add3A_181 = arith.addi %broadcast_in_dim3A_179, %add3A_180 : vector<16xi32>
        %gather3A = tpu.vector_load_idx %arg14[%add3A_181] : memref<128xf32, #tpu.memory_space<vmem>>[vector<16xi32>], vector<16xf32>,
        %get3A_182 = arith.index_cast %scan3A_178 : i32 to index
        %get3A_183 = arith.constant 0 : index
        %get3A_184 = tpu.vector_load %arg16[%get3A_182, %get3A_183] {strides = array<i32>} : memref<128x128xf32, #tpu.memory_space<vmem>>, vector<16xf32>,
        %mul3A_185 = arith.mulf %get3A_184, %gather3A : vector<16xf32>
        %swap3A_186 = arith.index_cast %scan3A_178 : i32 to index
        %swap3A_187 = arith.constant 0 : index
        %swap3A_188 = tpu.vector_load %arg16[%swap3A_186, %swap3A_187] {strides = array<i32>} : memref<128x128xf32, #tpu.memory_space<vmem>>, vector<16xf32>,
        tpu.vector_store %arg16[%swap3A_186, %swap3A_187], %mul3A_185 {strides = array<i32>} : memref<128x128xf32, #tpu.memory_space<vmem>>, vector<16xf32>,
        %get3A_189 = arith.index_cast %scan3A_178 : i32 to index
        %get3A_190 = arith.constant 16 : index
        %get3A_191 = tpu.vector_load %arg16[%get3A_189, %get3A_190] {strides = array<i32>} : memref<128x128xf32, #tpu.memory_space<vmem>>, vector<16xf32>,
        %mul3A_192 = arith.mulf %get3A_191, %gather3A : vector<16xf32>
        %swap3A_193 = arith.index_cast %scan3A_178 : i32 to index
        %swap3A_194 = arith.constant 16 : index
        %swap3A_195 = tpu.vector_load %arg16[%swap3A_193, %swap3A_194] {strides = array<i32>} : memref<128x128xf32, #tpu.memory_space<vmem>>, vector<16xf32>,
        tpu.vector_store %arg16[%swap3A_193, %swap3A_194], %mul3A_192 {strides = array<i32>} : memref<128x128xf32, #tpu.memory_space<vmem>>, vector<16xf32>,
        %get3A_196 = arith.index_cast %scan3A_178 : i32 to index
        %get3A_197 = arith.constant 32 : index
        %get3A_198 = tpu.vector_load %arg16[%get3A_196, %get3A_197] {strides = array<i32>} : memref<128x128xf32, #tpu.memory_space<vmem>>, vector<16xf32>,
        %mul3A_199 = arith.mulf %get3A_198, %gather3A : vector<16xf32>
        %swap3A_200 = arith.index_cast %scan3A_178 : i32 to index
        %swap3A_201 = arith.constant 32 : index
        %swap3A_202 = tpu.vector_load %arg16[%swap3A_200, %swap3A_201] {strides = array<i32>} : memref<128x128xf32, #tpu.memory_space<vmem>>, vector<16xf32>,
        tpu.vector_store %arg16[%swap3A_200, %swap3A_201], %mul3A_199 {strides = array<i32>} : memref<128x128xf32, #tpu.memory_space<vmem>>, vector<16xf32>,
        %get3A_203 = arith.index_cast %scan3A_178 : i32 to index
        %get3A_204 = arith.constant 48 : index
        %get3A_205 = tpu.vector_load %arg16[%get3A_203, %get3A_204] {strides = array<i32>} : memref<128x128xf32, #tpu.memory_space<vmem>>, vector<16xf32>,
        %mul3A_206 = arith.mulf %get3A_205, %gather3A : vector<16xf32>
        %swap3A_207 = arith.index_cast %scan3A_178 : i32 to index
        %swap3A_208 = arith.constant 48 : index
        %swap3A_209 = tpu.vector_load %arg16[%swap3A_207, %swap3A_208] {strides = array<i32>} : memref<128x128xf32, #tpu.memory_space<vmem>>, vector<16xf32>,
        tpu.vector_store %arg16[%swap3A_207, %swap3A_208], %mul3A_206 {strides = array<i32>} : memref<128x128xf32, #tpu.memory_space<vmem>>, vector<16xf32>,
        %get3A_210 = arith.index_cast %scan3A_178 : i32 to index
        %get3A_211 = arith.constant 64 : index
        %get3A_212 = tpu.vector_load %arg16[%get3A_210, %get3A_211] {strides = array<i32>} : memref<128x128xf32, #tpu.memory_space<vmem>>, vector<16xf32>,
        %mul3A_213 = arith.mulf %get3A_212, %gather3A : vector<16xf32>
        %swap3A_214 = arith.index_cast %scan3A_178 : i32 to index
        %swap3A_215 = arith.constant 64 : index
        %swap3A_216 = tpu.vector_load %arg16[%swap3A_214, %swap3A_215] {strides = array<i32>} : memref<128x128xf32, #tpu.memory_space<vmem>>, vector<16xf32>,
        tpu.vector_store %arg16[%swap3A_214, %swap3A_215], %mul3A_213 {strides = array<i32>} : memref<128x128xf32, #tpu.memory_space<vmem>>, vector<16xf32>,
        %get3A_217 = arith.index_cast %scan3A_178 : i32 to index
        %get3A_218 = arith.constant 80 : index
        %get3A_219 = tpu.vector_load %arg16[%get3A_217, %get3A_218] {strides = array<i32>} : memref<128x128xf32, #tpu.memory_space<vmem>>, vector<16xf32>,
        %mul3A_220 = arith.mulf %get3A_219, %gather3A : vector<16xf32>
        %swap3A_221 = arith.index_cast %scan3A_178 : i32 to index
        %swap3A_222 = arith.constant 80 : index
        %swap3A_223 = tpu.vector_load %arg16[%swap3A_221, %swap3A_222] {strides = array<i32>} : memref<128x128xf32, #tpu.memory_space<vmem>>, vector<16xf32>,
        tpu.vector_store %arg16[%swap3A_221, %swap3A_222], %mul3A_220 {strides = array<i32>} : memref<128x128xf32, #tpu.memory_space<vmem>>, vector<16xf32>,
        %get3A_224 = arith.index_cast %scan3A_178 : i32 to index
        %get3A_225 = arith.constant 96 : index
        %get3A_226 = tpu.vector_load %arg16[%get3A_224, %get3A_225] {strides = array<i32>} : memref<128x128xf32, #tpu.memory_space<vmem>>, vector<16xf32>,
        %mul3A_227 = arith.mulf %get3A_226, %gather3A : vector<16xf32>
        %swap3A_228 = arith.index_cast %scan3A_178 : i32 to index
        %swap3A_229 = arith.constant 96 : index
        %swap3A_230 = tpu.vector_load %arg16[%swap3A_228, %swap3A_229] {strides = array<i32>} : memref<128x128xf32, #tpu.memory_space<vmem>>, vector<16xf32>,
        tpu.vector_store %arg16[%swap3A_228, %swap3A_229], %mul3A_227 {strides = array<i32>} : memref<128x128xf32, #tpu.memory_space<vmem>>, vector<16xf32>,
        %get3A_231 = arith.index_cast %scan3A_178 : i32 to index
        %get3A_232 = arith.constant 112 : index
        %get3A_233 = tpu.vector_load %arg16[%get3A_231, %get3A_232] {strides = array<i32>} : memref<128x128xf32, #tpu.memory_space<vmem>>, vector<16xf32>,
        %mul3A_234 = arith.mulf %get3A_233, %gather3A : vector<16xf32>
        %swap3A_235 = arith.index_cast %scan3A_178 : i32 to index
        %swap3A_236 = arith.constant 112 : index
        %swap3A_237 = tpu.vector_load %arg16[%swap3A_235, %swap3A_236] {strides = array<i32>} : memref<128x128xf32, #tpu.memory_space<vmem>>, vector<16xf32>,
        tpu.vector_store %arg16[%swap3A_235, %swap3A_236], %mul3A_234 {strides = array<i32>} : memref<128x128xf32, #tpu.memory_space<vmem>>, vector<16xf32>,
      }
      %scan3A_177 = arith.constant 128 : i32
      "tpu.region"() ({
        %run_scoped3A = tpu.sem_alloc : memref<!tpu.dma_semaphore, #tpu.memory_space<semaphore_mem>>
        %dma_start3A_178 = arith.constant 0 : i32
        %dma_start3A_179 = arith.constant 0 : i32
        %dma_start3A_180 = tpu.memref_slice %arg17[%dma_start3A_178, %dma_start3A_179] : memref<10000x128xf32, #tpu.memory_space<vmem_shared>> -> memref<10000x128xf32, #tpu.memory_space<vmem_shared>>
        tpu.enqueue_indirect_dma source(%arg16 : memref<128x128xf32, #tpu.memory_space<vmem>>) target(%dma_start3A_180 : memref<10000x128xf32, #tpu.memory_space<vmem_shared>>) offsets(%arg12 : memref<128xi32, #tpu.memory_space<vmem>>) semaphore(%run_scoped3A : memref<!tpu.dma_semaphore, #tpu.memory_space<semaphore_mem>>) {add = true}
        %dma_wait3A_181 = arith.constant 0 : i32
        %dma_wait3A_182 = arith.constant 0 : i32
        %dma_wait3A_183 = tpu.memref_slice %arg17[%dma_wait3A_181, %dma_wait3A_182] : memref<10000x128xf32, #tpu.memory_space<vmem_shared>> -> memref<10000x128xf32, #tpu.memory_space<vmem_shared>>
        tpu.wait_indirect_dma semaphore(%run_scoped3A : memref<!tpu.dma_semaphore, #tpu.memory_space<semaphore_mem>>) src(%arg16 : memref<128x128xf32, #tpu.memory_space<vmem>>) dst(%dma_wait3A_183 : memref<10000x128xf32, #tpu.memory_space<vmem_shared>>)
        tpu.yield
      }) : () -> ()
    }
    %scan3A_11 = arith.constant 41 : i32
    %barrier3A_12 = arith.constant 0 : index
    tpu.barrier barrier_id(%barrier3A_12)
    %lt3A_13 = arith.constant 15 : i32
    %lt3A_14 = arith.cmpi slt, %arg1, %lt3A_13 : i32
    %convert_element_type3A_15 = arith.extui %lt3A_14 : i1 to i32
    %cond3A_16 = arith.constant 0 : i32
    %cond3A_17 = arith.cmpi ne, %convert_element_type3A_15, %cond3A_16 : i32
    scf.if %cond3A_17 {
      %mul3A_23 = arith.constant 640 : i32
      %mul3A_24 = arith.muli %mul3A_23, %arg1 : i32
      "tpu.region"() ({
        %run_scoped3A = tpu.sem_alloc : memref<!tpu.dma_semaphore, #tpu.memory_space<semaphore_mem>>
        %dma_start3A = arith.constant 0 : i32
        %dma_start3A_25 = tpu.memref_slice %arg7[%arg0, %mul3A_24, %dma_start3A] : memref<2x10000x128xf32, #tpu.memory_space<hbm>> -> memref<1x640x128xf32, #tpu.memory_space<hbm>>
        %dma_start3A_26 = tpu.memref_squeeze %dma_start3A_25 : memref<1x640x128xf32, #tpu.memory_space<hbm>> -> memref<640x128xf32, #tpu.memory_space<hbm>>
        %dma_start3A_27 = arith.constant 0 : i32
        %dma_start3A_28 = tpu.memref_slice %arg17[%mul3A_24, %dma_start3A_27] : memref<10000x128xf32, #tpu.memory_space<vmem_shared>> -> memref<640x128xf32, #tpu.memory_space<vmem_shared>>
        tpu.enqueue_dma source(%dma_start3A_28 : memref<640x128xf32, #tpu.memory_space<vmem_shared>>) target(%dma_start3A_26 : memref<640x128xf32, #tpu.memory_space<hbm>>) target_semaphore(%run_scoped3A : memref<!tpu.dma_semaphore, #tpu.memory_space<semaphore_mem>>)
        %dma_wait3A = arith.constant 0 : i32
        %dma_wait3A_29 = tpu.memref_slice %arg7[%arg0, %mul3A_24, %dma_wait3A] : memref<2x10000x128xf32, #tpu.memory_space<hbm>> -> memref<1x640x128xf32, #tpu.memory_space<hbm>>
        %dma_wait3A_30 = tpu.memref_squeeze %dma_wait3A_29 : memref<1x640x128xf32, #tpu.memory_space<hbm>> -> memref<640x128xf32, #tpu.memory_space<hbm>>
        %dma_wait3A_31 = arith.constant 0 : i32
        %dma_wait3A_32 = tpu.memref_slice %arg17[%mul3A_24, %dma_wait3A_31] : memref<10000x128xf32, #tpu.memory_space<vmem_shared>> -> memref<640x128xf32, #tpu.memory_space<vmem_shared>>
        tpu.wait_dma2 semaphore(%run_scoped3A : memref<!tpu.dma_semaphore, #tpu.memory_space<semaphore_mem>>) src(%dma_wait3A_32 : memref<640x128xf32, #tpu.memory_space<vmem_shared>>) dst(%dma_wait3A_30 : memref<640x128xf32, #tpu.memory_space<hbm>>)
        tpu.yield
      }) : () -> ()
    } else {
    }
    %eq3A_18 = arith.constant 15 : i32
    %eq3A_19 = arith.cmpi eq, %arg1, %eq3A_18 : i32
    %convert_element_type3A_20 = arith.extui %eq3A_19 : i1 to i32
    %cond3A_21 = arith.constant 0 : i32
    %cond3A_22 = arith.cmpi ne, %convert_element_type3A_20, %cond3A_21 : i32
    scf.if %cond3A_22 {
      "tpu.region"() ({
        %run_scoped3A = tpu.sem_alloc : memref<!tpu.dma_semaphore, #tpu.memory_space<semaphore_mem>>
        %dma_start3A = arith.constant 9600 : i32
        %dma_start3A_23 = arith.constant 0 : i32
        %dma_start3A_24 = tpu.memref_slice %arg7[%arg0, %dma_start3A, %dma_start3A_23] : memref<2x10000x128xf32, #tpu.memory_space<hbm>> -> memref<1x400x128xf32, #tpu.memory_space<hbm>>
        %dma_start3A_25 = tpu.memref_squeeze %dma_start3A_24 : memref<1x400x128xf32, #tpu.memory_space<hbm>> -> memref<400x128xf32, #tpu.memory_space<hbm>>
        %dma_start3A_26 = arith.constant 9600 : i32
        %dma_start3A_27 = arith.constant 0 : i32
        %dma_start3A_28 = tpu.memref_slice %arg17[%dma_start3A_26, %dma_start3A_27] : memref<10000x128xf32, #tpu.memory_space<vmem_shared>> -> memref<400x128xf32, #tpu.memory_space<vmem_shared>>
        tpu.enqueue_dma source(%dma_start3A_28 : memref<400x128xf32, #tpu.memory_space<vmem_shared>>) target(%dma_start3A_25 : memref<400x128xf32, #tpu.memory_space<hbm>>) target_semaphore(%run_scoped3A : memref<!tpu.dma_semaphore, #tpu.memory_space<semaphore_mem>>)
        %dma_wait3A = arith.constant 9600 : i32
        %dma_wait3A_29 = arith.constant 0 : i32
        %dma_wait3A_30 = tpu.memref_slice %arg7[%arg0, %dma_wait3A, %dma_wait3A_29] : memref<2x10000x128xf32, #tpu.memory_space<hbm>> -> memref<1x400x128xf32, #tpu.memory_space<hbm>>
        %dma_wait3A_31 = tpu.memref_squeeze %dma_wait3A_30 : memref<1x400x128xf32, #tpu.memory_space<hbm>> -> memref<400x128xf32, #tpu.memory_space<hbm>>
        %dma_wait3A_32 = arith.constant 9600 : i32
        %dma_wait3A_33 = arith.constant 0 : i32
        %dma_wait3A_34 = tpu.memref_slice %arg17[%dma_wait3A_32, %dma_wait3A_33] : memref<10000x128xf32, #tpu.memory_space<vmem_shared>> -> memref<400x128xf32, #tpu.memory_space<vmem_shared>>
        tpu.wait_dma2 semaphore(%run_scoped3A : memref<!tpu.dma_semaphore, #tpu.memory_space<semaphore_mem>>) src(%dma_wait3A_34 : memref<400x128xf32, #tpu.memory_space<vmem_shared>>) dst(%dma_wait3A_31 : memref<400x128xf32, #tpu.memory_space<hbm>>)
        tpu.yield
      }) : () -> ()
    } else {
    }
    return
  }
}

#map = affine_map<(d0, d1) -> (0, 0, 0)>
#map1 = affine_map<(d0, d1) -> (0, 0)>
#map2 = affine_map<(d0, d1) -> (0, 0, 0, 0)>
module attributes {stable_mosaic.version = 14 : i64} {
  func.func @body(%arg0: i32, %arg1: i32, %arg2: memref<32x82x128xi32, #tpu.memory_space<hbm>>, %arg3: memref<32x82x128xi32, #tpu.memory_space<hbm>>, %arg4: memref<80x128xf32, #tpu.memory_space<hbm>>, %arg5: memref<2x2x80x128xf32, #tpu.memory_space<hbm>>, %arg6: memref<82x128xi32, #tpu.memory_space<vmem>>, %arg7: memref<82x128xi32, #tpu.memory_space<vmem>>, %arg8: memref<80x128xf32, #tpu.memory_space<vmem>>, %arg9: memref<80x128xf32, #tpu.memory_space<vmem>>, %arg10: memref<80xi32, #tpu.memory_space<vmem>>, %arg11: memref<80x128xf32, #tpu.memory_space<vmem_shared>>, %arg12: memref<80x128xf32, #tpu.memory_space<vmem_shared>>) attributes {dimension_semantics = [#tpu.dimension_semantics<core_parallel>, #tpu.dimension_semantics<subcore_parallel>], iteration_bounds = array<i64: 2, 16>, scalar_prefetch = 0 : i64, scratch_operands = 7 : i64, tpu.core_type = #tpu.core_type<sc_vector_subcore>, window_params = [{transform_indices = #map}, {transform_indices = #map}, {transform_indices = #map1}, {transform_indices = #map2}]} {
    %mul3A = arith.constant 16 : i32
    %mul3A_0 = arith.muli %arg0, %mul3A : i32
    %add3A = arith.addi %mul3A_0, %arg1 : i32
    "tpu.region"() ({
      %run_scoped3A = tpu.sem_alloc : memref<!tpu.dma_semaphore, #tpu.memory_space<semaphore_mem>>
      %dma_start3A = arith.constant 0 : i32
      %dma_start3A_60 = arith.constant 0 : i32
      %dma_start3A_61 = tpu.memref_slice %arg2[%add3A, %dma_start3A, %dma_start3A_60] : memref<32x82x128xi32, #tpu.memory_space<hbm>> -> memref<1x82x128xi32, #tpu.memory_space<hbm>>
      %dma_start3A_62 = tpu.memref_squeeze %dma_start3A_61 : memref<1x82x128xi32, #tpu.memory_space<hbm>> -> memref<82x128xi32, #tpu.memory_space<hbm>>
      %dma_start3A_63 = arith.constant 0 : i32
      %dma_start3A_64 = arith.constant 0 : i32
      %dma_start3A_65 = tpu.memref_slice %arg2[%add3A, %dma_start3A_63, %dma_start3A_64] : memref<32x82x128xi32, #tpu.memory_space<hbm>> -> memref<1x82x128xi32, #tpu.memory_space<hbm>>
      %dma_start3A_66 = tpu.memref_squeeze %dma_start3A_65 : memref<1x82x128xi32, #tpu.memory_space<hbm>> -> memref<82x128xi32, #tpu.memory_space<hbm>>
      tpu.enqueue_dma source(%dma_start3A_66 : memref<82x128xi32, #tpu.memory_space<hbm>>) target(%arg6 : memref<82x128xi32, #tpu.memory_space<vmem>>) target_semaphore(%run_scoped3A : memref<!tpu.dma_semaphore, #tpu.memory_space<semaphore_mem>>)
      %dma_wait3A = arith.constant 0 : i32
      %dma_wait3A_67 = arith.constant 0 : i32
      %dma_wait3A_68 = tpu.memref_slice %arg2[%add3A, %dma_wait3A, %dma_wait3A_67] : memref<32x82x128xi32, #tpu.memory_space<hbm>> -> memref<1x82x128xi32, #tpu.memory_space<hbm>>
      %dma_wait3A_69 = tpu.memref_squeeze %dma_wait3A_68 : memref<1x82x128xi32, #tpu.memory_space<hbm>> -> memref<82x128xi32, #tpu.memory_space<hbm>>
      %dma_wait3A_70 = arith.constant 0 : i32
      %dma_wait3A_71 = arith.constant 0 : i32
      %dma_wait3A_72 = tpu.memref_slice %arg2[%add3A, %dma_wait3A_70, %dma_wait3A_71] : memref<32x82x128xi32, #tpu.memory_space<hbm>> -> memref<1x82x128xi32, #tpu.memory_space<hbm>>
      %dma_wait3A_73 = tpu.memref_squeeze %dma_wait3A_72 : memref<1x82x128xi32, #tpu.memory_space<hbm>> -> memref<82x128xi32, #tpu.memory_space<hbm>>
      tpu.wait_dma2 semaphore(%run_scoped3A : memref<!tpu.dma_semaphore, #tpu.memory_space<semaphore_mem>>) src(%dma_wait3A_73 : memref<82x128xi32, #tpu.memory_space<hbm>>) dst(%arg6 : memref<82x128xi32, #tpu.memory_space<vmem>>)
      tpu.yield
    }) : () -> ()
    "tpu.region"() ({
      %run_scoped3A = tpu.sem_alloc : memref<!tpu.dma_semaphore, #tpu.memory_space<semaphore_mem>>
      %dma_start3A = arith.constant 0 : i32
      %dma_start3A_60 = arith.constant 0 : i32
      %dma_start3A_61 = tpu.memref_slice %arg3[%add3A, %dma_start3A, %dma_start3A_60] : memref<32x82x128xi32, #tpu.memory_space<hbm>> -> memref<1x82x128xi32, #tpu.memory_space<hbm>>
      %dma_start3A_62 = tpu.memref_squeeze %dma_start3A_61 : memref<1x82x128xi32, #tpu.memory_space<hbm>> -> memref<82x128xi32, #tpu.memory_space<hbm>>
      %dma_start3A_63 = arith.constant 0 : i32
      %dma_start3A_64 = arith.constant 0 : i32
      %dma_start3A_65 = tpu.memref_slice %arg3[%add3A, %dma_start3A_63, %dma_start3A_64] : memref<32x82x128xi32, #tpu.memory_space<hbm>> -> memref<1x82x128xi32, #tpu.memory_space<hbm>>
      %dma_start3A_66 = tpu.memref_squeeze %dma_start3A_65 : memref<1x82x128xi32, #tpu.memory_space<hbm>> -> memref<82x128xi32, #tpu.memory_space<hbm>>
      tpu.enqueue_dma source(%dma_start3A_66 : memref<82x128xi32, #tpu.memory_space<hbm>>) target(%arg7 : memref<82x128xi32, #tpu.memory_space<vmem>>) target_semaphore(%run_scoped3A : memref<!tpu.dma_semaphore, #tpu.memory_space<semaphore_mem>>)
      %dma_wait3A = arith.constant 0 : i32
      %dma_wait3A_67 = arith.constant 0 : i32
      %dma_wait3A_68 = tpu.memref_slice %arg3[%add3A, %dma_wait3A, %dma_wait3A_67] : memref<32x82x128xi32, #tpu.memory_space<hbm>> -> memref<1x82x128xi32, #tpu.memory_space<hbm>>
      %dma_wait3A_69 = tpu.memref_squeeze %dma_wait3A_68 : memref<1x82x128xi32, #tpu.memory_space<hbm>> -> memref<82x128xi32, #tpu.memory_space<hbm>>
      %dma_wait3A_70 = arith.constant 0 : i32
      %dma_wait3A_71 = arith.constant 0 : i32
      %dma_wait3A_72 = tpu.memref_slice %arg3[%add3A, %dma_wait3A_70, %dma_wait3A_71] : memref<32x82x128xi32, #tpu.memory_space<hbm>> -> memref<1x82x128xi32, #tpu.memory_space<hbm>>
      %dma_wait3A_73 = tpu.memref_squeeze %dma_wait3A_72 : memref<1x82x128xi32, #tpu.memory_space<hbm>> -> memref<82x128xi32, #tpu.memory_space<hbm>>
      tpu.wait_dma2 semaphore(%run_scoped3A : memref<!tpu.dma_semaphore, #tpu.memory_space<semaphore_mem>>) src(%dma_wait3A_73 : memref<82x128xi32, #tpu.memory_space<hbm>>) dst(%arg7 : memref<82x128xi32, #tpu.memory_space<vmem>>)
      tpu.yield
    }) : () -> ()
    "tpu.region"() ({
      %run_scoped3A = tpu.sem_alloc : memref<!tpu.dma_semaphore, #tpu.memory_space<semaphore_mem>>
      tpu.enqueue_dma source(%arg4 : memref<80x128xf32, #tpu.memory_space<hbm>>) target(%arg8 : memref<80x128xf32, #tpu.memory_space<vmem>>) target_semaphore(%run_scoped3A : memref<!tpu.dma_semaphore, #tpu.memory_space<semaphore_mem>>)
      tpu.wait_dma2 semaphore(%run_scoped3A : memref<!tpu.dma_semaphore, #tpu.memory_space<semaphore_mem>>) src(%arg4 : memref<80x128xf32, #tpu.memory_space<hbm>>) dst(%arg8 : memref<80x128xf32, #tpu.memory_space<vmem>>)
      tpu.yield
    }) : () -> ()
    "tpu.region"() ({
      %run_scoped3A = tpu.sem_alloc : memref<!tpu.dma_semaphore, #tpu.memory_space<semaphore_mem>>
      tpu.enqueue_dma source(%arg4 : memref<80x128xf32, #tpu.memory_space<hbm>>) target(%arg9 : memref<80x128xf32, #tpu.memory_space<vmem>>) target_semaphore(%run_scoped3A : memref<!tpu.dma_semaphore, #tpu.memory_space<semaphore_mem>>)
      tpu.wait_dma2 semaphore(%run_scoped3A : memref<!tpu.dma_semaphore, #tpu.memory_space<semaphore_mem>>) src(%arg4 : memref<80x128xf32, #tpu.memory_space<hbm>>) dst(%arg9 : memref<80x128xf32, #tpu.memory_space<vmem>>)
      tpu.yield
    }) : () -> ()
    %eq3A = arith.constant 0 : i32
    %eq3A_1 = arith.cmpi eq, %arg1, %eq3A : i32
    %convert_element_type3A = arith.extui %eq3A_1 : i1 to i32
    %cond3A = arith.constant 0 : i32
    %cond3A_2 = arith.cmpi ne, %convert_element_type3A, %cond3A : i32
    scf.if %cond3A_2 {
      "tpu.region"() ({
        %run_scoped3A = tpu.sem_alloc : memref<!tpu.dma_semaphore, #tpu.memory_space<semaphore_mem>>
        tpu.enqueue_dma source(%arg4 : memref<80x128xf32, #tpu.memory_space<hbm>>) target(%arg11 : memref<80x128xf32, #tpu.memory_space<vmem_shared>>) target_semaphore(%run_scoped3A : memref<!tpu.dma_semaphore, #tpu.memory_space<semaphore_mem>>)
        tpu.wait_dma2 semaphore(%run_scoped3A : memref<!tpu.dma_semaphore, #tpu.memory_space<semaphore_mem>>) src(%arg4 : memref<80x128xf32, #tpu.memory_space<hbm>>) dst(%arg11 : memref<80x128xf32, #tpu.memory_space<vmem_shared>>)
        tpu.yield
      }) : () -> ()
      "tpu.region"() ({
        %run_scoped3A = tpu.sem_alloc : memref<!tpu.dma_semaphore, #tpu.memory_space<semaphore_mem>>
        tpu.enqueue_dma source(%arg4 : memref<80x128xf32, #tpu.memory_space<hbm>>) target(%arg12 : memref<80x128xf32, #tpu.memory_space<vmem_shared>>) target_semaphore(%run_scoped3A : memref<!tpu.dma_semaphore, #tpu.memory_space<semaphore_mem>>)
        tpu.wait_dma2 semaphore(%run_scoped3A : memref<!tpu.dma_semaphore, #tpu.memory_space<semaphore_mem>>) src(%arg4 : memref<80x128xf32, #tpu.memory_space<hbm>>) dst(%arg12 : memref<80x128xf32, #tpu.memory_space<vmem_shared>>)
        tpu.yield
      }) : () -> ()
    } else {
    }
    %iota3A = tpu.iota {dimensions = array<i32: 0>} : vector<16xi32>
    %add3A_3 = arith.constant 0 : i32
    %add3A_4 = vector.broadcast %add3A_3 : i32 to vector<16xi32>
    %add3A_5 = arith.addi %iota3A, %add3A_4 : vector<16xi32>
    %swap3A = arith.constant 0 : index
    %swap3A_6 = tpu.vector_load %arg10[%swap3A] {strides = array<i32>} : memref<80xi32, #tpu.memory_space<vmem>>, vector<16xi32>,
    tpu.vector_store %arg10[%swap3A], %add3A_5 {strides = array<i32>} : memref<80xi32, #tpu.memory_space<vmem>>, vector<16xi32>,
    %iota3A_7 = tpu.iota {dimensions = array<i32: 0>} : vector<16xi32>
    %add3A_8 = arith.constant 16 : i32
    %add3A_9 = vector.broadcast %add3A_8 : i32 to vector<16xi32>
    %add3A_10 = arith.addi %iota3A_7, %add3A_9 : vector<16xi32>
    %swap3A_11 = arith.constant 16 : index
    %swap3A_12 = tpu.vector_load %arg10[%swap3A_11] {strides = array<i32>} : memref<80xi32, #tpu.memory_space<vmem>>, vector<16xi32>,
    tpu.vector_store %arg10[%swap3A_11], %add3A_10 {strides = array<i32>} : memref<80xi32, #tpu.memory_space<vmem>>, vector<16xi32>,
    %iota3A_13 = tpu.iota {dimensions = array<i32: 0>} : vector<16xi32>
    %add3A_14 = arith.constant 32 : i32
    %add3A_15 = vector.broadcast %add3A_14 : i32 to vector<16xi32>
    %add3A_16 = arith.addi %iota3A_13, %add3A_15 : vector<16xi32>
    %swap3A_17 = arith.constant 32 : index
    %swap3A_18 = tpu.vector_load %arg10[%swap3A_17] {strides = array<i32>} : memref<80xi32, #tpu.memory_space<vmem>>, vector<16xi32>,
    tpu.vector_store %arg10[%swap3A_17], %add3A_16 {strides = array<i32>} : memref<80xi32, #tpu.memory_space<vmem>>, vector<16xi32>,
    %iota3A_19 = tpu.iota {dimensions = array<i32: 0>} : vector<16xi32>
    %add3A_20 = arith.constant 48 : i32
    %add3A_21 = vector.broadcast %add3A_20 : i32 to vector<16xi32>
    %add3A_22 = arith.addi %iota3A_19, %add3A_21 : vector<16xi32>
    %swap3A_23 = arith.constant 48 : index
    %swap3A_24 = tpu.vector_load %arg10[%swap3A_23] {strides = array<i32>} : memref<80xi32, #tpu.memory_space<vmem>>, vector<16xi32>,
    tpu.vector_store %arg10[%swap3A_23], %add3A_22 {strides = array<i32>} : memref<80xi32, #tpu.memory_space<vmem>>, vector<16xi32>,
    %iota3A_25 = tpu.iota {dimensions = array<i32: 0>} : vector<16xi32>
    %add3A_26 = arith.constant 64 : i32
    %add3A_27 = vector.broadcast %add3A_26 : i32 to vector<16xi32>
    %add3A_28 = arith.addi %iota3A_25, %add3A_27 : vector<16xi32>
    %swap3A_29 = arith.constant 64 : index
    %swap3A_30 = tpu.vector_load %arg10[%swap3A_29] {strides = array<i32>} : memref<80xi32, #tpu.memory_space<vmem>>, vector<16xi32>,
    tpu.vector_store %arg10[%swap3A_29], %add3A_28 {strides = array<i32>} : memref<80xi32, #tpu.memory_space<vmem>>, vector<16xi32>,
    %barrier3A = arith.constant 0 : index
    tpu.barrier barrier_id(%barrier3A)
    %broadcast_in_dim3A = arith.constant 1.000000e+00 : f32
    %broadcast_in_dim3A_31 = vector.broadcast %broadcast_in_dim3A : f32 to vector<16xf32>
    %scan3A = arith.constant 0 : i32
    %scan3A_32 = arith.constant 0 : i32
    %scan3A_33 = arith.constant 78 : i32
    %scan3A_34 = arith.addi %scan3A_32, %scan3A_33 : i32
    %scan3A_35 = arith.constant 1 : i32
    scf.for %scan3A_60 = %scan3A_32 to %scan3A_34 step %scan3A_35  : i32 {
      %get3A_61 = arith.index_cast %scan3A_60 : i32 to index
      %get3A_62 = arith.constant 0 : index
      %get3A_63 = tpu.vector_load %arg6[%get3A_61, %get3A_62] {strides = array<i32>} : memref<82x128xi32, #tpu.memory_space<vmem>>, vector<16xi32>,
      %get3A_64 = arith.index_cast %scan3A_60 : i32 to index
      %get3A_65 = arith.constant 0 : index
      %get3A_66 = tpu.vector_load %arg7[%get3A_64, %get3A_65] {strides = array<i32>} : memref<82x128xi32, #tpu.memory_space<vmem>>, vector<16xi32>,
      %shift_right_arithmetic3A_67 = arith.constant 7 : i32
      %shift_right_arithmetic3A_68 = vector.broadcast %shift_right_arithmetic3A_67 : i32 to vector<16xi32>
      %shift_right_arithmetic3A_69 = arith.shrsi %get3A_63, %shift_right_arithmetic3A_68 : vector<16xi32>
      %and3A_70 = arith.constant 127 : i32
      %and3A_71 = vector.broadcast %and3A_70 : i32 to vector<16xi32>
      %and3A_72 = arith.andi %get3A_63, %and3A_71 : vector<16xi32>
      tpu.vector_store_idx %arg8[%shift_right_arithmetic3A_69, %and3A_72], %broadcast_in_dim3A_31 {add = true} : memref<80x128xf32, #tpu.memory_space<vmem>>[vector<16xi32>, vector<16xi32>], vector<16xf32>,
      %shift_right_arithmetic3A_73 = arith.constant 7 : i32
      %shift_right_arithmetic3A_74 = vector.broadcast %shift_right_arithmetic3A_73 : i32 to vector<16xi32>
      %shift_right_arithmetic3A_75 = arith.shrsi %get3A_66, %shift_right_arithmetic3A_74 : vector<16xi32>
      %and3A_76 = arith.constant 127 : i32
      %and3A_77 = vector.broadcast %and3A_76 : i32 to vector<16xi32>
      %and3A_78 = arith.andi %get3A_66, %and3A_77 : vector<16xi32>
      tpu.vector_store_idx %arg9[%shift_right_arithmetic3A_75, %and3A_78], %broadcast_in_dim3A_31 {add = true} : memref<80x128xf32, #tpu.memory_space<vmem>>[vector<16xi32>, vector<16xi32>], vector<16xf32>,
      %get3A_79 = arith.index_cast %scan3A_60 : i32 to index
      %get3A_80 = arith.constant 16 : index
      %get3A_81 = tpu.vector_load %arg6[%get3A_79, %get3A_80] {strides = array<i32>} : memref<82x128xi32, #tpu.memory_space<vmem>>, vector<16xi32>,
      %get3A_82 = arith.index_cast %scan3A_60 : i32 to index
      %get3A_83 = arith.constant 16 : index
      %get3A_84 = tpu.vector_load %arg7[%get3A_82, %get3A_83] {strides = array<i32>} : memref<82x128xi32, #tpu.memory_space<vmem>>, vector<16xi32>,
      %shift_right_arithmetic3A_85 = arith.constant 7 : i32
      %shift_right_arithmetic3A_86 = vector.broadcast %shift_right_arithmetic3A_85 : i32 to vector<16xi32>
      %shift_right_arithmetic3A_87 = arith.shrsi %get3A_81, %shift_right_arithmetic3A_86 : vector<16xi32>
      %and3A_88 = arith.constant 127 : i32
      %and3A_89 = vector.broadcast %and3A_88 : i32 to vector<16xi32>
      %and3A_90 = arith.andi %get3A_81, %and3A_89 : vector<16xi32>
      tpu.vector_store_idx %arg8[%shift_right_arithmetic3A_87, %and3A_90], %broadcast_in_dim3A_31 {add = true} : memref<80x128xf32, #tpu.memory_space<vmem>>[vector<16xi32>, vector<16xi32>], vector<16xf32>,
      %shift_right_arithmetic3A_91 = arith.constant 7 : i32
      %shift_right_arithmetic3A_92 = vector.broadcast %shift_right_arithmetic3A_91 : i32 to vector<16xi32>
      %shift_right_arithmetic3A_93 = arith.shrsi %get3A_84, %shift_right_arithmetic3A_92 : vector<16xi32>
      %and3A_94 = arith.constant 127 : i32
      %and3A_95 = vector.broadcast %and3A_94 : i32 to vector<16xi32>
      %and3A_96 = arith.andi %get3A_84, %and3A_95 : vector<16xi32>
      tpu.vector_store_idx %arg9[%shift_right_arithmetic3A_93, %and3A_96], %broadcast_in_dim3A_31 {add = true} : memref<80x128xf32, #tpu.memory_space<vmem>>[vector<16xi32>, vector<16xi32>], vector<16xf32>,
      %get3A_97 = arith.index_cast %scan3A_60 : i32 to index
      %get3A_98 = arith.constant 32 : index
      %get3A_99 = tpu.vector_load %arg6[%get3A_97, %get3A_98] {strides = array<i32>} : memref<82x128xi32, #tpu.memory_space<vmem>>, vector<16xi32>,
      %get3A_100 = arith.index_cast %scan3A_60 : i32 to index
      %get3A_101 = arith.constant 32 : index
      %get3A_102 = tpu.vector_load %arg7[%get3A_100, %get3A_101] {strides = array<i32>} : memref<82x128xi32, #tpu.memory_space<vmem>>, vector<16xi32>,
      %shift_right_arithmetic3A_103 = arith.constant 7 : i32
      %shift_right_arithmetic3A_104 = vector.broadcast %shift_right_arithmetic3A_103 : i32 to vector<16xi32>
      %shift_right_arithmetic3A_105 = arith.shrsi %get3A_99, %shift_right_arithmetic3A_104 : vector<16xi32>
      %and3A_106 = arith.constant 127 : i32
      %and3A_107 = vector.broadcast %and3A_106 : i32 to vector<16xi32>
      %and3A_108 = arith.andi %get3A_99, %and3A_107 : vector<16xi32>
      tpu.vector_store_idx %arg8[%shift_right_arithmetic3A_105, %and3A_108], %broadcast_in_dim3A_31 {add = true} : memref<80x128xf32, #tpu.memory_space<vmem>>[vector<16xi32>, vector<16xi32>], vector<16xf32>,
      %shift_right_arithmetic3A_109 = arith.constant 7 : i32
      %shift_right_arithmetic3A_110 = vector.broadcast %shift_right_arithmetic3A_109 : i32 to vector<16xi32>
      %shift_right_arithmetic3A_111 = arith.shrsi %get3A_102, %shift_right_arithmetic3A_110 : vector<16xi32>
      %and3A_112 = arith.constant 127 : i32
      %and3A_113 = vector.broadcast %and3A_112 : i32 to vector<16xi32>
      %and3A_114 = arith.andi %get3A_102, %and3A_113 : vector<16xi32>
      tpu.vector_store_idx %arg9[%shift_right_arithmetic3A_111, %and3A_114], %broadcast_in_dim3A_31 {add = true} : memref<80x128xf32, #tpu.memory_space<vmem>>[vector<16xi32>, vector<16xi32>], vector<16xf32>,
      %get3A_115 = arith.index_cast %scan3A_60 : i32 to index
      %get3A_116 = arith.constant 48 : index
      %get3A_117 = tpu.vector_load %arg6[%get3A_115, %get3A_116] {strides = array<i32>} : memref<82x128xi32, #tpu.memory_space<vmem>>, vector<16xi32>,
      %get3A_118 = arith.index_cast %scan3A_60 : i32 to index
      %get3A_119 = arith.constant 48 : index
      %get3A_120 = tpu.vector_load %arg7[%get3A_118, %get3A_119] {strides = array<i32>} : memref<82x128xi32, #tpu.memory_space<vmem>>, vector<16xi32>,
      %shift_right_arithmetic3A_121 = arith.constant 7 : i32
      %shift_right_arithmetic3A_122 = vector.broadcast %shift_right_arithmetic3A_121 : i32 to vector<16xi32>
      %shift_right_arithmetic3A_123 = arith.shrsi %get3A_117, %shift_right_arithmetic3A_122 : vector<16xi32>
      %and3A_124 = arith.constant 127 : i32
      %and3A_125 = vector.broadcast %and3A_124 : i32 to vector<16xi32>
      %and3A_126 = arith.andi %get3A_117, %and3A_125 : vector<16xi32>
      tpu.vector_store_idx %arg8[%shift_right_arithmetic3A_123, %and3A_126], %broadcast_in_dim3A_31 {add = true} : memref<80x128xf32, #tpu.memory_space<vmem>>[vector<16xi32>, vector<16xi32>], vector<16xf32>,
      %shift_right_arithmetic3A_127 = arith.constant 7 : i32
      %shift_right_arithmetic3A_128 = vector.broadcast %shift_right_arithmetic3A_127 : i32 to vector<16xi32>
      %shift_right_arithmetic3A_129 = arith.shrsi %get3A_120, %shift_right_arithmetic3A_128 : vector<16xi32>
      %and3A_130 = arith.constant 127 : i32
      %and3A_131 = vector.broadcast %and3A_130 : i32 to vector<16xi32>
      %and3A_132 = arith.andi %get3A_120, %and3A_131 : vector<16xi32>
      tpu.vector_store_idx %arg9[%shift_right_arithmetic3A_129, %and3A_132], %broadcast_in_dim3A_31 {add = true} : memref<80x128xf32, #tpu.memory_space<vmem>>[vector<16xi32>, vector<16xi32>], vector<16xf32>,
      %get3A_133 = arith.index_cast %scan3A_60 : i32 to index
      %get3A_134 = arith.constant 64 : index
      %get3A_135 = tpu.vector_load %arg6[%get3A_133, %get3A_134] {strides = array<i32>} : memref<82x128xi32, #tpu.memory_space<vmem>>, vector<16xi32>,
      %get3A_136 = arith.index_cast %scan3A_60 : i32 to index
      %get3A_137 = arith.constant 64 : index
      %get3A_138 = tpu.vector_load %arg7[%get3A_136, %get3A_137] {strides = array<i32>} : memref<82x128xi32, #tpu.memory_space<vmem>>, vector<16xi32>,
      %shift_right_arithmetic3A_139 = arith.constant 7 : i32
      %shift_right_arithmetic3A_140 = vector.broadcast %shift_right_arithmetic3A_139 : i32 to vector<16xi32>
      %shift_right_arithmetic3A_141 = arith.shrsi %get3A_135, %shift_right_arithmetic3A_140 : vector<16xi32>
      %and3A_142 = arith.constant 127 : i32
      %and3A_143 = vector.broadcast %and3A_142 : i32 to vector<16xi32>
      %and3A_144 = arith.andi %get3A_135, %and3A_143 : vector<16xi32>
      tpu.vector_store_idx %arg8[%shift_right_arithmetic3A_141, %and3A_144], %broadcast_in_dim3A_31 {add = true} : memref<80x128xf32, #tpu.memory_space<vmem>>[vector<16xi32>, vector<16xi32>], vector<16xf32>,
      %shift_right_arithmetic3A_145 = arith.constant 7 : i32
      %shift_right_arithmetic3A_146 = vector.broadcast %shift_right_arithmetic3A_145 : i32 to vector<16xi32>
      %shift_right_arithmetic3A_147 = arith.shrsi %get3A_138, %shift_right_arithmetic3A_146 : vector<16xi32>
      %and3A_148 = arith.constant 127 : i32
      %and3A_149 = vector.broadcast %and3A_148 : i32 to vector<16xi32>
      %and3A_150 = arith.andi %get3A_138, %and3A_149 : vector<16xi32>
      tpu.vector_store_idx %arg9[%shift_right_arithmetic3A_147, %and3A_150], %broadcast_in_dim3A_31 {add = true} : memref<80x128xf32, #tpu.memory_space<vmem>>[vector<16xi32>, vector<16xi32>], vector<16xf32>,
      %get3A_151 = arith.index_cast %scan3A_60 : i32 to index
      %get3A_152 = arith.constant 80 : index
      %get3A_153 = tpu.vector_load %arg6[%get3A_151, %get3A_152] {strides = array<i32>} : memref<82x128xi32, #tpu.memory_space<vmem>>, vector<16xi32>,
      %get3A_154 = arith.index_cast %scan3A_60 : i32 to index
      %get3A_155 = arith.constant 80 : index
      %get3A_156 = tpu.vector_load %arg7[%get3A_154, %get3A_155] {strides = array<i32>} : memref<82x128xi32, #tpu.memory_space<vmem>>, vector<16xi32>,
      %shift_right_arithmetic3A_157 = arith.constant 7 : i32
      %shift_right_arithmetic3A_158 = vector.broadcast %shift_right_arithmetic3A_157 : i32 to vector<16xi32>
      %shift_right_arithmetic3A_159 = arith.shrsi %get3A_153, %shift_right_arithmetic3A_158 : vector<16xi32>
      %and3A_160 = arith.constant 127 : i32
      %and3A_161 = vector.broadcast %and3A_160 : i32 to vector<16xi32>
      %and3A_162 = arith.andi %get3A_153, %and3A_161 : vector<16xi32>
      tpu.vector_store_idx %arg8[%shift_right_arithmetic3A_159, %and3A_162], %broadcast_in_dim3A_31 {add = true} : memref<80x128xf32, #tpu.memory_space<vmem>>[vector<16xi32>, vector<16xi32>], vector<16xf32>,
      %shift_right_arithmetic3A_163 = arith.constant 7 : i32
      %shift_right_arithmetic3A_164 = vector.broadcast %shift_right_arithmetic3A_163 : i32 to vector<16xi32>
      %shift_right_arithmetic3A_165 = arith.shrsi %get3A_156, %shift_right_arithmetic3A_164 : vector<16xi32>
      %and3A_166 = arith.constant 127 : i32
      %and3A_167 = vector.broadcast %and3A_166 : i32 to vector<16xi32>
      %and3A_168 = arith.andi %get3A_156, %and3A_167 : vector<16xi32>
      tpu.vector_store_idx %arg9[%shift_right_arithmetic3A_165, %and3A_168], %broadcast_in_dim3A_31 {add = true} : memref<80x128xf32, #tpu.memory_space<vmem>>[vector<16xi32>, vector<16xi32>], vector<16xf32>,
      %get3A_169 = arith.index_cast %scan3A_60 : i32 to index
      %get3A_170 = arith.constant 96 : index
      %get3A_171 = tpu.vector_load %arg6[%get3A_169, %get3A_170] {strides = array<i32>} : memref<82x128xi32, #tpu.memory_space<vmem>>, vector<16xi32>,
      %get3A_172 = arith.index_cast %scan3A_60 : i32 to index
      %get3A_173 = arith.constant 96 : index
      %get3A_174 = tpu.vector_load %arg7[%get3A_172, %get3A_173] {strides = array<i32>} : memref<82x128xi32, #tpu.memory_space<vmem>>, vector<16xi32>,
      %shift_right_arithmetic3A_175 = arith.constant 7 : i32
      %shift_right_arithmetic3A_176 = vector.broadcast %shift_right_arithmetic3A_175 : i32 to vector<16xi32>
      %shift_right_arithmetic3A_177 = arith.shrsi %get3A_171, %shift_right_arithmetic3A_176 : vector<16xi32>
      %and3A_178 = arith.constant 127 : i32
      %and3A_179 = vector.broadcast %and3A_178 : i32 to vector<16xi32>
      %and3A_180 = arith.andi %get3A_171, %and3A_179 : vector<16xi32>
      tpu.vector_store_idx %arg8[%shift_right_arithmetic3A_177, %and3A_180], %broadcast_in_dim3A_31 {add = true} : memref<80x128xf32, #tpu.memory_space<vmem>>[vector<16xi32>, vector<16xi32>], vector<16xf32>,
      %shift_right_arithmetic3A_181 = arith.constant 7 : i32
      %shift_right_arithmetic3A_182 = vector.broadcast %shift_right_arithmetic3A_181 : i32 to vector<16xi32>
      %shift_right_arithmetic3A_183 = arith.shrsi %get3A_174, %shift_right_arithmetic3A_182 : vector<16xi32>
      %and3A_184 = arith.constant 127 : i32
      %and3A_185 = vector.broadcast %and3A_184 : i32 to vector<16xi32>
      %and3A_186 = arith.andi %get3A_174, %and3A_185 : vector<16xi32>
      tpu.vector_store_idx %arg9[%shift_right_arithmetic3A_183, %and3A_186], %broadcast_in_dim3A_31 {add = true} : memref<80x128xf32, #tpu.memory_space<vmem>>[vector<16xi32>, vector<16xi32>], vector<16xf32>,
      %get3A_187 = arith.index_cast %scan3A_60 : i32 to index
      %get3A_188 = arith.constant 112 : index
      %get3A_189 = tpu.vector_load %arg6[%get3A_187, %get3A_188] {strides = array<i32>} : memref<82x128xi32, #tpu.memory_space<vmem>>, vector<16xi32>,
      %get3A_190 = arith.index_cast %scan3A_60 : i32 to index
      %get3A_191 = arith.constant 112 : index
      %get3A_192 = tpu.vector_load %arg7[%get3A_190, %get3A_191] {strides = array<i32>} : memref<82x128xi32, #tpu.memory_space<vmem>>, vector<16xi32>,
      %shift_right_arithmetic3A_193 = arith.constant 7 : i32
      %shift_right_arithmetic3A_194 = vector.broadcast %shift_right_arithmetic3A_193 : i32 to vector<16xi32>
      %shift_right_arithmetic3A_195 = arith.shrsi %get3A_189, %shift_right_arithmetic3A_194 : vector<16xi32>
      %and3A_196 = arith.constant 127 : i32
      %and3A_197 = vector.broadcast %and3A_196 : i32 to vector<16xi32>
      %and3A_198 = arith.andi %get3A_189, %and3A_197 : vector<16xi32>
      tpu.vector_store_idx %arg8[%shift_right_arithmetic3A_195, %and3A_198], %broadcast_in_dim3A_31 {add = true} : memref<80x128xf32, #tpu.memory_space<vmem>>[vector<16xi32>, vector<16xi32>], vector<16xf32>,
      %shift_right_arithmetic3A_199 = arith.constant 7 : i32
      %shift_right_arithmetic3A_200 = vector.broadcast %shift_right_arithmetic3A_199 : i32 to vector<16xi32>
      %shift_right_arithmetic3A_201 = arith.shrsi %get3A_192, %shift_right_arithmetic3A_200 : vector<16xi32>
      %and3A_202 = arith.constant 127 : i32
      %and3A_203 = vector.broadcast %and3A_202 : i32 to vector<16xi32>
      %and3A_204 = arith.andi %get3A_192, %and3A_203 : vector<16xi32>
      tpu.vector_store_idx %arg9[%shift_right_arithmetic3A_201, %and3A_204], %broadcast_in_dim3A_31 {add = true} : memref<80x128xf32, #tpu.memory_space<vmem>>[vector<16xi32>, vector<16xi32>], vector<16xf32>,
    }
    %scan3A_36 = arith.constant 78 : i32
    %get3A = arith.constant 78 : i32
    %get3A_37 = arith.index_cast %get3A : i32 to index
    %get3A_38 = arith.constant 0 : index
    %get3A_39 = tpu.vector_load %arg6[%get3A_37, %get3A_38] {strides = array<i32>} : memref<82x128xi32, #tpu.memory_space<vmem>>, vector<16xi32>,
    %get3A_40 = arith.constant 78 : i32
    %get3A_41 = arith.index_cast %get3A_40 : i32 to index
    %get3A_42 = arith.constant 0 : index
    %get3A_43 = tpu.vector_load %arg7[%get3A_41, %get3A_42] {strides = array<i32>} : memref<82x128xi32, #tpu.memory_space<vmem>>, vector<16xi32>,
    %shift_right_arithmetic3A = arith.constant 7 : i32
    %shift_right_arithmetic3A_44 = vector.broadcast %shift_right_arithmetic3A : i32 to vector<16xi32>
    %shift_right_arithmetic3A_45 = arith.shrsi %get3A_39, %shift_right_arithmetic3A_44 : vector<16xi32>
    %and3A = arith.constant 127 : i32
    %and3A_46 = vector.broadcast %and3A : i32 to vector<16xi32>
    %and3A_47 = arith.andi %get3A_39, %and3A_46 : vector<16xi32>
    tpu.vector_store_idx %arg8[%shift_right_arithmetic3A_45, %and3A_47], %broadcast_in_dim3A_31 {add = true} : memref<80x128xf32, #tpu.memory_space<vmem>>[vector<16xi32>, vector<16xi32>], vector<16xf32>,
    %shift_right_arithmetic3A_48 = arith.constant 7 : i32
    %shift_right_arithmetic3A_49 = vector.broadcast %shift_right_arithmetic3A_48 : i32 to vector<16xi32>
    %shift_right_arithmetic3A_50 = arith.shrsi %get3A_43, %shift_right_arithmetic3A_49 : vector<16xi32>
    %and3A_51 = arith.constant 127 : i32
    %and3A_52 = vector.broadcast %and3A_51 : i32 to vector<16xi32>
    %and3A_53 = arith.andi %get3A_43, %and3A_52 : vector<16xi32>
    tpu.vector_store_idx %arg9[%shift_right_arithmetic3A_50, %and3A_53], %broadcast_in_dim3A_31 {add = true} : memref<80x128xf32, #tpu.memory_space<vmem>>[vector<16xi32>, vector<16xi32>], vector<16xf32>,
    "tpu.region"() ({
      %run_scoped3A = tpu.sem_alloc : memref<!tpu.dma_semaphore, #tpu.memory_space<semaphore_mem>>
      %dma_start3A = arith.constant 0 : i32
      %dma_start3A_60 = arith.constant 0 : i32
      %dma_start3A_61 = tpu.memref_slice %arg11[%dma_start3A, %dma_start3A_60] : memref<80x128xf32, #tpu.memory_space<vmem_shared>> -> memref<80x128xf32, #tpu.memory_space<vmem_shared>>
      tpu.enqueue_indirect_dma source(%arg8 : memref<80x128xf32, #tpu.memory_space<vmem>>) target(%dma_start3A_61 : memref<80x128xf32, #tpu.memory_space<vmem_shared>>) offsets(%arg10 : memref<80xi32, #tpu.memory_space<vmem>>) semaphore(%run_scoped3A : memref<!tpu.dma_semaphore, #tpu.memory_space<semaphore_mem>>) {add = true}
      %dma_wait3A = arith.constant 0 : i32
      %dma_wait3A_62 = arith.constant 0 : i32
      %dma_wait3A_63 = tpu.memref_slice %arg11[%dma_wait3A, %dma_wait3A_62] : memref<80x128xf32, #tpu.memory_space<vmem_shared>> -> memref<80x128xf32, #tpu.memory_space<vmem_shared>>
      tpu.wait_indirect_dma semaphore(%run_scoped3A : memref<!tpu.dma_semaphore, #tpu.memory_space<semaphore_mem>>) src(%arg8 : memref<80x128xf32, #tpu.memory_space<vmem>>) dst(%dma_wait3A_63 : memref<80x128xf32, #tpu.memory_space<vmem_shared>>)
      tpu.yield
    }) : () -> ()
    "tpu.region"() ({
      %run_scoped3A = tpu.sem_alloc : memref<!tpu.dma_semaphore, #tpu.memory_space<semaphore_mem>>
      %dma_start3A = arith.constant 0 : i32
      %dma_start3A_60 = arith.constant 0 : i32
      %dma_start3A_61 = tpu.memref_slice %arg12[%dma_start3A, %dma_start3A_60] : memref<80x128xf32, #tpu.memory_space<vmem_shared>> -> memref<80x128xf32, #tpu.memory_space<vmem_shared>>
      tpu.enqueue_indirect_dma source(%arg9 : memref<80x128xf32, #tpu.memory_space<vmem>>) target(%dma_start3A_61 : memref<80x128xf32, #tpu.memory_space<vmem_shared>>) offsets(%arg10 : memref<80xi32, #tpu.memory_space<vmem>>) semaphore(%run_scoped3A : memref<!tpu.dma_semaphore, #tpu.memory_space<semaphore_mem>>) {add = true}
      %dma_wait3A = arith.constant 0 : i32
      %dma_wait3A_62 = arith.constant 0 : i32
      %dma_wait3A_63 = tpu.memref_slice %arg12[%dma_wait3A, %dma_wait3A_62] : memref<80x128xf32, #tpu.memory_space<vmem_shared>> -> memref<80x128xf32, #tpu.memory_space<vmem_shared>>
      tpu.wait_indirect_dma semaphore(%run_scoped3A : memref<!tpu.dma_semaphore, #tpu.memory_space<semaphore_mem>>) src(%arg9 : memref<80x128xf32, #tpu.memory_space<vmem>>) dst(%dma_wait3A_63 : memref<80x128xf32, #tpu.memory_space<vmem_shared>>)
      tpu.yield
    }) : () -> ()
    %barrier3A_54 = arith.constant 0 : index
    tpu.barrier barrier_id(%barrier3A_54)
    %eq3A_55 = arith.constant 0 : i32
    %eq3A_56 = arith.cmpi eq, %arg1, %eq3A_55 : i32
    %convert_element_type3A_57 = arith.extui %eq3A_56 : i1 to i32
    %cond3A_58 = arith.constant 0 : i32
    %cond3A_59 = arith.cmpi ne, %convert_element_type3A_57, %cond3A_58 : i32
    scf.if %cond3A_59 {
      %run_scoped3A = arith.constant 0 : i32
      "tpu.region"() ({
        %run_scoped3A_61 = tpu.sem_alloc : memref<!tpu.dma_semaphore, #tpu.memory_space<semaphore_mem>>
        %dma_start3A = arith.constant 0 : i32
        %dma_start3A_62 = arith.constant 0 : i32
        %dma_start3A_63 = tpu.memref_slice %arg5[%arg0, %run_scoped3A, %dma_start3A, %dma_start3A_62] : memref<2x2x80x128xf32, #tpu.memory_space<hbm>> -> memref<1x1x80x128xf32, #tpu.memory_space<hbm>>
        %dma_start3A_64 = tpu.memref_squeeze %dma_start3A_63 : memref<1x1x80x128xf32, #tpu.memory_space<hbm>> -> memref<80x128xf32, #tpu.memory_space<hbm>>
        tpu.enqueue_dma source(%arg11 : memref<80x128xf32, #tpu.memory_space<vmem_shared>>) target(%dma_start3A_64 : memref<80x128xf32, #tpu.memory_space<hbm>>) target_semaphore(%run_scoped3A_61 : memref<!tpu.dma_semaphore, #tpu.memory_space<semaphore_mem>>)
        %dma_wait3A = arith.constant 0 : i32
        %dma_wait3A_65 = arith.constant 0 : i32
        %dma_wait3A_66 = tpu.memref_slice %arg5[%arg0, %run_scoped3A, %dma_wait3A, %dma_wait3A_65] : memref<2x2x80x128xf32, #tpu.memory_space<hbm>> -> memref<1x1x80x128xf32, #tpu.memory_space<hbm>>
        %dma_wait3A_67 = tpu.memref_squeeze %dma_wait3A_66 : memref<1x1x80x128xf32, #tpu.memory_space<hbm>> -> memref<80x128xf32, #tpu.memory_space<hbm>>
        tpu.wait_dma2 semaphore(%run_scoped3A_61 : memref<!tpu.dma_semaphore, #tpu.memory_space<semaphore_mem>>) src(%arg11 : memref<80x128xf32, #tpu.memory_space<vmem_shared>>) dst(%dma_wait3A_67 : memref<80x128xf32, #tpu.memory_space<hbm>>)
        tpu.yield
      }) : () -> ()
      %run_scoped3A_60 = arith.constant 1 : i32
      "tpu.region"() ({
        %run_scoped3A_61 = tpu.sem_alloc : memref<!tpu.dma_semaphore, #tpu.memory_space<semaphore_mem>>
        %dma_start3A = arith.constant 0 : i32
        %dma_start3A_62 = arith.constant 0 : i32
        %dma_start3A_63 = tpu.memref_slice %arg5[%arg0, %run_scoped3A_60, %dma_start3A, %dma_start3A_62] : memref<2x2x80x128xf32, #tpu.memory_space<hbm>> -> memref<1x1x80x128xf32, #tpu.memory_space<hbm>>
        %dma_start3A_64 = tpu.memref_squeeze %dma_start3A_63 : memref<1x1x80x128xf32, #tpu.memory_space<hbm>> -> memref<80x128xf32, #tpu.memory_space<hbm>>
        tpu.enqueue_dma source(%arg12 : memref<80x128xf32, #tpu.memory_space<vmem_shared>>) target(%dma_start3A_64 : memref<80x128xf32, #tpu.memory_space<hbm>>) target_semaphore(%run_scoped3A_61 : memref<!tpu.dma_semaphore, #tpu.memory_space<semaphore_mem>>)
        %dma_wait3A = arith.constant 0 : i32
        %dma_wait3A_65 = arith.constant 0 : i32
        %dma_wait3A_66 = tpu.memref_slice %arg5[%arg0, %run_scoped3A_60, %dma_wait3A, %dma_wait3A_65] : memref<2x2x80x128xf32, #tpu.memory_space<hbm>> -> memref<1x1x80x128xf32, #tpu.memory_space<hbm>>
        %dma_wait3A_67 = tpu.memref_squeeze %dma_wait3A_66 : memref<1x1x80x128xf32, #tpu.memory_space<hbm>> -> memref<80x128xf32, #tpu.memory_space<hbm>>
        tpu.wait_dma2 semaphore(%run_scoped3A_61 : memref<!tpu.dma_semaphore, #tpu.memory_space<semaphore_mem>>) src(%arg12 : memref<80x128xf32, #tpu.memory_space<vmem_shared>>) dst(%dma_wait3A_67 : memref<80x128xf32, #tpu.memory_space<hbm>>)
        tpu.yield
      }) : () -> ()
    } else {
    }
    return
  }
}

#map = affine_map<(d0, d1) -> (0, 0)>
#map1 = affine_map<(d0, d1) -> (0, 0, 0)>
module attributes {stable_mosaic.version = 14 : i64} {
  func.func @body(%arg0: i32, %arg1: i32, %arg2: memref<10000x128xf32, #tpu.memory_space<hbm>>, %arg3: memref<32x82x128xi32, #tpu.memory_space<hbm>>, %arg4: memref<32x82x128xi32, #tpu.memory_space<hbm>>, %arg5: memref<32x82x128xf32, #tpu.memory_space<hbm>>, %arg6: memref<640x128xf32, #tpu.memory_space<hbm>>, %arg7: memref<2x10000x128xf32, #tpu.memory_space<hbm>>, %arg8: memref<82x128xi32, #tpu.memory_space<vmem>>, %arg9: memref<128xi32, #tpu.memory_space<vmem>>, %arg10: memref<128xi32, #tpu.memory_space<vmem>>, %arg11: memref<128xi32, #tpu.memory_space<vmem>>, %arg12: memref<128xi32, #tpu.memory_space<vmem>>, %arg13: memref<128xf32, #tpu.memory_space<vmem>>, %arg14: memref<128xf32, #tpu.memory_space<vmem>>, %arg15: memref<128x128xf32, #tpu.memory_space<vmem>>, %arg16: memref<128x128xf32, #tpu.memory_space<vmem>>, %arg17: memref<10000x128xf32, #tpu.memory_space<vmem_shared>>, %arg18: memref<!tpu.dma_semaphore, #tpu.memory_space<semaphore_mem>>, %arg19: memref<!tpu.dma_semaphore, #tpu.memory_space<semaphore_mem>>) attributes {dimension_semantics = [#tpu.dimension_semantics<core_parallel>, #tpu.dimension_semantics<subcore_parallel>], iteration_bounds = array<i64: 2, 16>, scalar_prefetch = 0 : i64, scratch_operands = 12 : i64, tpu.core_type = #tpu.core_type<sc_vector_subcore>, window_params = [{transform_indices = #map}, {transform_indices = #map1}, {transform_indices = #map1}, {transform_indices = #map1}, {transform_indices = #map}, {transform_indices = #map1}]} {
    %mul3A = arith.constant 16 : i32
    %mul3A_0 = arith.muli %arg0, %mul3A : i32
    %add3A = arith.addi %mul3A_0, %arg1 : i32
    "tpu.region"() ({
      %run_scoped3A = tpu.sem_alloc : memref<!tpu.dma_semaphore, #tpu.memory_space<semaphore_mem>>
      %dma_start3A = arith.constant 0 : i32
      %dma_start3A_23 = arith.constant 0 : i32
      %dma_start3A_24 = tpu.memref_slice %arg3[%add3A, %dma_start3A, %dma_start3A_23] : memref<32x82x128xi32, #tpu.memory_space<hbm>> -> memref<1x82x128xi32, #tpu.memory_space<hbm>>
      %dma_start3A_25 = tpu.memref_squeeze %dma_start3A_24 : memref<1x82x128xi32, #tpu.memory_space<hbm>> -> memref<82x128xi32, #tpu.memory_space<hbm>>
      %dma_start3A_26 = arith.constant 0 : i32
      %dma_start3A_27 = arith.constant 0 : i32
      %dma_start3A_28 = tpu.memref_slice %arg3[%add3A, %dma_start3A_26, %dma_start3A_27] : memref<32x82x128xi32, #tpu.memory_space<hbm>> -> memref<1x82x128xi32, #tpu.memory_space<hbm>>
      %dma_start3A_29 = tpu.memref_squeeze %dma_start3A_28 : memref<1x82x128xi32, #tpu.memory_space<hbm>> -> memref<82x128xi32, #tpu.memory_space<hbm>>
      tpu.enqueue_dma source(%dma_start3A_29 : memref<82x128xi32, #tpu.memory_space<hbm>>) target(%arg8 : memref<82x128xi32, #tpu.memory_space<vmem>>) target_semaphore(%run_scoped3A : memref<!tpu.dma_semaphore, #tpu.memory_space<semaphore_mem>>)
      %dma_wait3A = arith.constant 0 : i32
      %dma_wait3A_30 = arith.constant 0 : i32
      %dma_wait3A_31 = tpu.memref_slice %arg3[%add3A, %dma_wait3A, %dma_wait3A_30] : memref<32x82x128xi32, #tpu.memory_space<hbm>> -> memref<1x82x128xi32, #tpu.memory_space<hbm>>
      %dma_wait3A_32 = tpu.memref_squeeze %dma_wait3A_31 : memref<1x82x128xi32, #tpu.memory_space<hbm>> -> memref<82x128xi32, #tpu.memory_space<hbm>>
      %dma_wait3A_33 = arith.constant 0 : i32
      %dma_wait3A_34 = arith.constant 0 : i32
      %dma_wait3A_35 = tpu.memref_slice %arg3[%add3A, %dma_wait3A_33, %dma_wait3A_34] : memref<32x82x128xi32, #tpu.memory_space<hbm>> -> memref<1x82x128xi32, #tpu.memory_space<hbm>>
      %dma_wait3A_36 = tpu.memref_squeeze %dma_wait3A_35 : memref<1x82x128xi32, #tpu.memory_space<hbm>> -> memref<82x128xi32, #tpu.memory_space<hbm>>
      tpu.wait_dma2 semaphore(%run_scoped3A : memref<!tpu.dma_semaphore, #tpu.memory_space<semaphore_mem>>) src(%dma_wait3A_36 : memref<82x128xi32, #tpu.memory_space<hbm>>) dst(%arg8 : memref<82x128xi32, #tpu.memory_space<vmem>>)
      tpu.yield
    }) : () -> ()
    %lt3A = arith.constant 15 : i32
    %lt3A_1 = arith.cmpi slt, %arg1, %lt3A : i32
    %convert_element_type3A = arith.extui %lt3A_1 : i1 to i32
    %cond3A = arith.constant 0 : i32
    %cond3A_2 = arith.cmpi ne, %convert_element_type3A, %cond3A : i32
    scf.if %cond3A_2 {
      %mul3A_23 = arith.constant 640 : i32
      %mul3A_24 = arith.muli %mul3A_23, %arg1 : i32
      "tpu.region"() ({
        %run_scoped3A = tpu.sem_alloc : memref<!tpu.dma_semaphore, #tpu.memory_space<semaphore_mem>>
        %dma_start3A = arith.constant 0 : i32
        %dma_start3A_25 = tpu.memref_slice %arg17[%mul3A_24, %dma_start3A] : memref<10000x128xf32, #tpu.memory_space<vmem_shared>> -> memref<640x128xf32, #tpu.memory_space<vmem_shared>>
        tpu.enqueue_dma source(%arg6 : memref<640x128xf32, #tpu.memory_space<hbm>>) target(%dma_start3A_25 : memref<640x128xf32, #tpu.memory_space<vmem_shared>>) target_semaphore(%run_scoped3A : memref<!tpu.dma_semaphore, #tpu.memory_space<semaphore_mem>>)
        %dma_wait3A = arith.constant 0 : i32
        %dma_wait3A_26 = tpu.memref_slice %arg17[%mul3A_24, %dma_wait3A] : memref<10000x128xf32, #tpu.memory_space<vmem_shared>> -> memref<640x128xf32, #tpu.memory_space<vmem_shared>>
        tpu.wait_dma2 semaphore(%run_scoped3A : memref<!tpu.dma_semaphore, #tpu.memory_space<semaphore_mem>>) src(%arg6 : memref<640x128xf32, #tpu.memory_space<hbm>>) dst(%dma_wait3A_26 : memref<640x128xf32, #tpu.memory_space<vmem_shared>>)
        tpu.yield
      }) : () -> ()
    } else {
    }
    %eq3A = arith.constant 15 : i32
    %eq3A_3 = arith.cmpi eq, %arg1, %eq3A : i32
    %convert_element_type3A_4 = arith.extui %eq3A_3 : i1 to i32
    %cond3A_5 = arith.constant 0 : i32
    %cond3A_6 = arith.cmpi ne, %convert_element_type3A_4, %cond3A_5 : i32
    scf.if %cond3A_6 {
      "tpu.region"() ({
        %run_scoped3A = tpu.sem_alloc : memref<!tpu.dma_semaphore, #tpu.memory_space<semaphore_mem>>
        %dma_start3A = arith.constant 9600 : i32
        %dma_start3A_23 = arith.constant 0 : i32
        %dma_start3A_24 = tpu.memref_slice %arg17[%dma_start3A, %dma_start3A_23] : memref<10000x128xf32, #tpu.memory_space<vmem_shared>> -> memref<400x128xf32, #tpu.memory_space<vmem_shared>>
        %dma_start3A_25 = arith.constant 0 : i32
        %dma_start3A_26 = arith.constant 0 : i32
        %dma_start3A_27 = tpu.memref_slice %arg6[%dma_start3A_25, %dma_start3A_26] : memref<640x128xf32, #tpu.memory_space<hbm>> -> memref<400x128xf32, #tpu.memory_space<hbm>>
        tpu.enqueue_dma source(%dma_start3A_27 : memref<400x128xf32, #tpu.memory_space<hbm>>) target(%dma_start3A_24 : memref<400x128xf32, #tpu.memory_space<vmem_shared>>) target_semaphore(%run_scoped3A : memref<!tpu.dma_semaphore, #tpu.memory_space<semaphore_mem>>)
        %dma_wait3A = arith.constant 9600 : i32
        %dma_wait3A_28 = arith.constant 0 : i32
        %dma_wait3A_29 = tpu.memref_slice %arg17[%dma_wait3A, %dma_wait3A_28] : memref<10000x128xf32, #tpu.memory_space<vmem_shared>> -> memref<400x128xf32, #tpu.memory_space<vmem_shared>>
        %dma_wait3A_30 = arith.constant 0 : i32
        %dma_wait3A_31 = arith.constant 0 : i32
        %dma_wait3A_32 = tpu.memref_slice %arg6[%dma_wait3A_30, %dma_wait3A_31] : memref<640x128xf32, #tpu.memory_space<hbm>> -> memref<400x128xf32, #tpu.memory_space<hbm>>
        tpu.wait_dma2 semaphore(%run_scoped3A : memref<!tpu.dma_semaphore, #tpu.memory_space<semaphore_mem>>) src(%dma_wait3A_32 : memref<400x128xf32, #tpu.memory_space<hbm>>) dst(%dma_wait3A_29 : memref<400x128xf32, #tpu.memory_space<vmem_shared>>)
        tpu.yield
      }) : () -> ()
    } else {
    }
    %barrier3A = arith.constant 0 : index
    tpu.barrier barrier_id(%barrier3A)
    %scan3A = arith.constant 0 : i32
    %scan3A_7 = arith.constant 0 : i32
    %scan3A_8 = arith.constant 41 : i32
    %scan3A_9 = arith.addi %scan3A_7, %scan3A_8 : i32
    %scan3A_10 = arith.constant 1 : i32
    scf.for %scan3A_23 = %scan3A_7 to %scan3A_9 step %scan3A_10  : i32 {
      %mul3A_24 = arith.constant 2 : i32
      %mul3A_25 = arith.muli %mul3A_24, %scan3A_23 : i32
      %mul3A_26 = arith.constant 2 : i32
      %mul3A_27 = arith.muli %mul3A_26, %scan3A_23 : i32
      %add3A_28 = arith.constant 1 : i32
      %add3A_29 = arith.addi %mul3A_27, %add3A_28 : i32
      %get3A = arith.index_cast %mul3A_25 : i32 to index
      %get3A_30 = arith.constant 0 : index
      %get3A_31 = tpu.vector_load %arg8[%get3A, %get3A_30] {strides = array<i32>} : memref<82x128xi32, #tpu.memory_space<vmem>>, vector<16xi32>,
      %swap3A = arith.constant 0 : index
      %swap3A_32 = tpu.vector_load %arg9[%swap3A] {strides = array<i32>} : memref<128xi32, #tpu.memory_space<vmem>>, vector<16xi32>,
      tpu.vector_store %arg9[%swap3A], %get3A_31 {strides = array<i32>} : memref<128xi32, #tpu.memory_space<vmem>>, vector<16xi32>,
      %get3A_33 = arith.index_cast %mul3A_25 : i32 to index
      %get3A_34 = arith.constant 16 : index
      %get3A_35 = tpu.vector_load %arg8[%get3A_33, %get3A_34] {strides = array<i32>} : memref<82x128xi32, #tpu.memory_space<vmem>>, vector<16xi32>,
      %swap3A_36 = arith.constant 16 : index
      %swap3A_37 = tpu.vector_load %arg9[%swap3A_36] {strides = array<i32>} : memref<128xi32, #tpu.memory_space<vmem>>, vector<16xi32>,
      tpu.vector_store %arg9[%swap3A_36], %get3A_35 {strides = array<i32>} : memref<128xi32, #tpu.memory_space<vmem>>, vector<16xi32>,
      %get3A_38 = arith.index_cast %mul3A_25 : i32 to index
      %get3A_39 = arith.constant 32 : index
      %get3A_40 = tpu.vector_load %arg8[%get3A_38, %get3A_39] {strides = array<i32>} : memref<82x128xi32, #tpu.memory_space<vmem>>, vector<16xi32>,
      %swap3A_41 = arith.constant 32 : index
      %swap3A_42 = tpu.vector_load %arg9[%swap3A_41] {strides = array<i32>} : memref<128xi32, #tpu.memory_space<vmem>>, vector<16xi32>,
      tpu.vector_store %arg9[%swap3A_41], %get3A_40 {strides = array<i32>} : memref<128xi32, #tpu.memory_space<vmem>>, vector<16xi32>,
      %get3A_43 = arith.index_cast %mul3A_25 : i32 to index
      %get3A_44 = arith.constant 48 : index
      %get3A_45 = tpu.vector_load %arg8[%get3A_43, %get3A_44] {strides = array<i32>} : memref<82x128xi32, #tpu.memory_space<vmem>>, vector<16xi32>,
      %swap3A_46 = arith.constant 48 : index
      %swap3A_47 = tpu.vector_load %arg9[%swap3A_46] {strides = array<i32>} : memref<128xi32, #tpu.memory_space<vmem>>, vector<16xi32>,
      tpu.vector_store %arg9[%swap3A_46], %get3A_45 {strides = array<i32>} : memref<128xi32, #tpu.memory_space<vmem>>, vector<16xi32>,
      %get3A_48 = arith.index_cast %mul3A_25 : i32 to index
      %get3A_49 = arith.constant 64 : index
      %get3A_50 = tpu.vector_load %arg8[%get3A_48, %get3A_49] {strides = array<i32>} : memref<82x128xi32, #tpu.memory_space<vmem>>, vector<16xi32>,
      %swap3A_51 = arith.constant 64 : index
      %swap3A_52 = tpu.vector_load %arg9[%swap3A_51] {strides = array<i32>} : memref<128xi32, #tpu.memory_space<vmem>>, vector<16xi32>,
      tpu.vector_store %arg9[%swap3A_51], %get3A_50 {strides = array<i32>} : memref<128xi32, #tpu.memory_space<vmem>>, vector<16xi32>,
      %get3A_53 = arith.index_cast %mul3A_25 : i32 to index
      %get3A_54 = arith.constant 80 : index
      %get3A_55 = tpu.vector_load %arg8[%get3A_53, %get3A_54] {strides = array<i32>} : memref<82x128xi32, #tpu.memory_space<vmem>>, vector<16xi32>,
      %swap3A_56 = arith.constant 80 : index
      %swap3A_57 = tpu.vector_load %arg9[%swap3A_56] {strides = array<i32>} : memref<128xi32, #tpu.memory_space<vmem>>, vector<16xi32>,
      tpu.vector_store %arg9[%swap3A_56], %get3A_55 {strides = array<i32>} : memref<128xi32, #tpu.memory_space<vmem>>, vector<16xi32>,
      %get3A_58 = arith.index_cast %mul3A_25 : i32 to index
      %get3A_59 = arith.constant 96 : index
      %get3A_60 = tpu.vector_load %arg8[%get3A_58, %get3A_59] {strides = array<i32>} : memref<82x128xi32, #tpu.memory_space<vmem>>, vector<16xi32>,
      %swap3A_61 = arith.constant 96 : index
      %swap3A_62 = tpu.vector_load %arg9[%swap3A_61] {strides = array<i32>} : memref<128xi32, #tpu.memory_space<vmem>>, vector<16xi32>,
      tpu.vector_store %arg9[%swap3A_61], %get3A_60 {strides = array<i32>} : memref<128xi32, #tpu.memory_space<vmem>>, vector<16xi32>,
      %get3A_63 = arith.index_cast %mul3A_25 : i32 to index
      %get3A_64 = arith.constant 112 : index
      %get3A_65 = tpu.vector_load %arg8[%get3A_63, %get3A_64] {strides = array<i32>} : memref<82x128xi32, #tpu.memory_space<vmem>>, vector<16xi32>,
      %swap3A_66 = arith.constant 112 : index
      %swap3A_67 = tpu.vector_load %arg9[%swap3A_66] {strides = array<i32>} : memref<128xi32, #tpu.memory_space<vmem>>, vector<16xi32>,
      tpu.vector_store %arg9[%swap3A_66], %get3A_65 {strides = array<i32>} : memref<128xi32, #tpu.memory_space<vmem>>, vector<16xi32>,
      %dma_start3A = arith.constant 0 : i32
      %dma_start3A_68 = arith.constant 0 : i32
      %dma_start3A_69 = tpu.memref_slice %arg2[%dma_start3A, %dma_start3A_68] : memref<10000x128xf32, #tpu.memory_space<hbm>> -> memref<10000x128xf32, #tpu.memory_space<hbm>>
      tpu.enqueue_indirect_dma source(%dma_start3A_69 : memref<10000x128xf32, #tpu.memory_space<hbm>>) target(%arg15 : memref<128x128xf32, #tpu.memory_space<vmem>>) offsets(%arg9 : memref<128xi32, #tpu.memory_space<vmem>>) semaphore(%arg18 : memref<!tpu.dma_semaphore, #tpu.memory_space<semaphore_mem>>)
      %dma_start3A_70 = arith.constant 0 : i32
      %dma_start3A_71 = tpu.memref_slice %arg4[%add3A, %mul3A_25, %dma_start3A_70] : memref<32x82x128xi32, #tpu.memory_space<hbm>> -> memref<1x1x128xi32, #tpu.memory_space<hbm>>
      %dma_start3A_72 = tpu.memref_squeeze %dma_start3A_71 : memref<1x1x128xi32, #tpu.memory_space<hbm>> -> memref<128xi32, #tpu.memory_space<hbm>>
      %dma_start3A_73 = arith.constant 0 : i32
      %dma_start3A_74 = tpu.memref_slice %arg4[%add3A, %mul3A_25, %dma_start3A_73] : memref<32x82x128xi32, #tpu.memory_space<hbm>> -> memref<1x1x128xi32, #tpu.memory_space<hbm>>
      %dma_start3A_75 = tpu.memref_squeeze %dma_start3A_74 : memref<1x1x128xi32, #tpu.memory_space<hbm>> -> memref<128xi32, #tpu.memory_space<hbm>>
      tpu.enqueue_dma source(%dma_start3A_75 : memref<128xi32, #tpu.memory_space<hbm>>) target(%arg11 : memref<128xi32, #tpu.memory_space<vmem>>) target_semaphore(%arg18 : memref<!tpu.dma_semaphore, #tpu.memory_space<semaphore_mem>>)
      %dma_start3A_76 = arith.constant 0 : i32
      %dma_start3A_77 = tpu.memref_slice %arg5[%add3A, %mul3A_25, %dma_start3A_76] : memref<32x82x128xf32, #tpu.memory_space<hbm>> -> memref<1x1x128xf32, #tpu.memory_space<hbm>>
      %dma_start3A_78 = tpu.memref_squeeze %dma_start3A_77 : memref<1x1x128xf32, #tpu.memory_space<hbm>> -> memref<128xf32, #tpu.memory_space<hbm>>
      %dma_start3A_79 = arith.constant 0 : i32
      %dma_start3A_80 = tpu.memref_slice %arg5[%add3A, %mul3A_25, %dma_start3A_79] : memref<32x82x128xf32, #tpu.memory_space<hbm>> -> memref<1x1x128xf32, #tpu.memory_space<hbm>>
      %dma_start3A_81 = tpu.memref_squeeze %dma_start3A_80 : memref<1x1x128xf32, #tpu.memory_space<hbm>> -> memref<128xf32, #tpu.memory_space<hbm>>
      tpu.enqueue_dma source(%dma_start3A_81 : memref<128xf32, #tpu.memory_space<hbm>>) target(%arg13 : memref<128xf32, #tpu.memory_space<vmem>>) target_semaphore(%arg18 : memref<!tpu.dma_semaphore, #tpu.memory_space<semaphore_mem>>)
      %dma_wait3A = arith.constant 0 : i32
      %dma_wait3A_82 = arith.constant 0 : i32
      %dma_wait3A_83 = tpu.memref_slice %arg2[%dma_wait3A, %dma_wait3A_82] : memref<10000x128xf32, #tpu.memory_space<hbm>> -> memref<10000x128xf32, #tpu.memory_space<hbm>>
      tpu.wait_indirect_dma semaphore(%arg18 : memref<!tpu.dma_semaphore, #tpu.memory_space<semaphore_mem>>) src(%dma_wait3A_83 : memref<10000x128xf32, #tpu.memory_space<hbm>>) dst(%arg15 : memref<128x128xf32, #tpu.memory_space<vmem>>)
      %dma_wait3A_84 = arith.constant 0 : i32
      %dma_wait3A_85 = tpu.memref_slice %arg4[%add3A, %mul3A_25, %dma_wait3A_84] : memref<32x82x128xi32, #tpu.memory_space<hbm>> -> memref<1x1x128xi32, #tpu.memory_space<hbm>>
      %dma_wait3A_86 = tpu.memref_squeeze %dma_wait3A_85 : memref<1x1x128xi32, #tpu.memory_space<hbm>> -> memref<128xi32, #tpu.memory_space<hbm>>
      %dma_wait3A_87 = arith.constant 0 : i32
      %dma_wait3A_88 = tpu.memref_slice %arg4[%add3A, %mul3A_25, %dma_wait3A_87] : memref<32x82x128xi32, #tpu.memory_space<hbm>> -> memref<1x1x128xi32, #tpu.memory_space<hbm>>
      %dma_wait3A_89 = tpu.memref_squeeze %dma_wait3A_88 : memref<1x1x128xi32, #tpu.memory_space<hbm>> -> memref<128xi32, #tpu.memory_space<hbm>>
      tpu.wait_dma2 semaphore(%arg18 : memref<!tpu.dma_semaphore, #tpu.memory_space<semaphore_mem>>) src(%dma_wait3A_89 : memref<128xi32, #tpu.memory_space<hbm>>) dst(%arg11 : memref<128xi32, #tpu.memory_space<vmem>>)
      %dma_wait3A_90 = arith.constant 0 : i32
      %dma_wait3A_91 = tpu.memref_slice %arg5[%add3A, %mul3A_25, %dma_wait3A_90] : memref<32x82x128xf32, #tpu.memory_space<hbm>> -> memref<1x1x128xf32, #tpu.memory_space<hbm>>
      %dma_wait3A_92 = tpu.memref_squeeze %dma_wait3A_91 : memref<1x1x128xf32, #tpu.memory_space<hbm>> -> memref<128xf32, #tpu.memory_space<hbm>>
      %dma_wait3A_93 = arith.constant 0 : i32
      %dma_wait3A_94 = tpu.memref_slice %arg5[%add3A, %mul3A_25, %dma_wait3A_93] : memref<32x82x128xf32, #tpu.memory_space<hbm>> -> memref<1x1x128xf32, #tpu.memory_space<hbm>>
      %dma_wait3A_95 = tpu.memref_squeeze %dma_wait3A_94 : memref<1x1x128xf32, #tpu.memory_space<hbm>> -> memref<128xf32, #tpu.memory_space<hbm>>
      tpu.wait_dma2 semaphore(%arg18 : memref<!tpu.dma_semaphore, #tpu.memory_space<semaphore_mem>>) src(%dma_wait3A_95 : memref<128xf32, #tpu.memory_space<hbm>>) dst(%arg13 : memref<128xf32, #tpu.memory_space<vmem>>)
      %get3A_96 = arith.index_cast %add3A_29 : i32 to index
      %get3A_97 = arith.constant 0 : index
      %get3A_98 = tpu.vector_load %arg8[%get3A_96, %get3A_97] {strides = array<i32>} : memref<82x128xi32, #tpu.memory_space<vmem>>, vector<16xi32>,
      %swap3A_99 = arith.constant 0 : index
      %swap3A_100 = tpu.vector_load %arg10[%swap3A_99] {strides = array<i32>} : memref<128xi32, #tpu.memory_space<vmem>>, vector<16xi32>,
      tpu.vector_store %arg10[%swap3A_99], %get3A_98 {strides = array<i32>} : memref<128xi32, #tpu.memory_space<vmem>>, vector<16xi32>,
      %get3A_101 = arith.index_cast %add3A_29 : i32 to index
      %get3A_102 = arith.constant 16 : index
      %get3A_103 = tpu.vector_load %arg8[%get3A_101, %get3A_102] {strides = array<i32>} : memref<82x128xi32, #tpu.memory_space<vmem>>, vector<16xi32>,
      %swap3A_104 = arith.constant 16 : index
      %swap3A_105 = tpu.vector_load %arg10[%swap3A_104] {strides = array<i32>} : memref<128xi32, #tpu.memory_space<vmem>>, vector<16xi32>,
      tpu.vector_store %arg10[%swap3A_104], %get3A_103 {strides = array<i32>} : memref<128xi32, #tpu.memory_space<vmem>>, vector<16xi32>,
      %get3A_106 = arith.index_cast %add3A_29 : i32 to index
      %get3A_107 = arith.constant 32 : index
      %get3A_108 = tpu.vector_load %arg8[%get3A_106, %get3A_107] {strides = array<i32>} : memref<82x128xi32, #tpu.memory_space<vmem>>, vector<16xi32>,
      %swap3A_109 = arith.constant 32 : index
      %swap3A_110 = tpu.vector_load %arg10[%swap3A_109] {strides = array<i32>} : memref<128xi32, #tpu.memory_space<vmem>>, vector<16xi32>,
      tpu.vector_store %arg10[%swap3A_109], %get3A_108 {strides = array<i32>} : memref<128xi32, #tpu.memory_space<vmem>>, vector<16xi32>,
      %get3A_111 = arith.index_cast %add3A_29 : i32 to index
      %get3A_112 = arith.constant 48 : index
      %get3A_113 = tpu.vector_load %arg8[%get3A_111, %get3A_112] {strides = array<i32>} : memref<82x128xi32, #tpu.memory_space<vmem>>, vector<16xi32>,
      %swap3A_114 = arith.constant 48 : index
      %swap3A_115 = tpu.vector_load %arg10[%swap3A_114] {strides = array<i32>} : memref<128xi32, #tpu.memory_space<vmem>>, vector<16xi32>,
      tpu.vector_store %arg10[%swap3A_114], %get3A_113 {strides = array<i32>} : memref<128xi32, #tpu.memory_space<vmem>>, vector<16xi32>,
      %get3A_116 = arith.index_cast %add3A_29 : i32 to index
      %get3A_117 = arith.constant 64 : index
      %get3A_118 = tpu.vector_load %arg8[%get3A_116, %get3A_117] {strides = array<i32>} : memref<82x128xi32, #tpu.memory_space<vmem>>, vector<16xi32>,
      %swap3A_119 = arith.constant 64 : index
      %swap3A_120 = tpu.vector_load %arg10[%swap3A_119] {strides = array<i32>} : memref<128xi32, #tpu.memory_space<vmem>>, vector<16xi32>,
      tpu.vector_store %arg10[%swap3A_119], %get3A_118 {strides = array<i32>} : memref<128xi32, #tpu.memory_space<vmem>>, vector<16xi32>,
      %get3A_121 = arith.index_cast %add3A_29 : i32 to index
      %get3A_122 = arith.constant 80 : index
      %get3A_123 = tpu.vector_load %arg8[%get3A_121, %get3A_122] {strides = array<i32>} : memref<82x128xi32, #tpu.memory_space<vmem>>, vector<16xi32>,
      %swap3A_124 = arith.constant 80 : index
      %swap3A_125 = tpu.vector_load %arg10[%swap3A_124] {strides = array<i32>} : memref<128xi32, #tpu.memory_space<vmem>>, vector<16xi32>,
      tpu.vector_store %arg10[%swap3A_124], %get3A_123 {strides = array<i32>} : memref<128xi32, #tpu.memory_space<vmem>>, vector<16xi32>,
      %get3A_126 = arith.index_cast %add3A_29 : i32 to index
      %get3A_127 = arith.constant 96 : index
      %get3A_128 = tpu.vector_load %arg8[%get3A_126, %get3A_127] {strides = array<i32>} : memref<82x128xi32, #tpu.memory_space<vmem>>, vector<16xi32>,
      %swap3A_129 = arith.constant 96 : index
      %swap3A_130 = tpu.vector_load %arg10[%swap3A_129] {strides = array<i32>} : memref<128xi32, #tpu.memory_space<vmem>>, vector<16xi32>,
      tpu.vector_store %arg10[%swap3A_129], %get3A_128 {strides = array<i32>} : memref<128xi32, #tpu.memory_space<vmem>>, vector<16xi32>,
      %get3A_131 = arith.index_cast %add3A_29 : i32 to index
      %get3A_132 = arith.constant 112 : index
      %get3A_133 = tpu.vector_load %arg8[%get3A_131, %get3A_132] {strides = array<i32>} : memref<82x128xi32, #tpu.memory_space<vmem>>, vector<16xi32>,
      %swap3A_134 = arith.constant 112 : index
      %swap3A_135 = tpu.vector_load %arg10[%swap3A_134] {strides = array<i32>} : memref<128xi32, #tpu.memory_space<vmem>>, vector<16xi32>,
      tpu.vector_store %arg10[%swap3A_134], %get3A_133 {strides = array<i32>} : memref<128xi32, #tpu.memory_space<vmem>>, vector<16xi32>,
      %dma_start3A_136 = arith.constant 0 : i32
      %dma_start3A_137 = arith.constant 0 : i32
      %dma_start3A_138 = tpu.memref_slice %arg2[%dma_start3A_136, %dma_start3A_137] : memref<10000x128xf32, #tpu.memory_space<hbm>> -> memref<10000x128xf32, #tpu.memory_space<hbm>>
      tpu.enqueue_indirect_dma source(%dma_start3A_138 : memref<10000x128xf32, #tpu.memory_space<hbm>>) target(%arg16 : memref<128x128xf32, #tpu.memory_space<vmem>>) offsets(%arg10 : memref<128xi32, #tpu.memory_space<vmem>>) semaphore(%arg19 : memref<!tpu.dma_semaphore, #tpu.memory_space<semaphore_mem>>)
      %dma_start3A_139 = arith.constant 0 : i32
      %dma_start3A_140 = tpu.memref_slice %arg4[%add3A, %add3A_29, %dma_start3A_139] : memref<32x82x128xi32, #tpu.memory_space<hbm>> -> memref<1x1x128xi32, #tpu.memory_space<hbm>>
      %dma_start3A_141 = tpu.memref_squeeze %dma_start3A_140 : memref<1x1x128xi32, #tpu.memory_space<hbm>> -> memref<128xi32, #tpu.memory_space<hbm>>
      %dma_start3A_142 = arith.constant 0 : i32
      %dma_start3A_143 = tpu.memref_slice %arg4[%add3A, %add3A_29, %dma_start3A_142] : memref<32x82x128xi32, #tpu.memory_space<hbm>> -> memref<1x1x128xi32, #tpu.memory_space<hbm>>
      %dma_start3A_144 = tpu.memref_squeeze %dma_start3A_143 : memref<1x1x128xi32, #tpu.memory_space<hbm>> -> memref<128xi32, #tpu.memory_space<hbm>>
      tpu.enqueue_dma source(%dma_start3A_144 : memref<128xi32, #tpu.memory_space<hbm>>) target(%arg12 : memref<128xi32, #tpu.memory_space<vmem>>) target_semaphore(%arg19 : memref<!tpu.dma_semaphore, #tpu.memory_space<semaphore_mem>>)
      %dma_start3A_145 = arith.constant 0 : i32
      %dma_start3A_146 = tpu.memref_slice %arg5[%add3A, %add3A_29, %dma_start3A_145] : memref<32x82x128xf32, #tpu.memory_space<hbm>> -> memref<1x1x128xf32, #tpu.memory_space<hbm>>
      %dma_start3A_147 = tpu.memref_squeeze %dma_start3A_146 : memref<1x1x128xf32, #tpu.memory_space<hbm>> -> memref<128xf32, #tpu.memory_space<hbm>>
      %dma_start3A_148 = arith.constant 0 : i32
      %dma_start3A_149 = tpu.memref_slice %arg5[%add3A, %add3A_29, %dma_start3A_148] : memref<32x82x128xf32, #tpu.memory_space<hbm>> -> memref<1x1x128xf32, #tpu.memory_space<hbm>>
      %dma_start3A_150 = tpu.memref_squeeze %dma_start3A_149 : memref<1x1x128xf32, #tpu.memory_space<hbm>> -> memref<128xf32, #tpu.memory_space<hbm>>
      tpu.enqueue_dma source(%dma_start3A_150 : memref<128xf32, #tpu.memory_space<hbm>>) target(%arg14 : memref<128xf32, #tpu.memory_space<vmem>>) target_semaphore(%arg19 : memref<!tpu.dma_semaphore, #tpu.memory_space<semaphore_mem>>)
      %scan3A_151 = arith.constant 0 : i32
      %scan3A_152 = arith.constant 0 : i32
      %scan3A_153 = arith.constant 128 : i32
      %scan3A_154 = arith.addi %scan3A_152, %scan3A_153 : i32
      %scan3A_155 = arith.constant 1 : i32
      scf.for %scan3A_178 = %scan3A_152 to %scan3A_154 step %scan3A_155  : i32 {
        %broadcast_in_dim3A = arith.constant 0 : i32
        %broadcast_in_dim3A_179 = vector.broadcast %broadcast_in_dim3A : i32 to vector<16xi32>
        %add3A_180 = vector.broadcast %scan3A_178 : i32 to vector<16xi32>
        %add3A_181 = arith.addi %broadcast_in_dim3A_179, %add3A_180 : vector<16xi32>
        %gather3A = tpu.vector_load_idx %arg13[%add3A_181] : memref<128xf32, #tpu.memory_space<vmem>>[vector<16xi32>], vector<16xf32>,
        %get3A_182 = arith.index_cast %scan3A_178 : i32 to index
        %get3A_183 = arith.constant 0 : index
        %get3A_184 = tpu.vector_load %arg15[%get3A_182, %get3A_183] {strides = array<i32>} : memref<128x128xf32, #tpu.memory_space<vmem>>, vector<16xf32>,
        %mul3A_185 = arith.mulf %get3A_184, %gather3A : vector<16xf32>
        %swap3A_186 = arith.index_cast %scan3A_178 : i32 to index
        %swap3A_187 = arith.constant 0 : index
        %swap3A_188 = tpu.vector_load %arg15[%swap3A_186, %swap3A_187] {strides = array<i32>} : memref<128x128xf32, #tpu.memory_space<vmem>>, vector<16xf32>,
        tpu.vector_store %arg15[%swap3A_186, %swap3A_187], %mul3A_185 {strides = array<i32>} : memref<128x128xf32, #tpu.memory_space<vmem>>, vector<16xf32>,
        %get3A_189 = arith.index_cast %scan3A_178 : i32 to index
        %get3A_190 = arith.constant 16 : index
        %get3A_191 = tpu.vector_load %arg15[%get3A_189, %get3A_190] {strides = array<i32>} : memref<128x128xf32, #tpu.memory_space<vmem>>, vector<16xf32>,
        %mul3A_192 = arith.mulf %get3A_191, %gather3A : vector<16xf32>
        %swap3A_193 = arith.index_cast %scan3A_178 : i32 to index
        %swap3A_194 = arith.constant 16 : index
        %swap3A_195 = tpu.vector_load %arg15[%swap3A_193, %swap3A_194] {strides = array<i32>} : memref<128x128xf32, #tpu.memory_space<vmem>>, vector<16xf32>,
        tpu.vector_store %arg15[%swap3A_193, %swap3A_194], %mul3A_192 {strides = array<i32>} : memref<128x128xf32, #tpu.memory_space<vmem>>, vector<16xf32>,
        %get3A_196 = arith.index_cast %scan3A_178 : i32 to index
        %get3A_197 = arith.constant 32 : index
        %get3A_198 = tpu.vector_load %arg15[%get3A_196, %get3A_197] {strides = array<i32>} : memref<128x128xf32, #tpu.memory_space<vmem>>, vector<16xf32>,
        %mul3A_199 = arith.mulf %get3A_198, %gather3A : vector<16xf32>
        %swap3A_200 = arith.index_cast %scan3A_178 : i32 to index
        %swap3A_201 = arith.constant 32 : index
        %swap3A_202 = tpu.vector_load %arg15[%swap3A_200, %swap3A_201] {strides = array<i32>} : memref<128x128xf32, #tpu.memory_space<vmem>>, vector<16xf32>,
        tpu.vector_store %arg15[%swap3A_200, %swap3A_201], %mul3A_199 {strides = array<i32>} : memref<128x128xf32, #tpu.memory_space<vmem>>, vector<16xf32>,
        %get3A_203 = arith.index_cast %scan3A_178 : i32 to index
        %get3A_204 = arith.constant 48 : index
        %get3A_205 = tpu.vector_load %arg15[%get3A_203, %get3A_204] {strides = array<i32>} : memref<128x128xf32, #tpu.memory_space<vmem>>, vector<16xf32>,
        %mul3A_206 = arith.mulf %get3A_205, %gather3A : vector<16xf32>
        %swap3A_207 = arith.index_cast %scan3A_178 : i32 to index
        %swap3A_208 = arith.constant 48 : index
        %swap3A_209 = tpu.vector_load %arg15[%swap3A_207, %swap3A_208] {strides = array<i32>} : memref<128x128xf32, #tpu.memory_space<vmem>>, vector<16xf32>,
        tpu.vector_store %arg15[%swap3A_207, %swap3A_208], %mul3A_206 {strides = array<i32>} : memref<128x128xf32, #tpu.memory_space<vmem>>, vector<16xf32>,
        %get3A_210 = arith.index_cast %scan3A_178 : i32 to index
        %get3A_211 = arith.constant 64 : index
        %get3A_212 = tpu.vector_load %arg15[%get3A_210, %get3A_211] {strides = array<i32>} : memref<128x128xf32, #tpu.memory_space<vmem>>, vector<16xf32>,
        %mul3A_213 = arith.mulf %get3A_212, %gather3A : vector<16xf32>
        %swap3A_214 = arith.index_cast %scan3A_178 : i32 to index
        %swap3A_215 = arith.constant 64 : index
        %swap3A_216 = tpu.vector_load %arg15[%swap3A_214, %swap3A_215] {strides = array<i32>} : memref<128x128xf32, #tpu.memory_space<vmem>>, vector<16xf32>,
        tpu.vector_store %arg15[%swap3A_214, %swap3A_215], %mul3A_213 {strides = array<i32>} : memref<128x128xf32, #tpu.memory_space<vmem>>, vector<16xf32>,
        %get3A_217 = arith.index_cast %scan3A_178 : i32 to index
        %get3A_218 = arith.constant 80 : index
        %get3A_219 = tpu.vector_load %arg15[%get3A_217, %get3A_218] {strides = array<i32>} : memref<128x128xf32, #tpu.memory_space<vmem>>, vector<16xf32>,
        %mul3A_220 = arith.mulf %get3A_219, %gather3A : vector<16xf32>
        %swap3A_221 = arith.index_cast %scan3A_178 : i32 to index
        %swap3A_222 = arith.constant 80 : index
        %swap3A_223 = tpu.vector_load %arg15[%swap3A_221, %swap3A_222] {strides = array<i32>} : memref<128x128xf32, #tpu.memory_space<vmem>>, vector<16xf32>,
        tpu.vector_store %arg15[%swap3A_221, %swap3A_222], %mul3A_220 {strides = array<i32>} : memref<128x128xf32, #tpu.memory_space<vmem>>, vector<16xf32>,
        %get3A_224 = arith.index_cast %scan3A_178 : i32 to index
        %get3A_225 = arith.constant 96 : index
        %get3A_226 = tpu.vector_load %arg15[%get3A_224, %get3A_225] {strides = array<i32>} : memref<128x128xf32, #tpu.memory_space<vmem>>, vector<16xf32>,
        %mul3A_227 = arith.mulf %get3A_226, %gather3A : vector<16xf32>
        %swap3A_228 = arith.index_cast %scan3A_178 : i32 to index
        %swap3A_229 = arith.constant 96 : index
        %swap3A_230 = tpu.vector_load %arg15[%swap3A_228, %swap3A_229] {strides = array<i32>} : memref<128x128xf32, #tpu.memory_space<vmem>>, vector<16xf32>,
        tpu.vector_store %arg15[%swap3A_228, %swap3A_229], %mul3A_227 {strides = array<i32>} : memref<128x128xf32, #tpu.memory_space<vmem>>, vector<16xf32>,
        %get3A_231 = arith.index_cast %scan3A_178 : i32 to index
        %get3A_232 = arith.constant 112 : index
        %get3A_233 = tpu.vector_load %arg15[%get3A_231, %get3A_232] {strides = array<i32>} : memref<128x128xf32, #tpu.memory_space<vmem>>, vector<16xf32>,
        %mul3A_234 = arith.mulf %get3A_233, %gather3A : vector<16xf32>
        %swap3A_235 = arith.index_cast %scan3A_178 : i32 to index
        %swap3A_236 = arith.constant 112 : index
        %swap3A_237 = tpu.vector_load %arg15[%swap3A_235, %swap3A_236] {strides = array<i32>} : memref<128x128xf32, #tpu.memory_space<vmem>>, vector<16xf32>,
        tpu.vector_store %arg15[%swap3A_235, %swap3A_236], %mul3A_234 {strides = array<i32>} : memref<128x128xf32, #tpu.memory_space<vmem>>, vector<16xf32>,
      }
      %scan3A_156 = arith.constant 128 : i32
      "tpu.region"() ({
        %run_scoped3A = tpu.sem_alloc : memref<!tpu.dma_semaphore, #tpu.memory_space<semaphore_mem>>
        %dma_start3A_178 = arith.constant 0 : i32
        %dma_start3A_179 = arith.constant 0 : i32
        %dma_start3A_180 = tpu.memref_slice %arg17[%dma_start3A_178, %dma_start3A_179] : memref<10000x128xf32, #tpu.memory_space<vmem_shared>> -> memref<10000x128xf32, #tpu.memory_space<vmem_shared>>
        tpu.enqueue_indirect_dma source(%arg15 : memref<128x128xf32, #tpu.memory_space<vmem>>) target(%dma_start3A_180 : memref<10000x128xf32, #tpu.memory_space<vmem_shared>>) offsets(%arg11 : memref<128xi32, #tpu.memory_space<vmem>>) semaphore(%run_scoped3A : memref<!tpu.dma_semaphore, #tpu.memory_space<semaphore_mem>>) {add = true}
        %dma_wait3A_181 = arith.constant 0 : i32
        %dma_wait3A_182 = arith.constant 0 : i32
        %dma_wait3A_183 = tpu.memref_slice %arg17[%dma_wait3A_181, %dma_wait3A_182] : memref<10000x128xf32, #tpu.memory_space<vmem_shared>> -> memref<10000x128xf32, #tpu.memory_space<vmem_shared>>
        tpu.wait_indirect_dma semaphore(%run_scoped3A : memref<!tpu.dma_semaphore, #tpu.memory_space<semaphore_mem>>) src(%arg15 : memref<128x128xf32, #tpu.memory_space<vmem>>) dst(%dma_wait3A_183 : memref<10000x128xf32, #tpu.memory_space<vmem_shared>>)
        tpu.yield
      }) : () -> ()
      %dma_wait3A_157 = arith.constant 0 : i32
      %dma_wait3A_158 = arith.constant 0 : i32
      %dma_wait3A_159 = tpu.memref_slice %arg2[%dma_wait3A_157, %dma_wait3A_158] : memref<10000x128xf32, #tpu.memory_space<hbm>> -> memref<10000x128xf32, #tpu.memory_space<hbm>>
      tpu.wait_indirect_dma semaphore(%arg19 : memref<!tpu.dma_semaphore, #tpu.memory_space<semaphore_mem>>) src(%dma_wait3A_159 : memref<10000x128xf32, #tpu.memory_space<hbm>>) dst(%arg16 : memref<128x128xf32, #tpu.memory_space<vmem>>)
      %dma_wait3A_160 = arith.constant 0 : i32
      %dma_wait3A_161 = tpu.memref_slice %arg4[%add3A, %add3A_29, %dma_wait3A_160] : memref<32x82x128xi32, #tpu.memory_space<hbm>> -> memref<1x1x128xi32, #tpu.memory_space<hbm>>
      %dma_wait3A_162 = tpu.memref_squeeze %dma_wait3A_161 : memref<1x1x128xi32, #tpu.memory_space<hbm>> -> memref<128xi32, #tpu.memory_space<hbm>>
      %dma_wait3A_163 = arith.constant 0 : i32
      %dma_wait3A_164 = tpu.memref_slice %arg4[%add3A, %add3A_29, %dma_wait3A_163] : memref<32x82x128xi32, #tpu.memory_space<hbm>> -> memref<1x1x128xi32, #tpu.memory_space<hbm>>
      %dma_wait3A_165 = tpu.memref_squeeze %dma_wait3A_164 : memref<1x1x128xi32, #tpu.memory_space<hbm>> -> memref<128xi32, #tpu.memory_space<hbm>>
      tpu.wait_dma2 semaphore(%arg19 : memref<!tpu.dma_semaphore, #tpu.memory_space<semaphore_mem>>) src(%dma_wait3A_165 : memref<128xi32, #tpu.memory_space<hbm>>) dst(%arg12 : memref<128xi32, #tpu.memory_space<vmem>>)
      %dma_wait3A_166 = arith.constant 0 : i32
      %dma_wait3A_167 = tpu.memref_slice %arg5[%add3A, %add3A_29, %dma_wait3A_166] : memref<32x82x128xf32, #tpu.memory_space<hbm>> -> memref<1x1x128xf32, #tpu.memory_space<hbm>>
      %dma_wait3A_168 = tpu.memref_squeeze %dma_wait3A_167 : memref<1x1x128xf32, #tpu.memory_space<hbm>> -> memref<128xf32, #tpu.memory_space<hbm>>
      %dma_wait3A_169 = arith.constant 0 : i32
      %dma_wait3A_170 = tpu.memref_slice %arg5[%add3A, %add3A_29, %dma_wait3A_169] : memref<32x82x128xf32, #tpu.memory_space<hbm>> -> memref<1x1x128xf32, #tpu.memory_space<hbm>>
      %dma_wait3A_171 = tpu.memref_squeeze %dma_wait3A_170 : memref<1x1x128xf32, #tpu.memory_space<hbm>> -> memref<128xf32, #tpu.memory_space<hbm>>
      tpu.wait_dma2 semaphore(%arg19 : memref<!tpu.dma_semaphore, #tpu.memory_space<semaphore_mem>>) src(%dma_wait3A_171 : memref<128xf32, #tpu.memory_space<hbm>>) dst(%arg14 : memref<128xf32, #tpu.memory_space<vmem>>)
      %scan3A_172 = arith.constant 0 : i32
      %scan3A_173 = arith.constant 0 : i32
      %scan3A_174 = arith.constant 128 : i32
      %scan3A_175 = arith.addi %scan3A_173, %scan3A_174 : i32
      %scan3A_176 = arith.constant 1 : i32
      scf.for %scan3A_178 = %scan3A_173 to %scan3A_175 step %scan3A_176  : i32 {
        %broadcast_in_dim3A = arith.constant 0 : i32
        %broadcast_in_dim3A_179 = vector.broadcast %broadcast_in_dim3A : i32 to vector<16xi32>
        %add3A_180 = vector.broadcast %scan3A_178 : i32 to vector<16xi32>
        %add3A_181 = arith.addi %broadcast_in_dim3A_179, %add3A_180 : vector<16xi32>
        %gather3A = tpu.vector_load_idx %arg14[%add3A_181] : memref<128xf32, #tpu.memory_space<vmem>>[vector<16xi32>], vector<16xf32>,
        %get3A_182 = arith.index_cast %scan3A_178 : i32 to index
        %get3A_183 = arith.constant 0 : index
        %get3A_184 = tpu.vector_load %arg16[%get3A_182, %get3A_183] {strides = array<i32>} : memref<128x128xf32, #tpu.memory_space<vmem>>, vector<16xf32>,
        %mul3A_185 = arith.mulf %get3A_184, %gather3A : vector<16xf32>
        %swap3A_186 = arith.index_cast %scan3A_178 : i32 to index
        %swap3A_187 = arith.constant 0 : index
        %swap3A_188 = tpu.vector_load %arg16[%swap3A_186, %swap3A_187] {strides = array<i32>} : memref<128x128xf32, #tpu.memory_space<vmem>>, vector<16xf32>,
        tpu.vector_store %arg16[%swap3A_186, %swap3A_187], %mul3A_185 {strides = array<i32>} : memref<128x128xf32, #tpu.memory_space<vmem>>, vector<16xf32>,
        %get3A_189 = arith.index_cast %scan3A_178 : i32 to index
        %get3A_190 = arith.constant 16 : index
        %get3A_191 = tpu.vector_load %arg16[%get3A_189, %get3A_190] {strides = array<i32>} : memref<128x128xf32, #tpu.memory_space<vmem>>, vector<16xf32>,
        %mul3A_192 = arith.mulf %get3A_191, %gather3A : vector<16xf32>
        %swap3A_193 = arith.index_cast %scan3A_178 : i32 to index
        %swap3A_194 = arith.constant 16 : index
        %swap3A_195 = tpu.vector_load %arg16[%swap3A_193, %swap3A_194] {strides = array<i32>} : memref<128x128xf32, #tpu.memory_space<vmem>>, vector<16xf32>,
        tpu.vector_store %arg16[%swap3A_193, %swap3A_194], %mul3A_192 {strides = array<i32>} : memref<128x128xf32, #tpu.memory_space<vmem>>, vector<16xf32>,
        %get3A_196 = arith.index_cast %scan3A_178 : i32 to index
        %get3A_197 = arith.constant 32 : index
        %get3A_198 = tpu.vector_load %arg16[%get3A_196, %get3A_197] {strides = array<i32>} : memref<128x128xf32, #tpu.memory_space<vmem>>, vector<16xf32>,
        %mul3A_199 = arith.mulf %get3A_198, %gather3A : vector<16xf32>
        %swap3A_200 = arith.index_cast %scan3A_178 : i32 to index
        %swap3A_201 = arith.constant 32 : index
        %swap3A_202 = tpu.vector_load %arg16[%swap3A_200, %swap3A_201] {strides = array<i32>} : memref<128x128xf32, #tpu.memory_space<vmem>>, vector<16xf32>,
        tpu.vector_store %arg16[%swap3A_200, %swap3A_201], %mul3A_199 {strides = array<i32>} : memref<128x128xf32, #tpu.memory_space<vmem>>, vector<16xf32>,
        %get3A_203 = arith.index_cast %scan3A_178 : i32 to index
        %get3A_204 = arith.constant 48 : index
        %get3A_205 = tpu.vector_load %arg16[%get3A_203, %get3A_204] {strides = array<i32>} : memref<128x128xf32, #tpu.memory_space<vmem>>, vector<16xf32>,
        %mul3A_206 = arith.mulf %get3A_205, %gather3A : vector<16xf32>
        %swap3A_207 = arith.index_cast %scan3A_178 : i32 to index
        %swap3A_208 = arith.constant 48 : index
        %swap3A_209 = tpu.vector_load %arg16[%swap3A_207, %swap3A_208] {strides = array<i32>} : memref<128x128xf32, #tpu.memory_space<vmem>>, vector<16xf32>,
        tpu.vector_store %arg16[%swap3A_207, %swap3A_208], %mul3A_206 {strides = array<i32>} : memref<128x128xf32, #tpu.memory_space<vmem>>, vector<16xf32>,
        %get3A_210 = arith.index_cast %scan3A_178 : i32 to index
        %get3A_211 = arith.constant 64 : index
        %get3A_212 = tpu.vector_load %arg16[%get3A_210, %get3A_211] {strides = array<i32>} : memref<128x128xf32, #tpu.memory_space<vmem>>, vector<16xf32>,
        %mul3A_213 = arith.mulf %get3A_212, %gather3A : vector<16xf32>
        %swap3A_214 = arith.index_cast %scan3A_178 : i32 to index
        %swap3A_215 = arith.constant 64 : index
        %swap3A_216 = tpu.vector_load %arg16[%swap3A_214, %swap3A_215] {strides = array<i32>} : memref<128x128xf32, #tpu.memory_space<vmem>>, vector<16xf32>,
        tpu.vector_store %arg16[%swap3A_214, %swap3A_215], %mul3A_213 {strides = array<i32>} : memref<128x128xf32, #tpu.memory_space<vmem>>, vector<16xf32>,
        %get3A_217 = arith.index_cast %scan3A_178 : i32 to index
        %get3A_218 = arith.constant 80 : index
        %get3A_219 = tpu.vector_load %arg16[%get3A_217, %get3A_218] {strides = array<i32>} : memref<128x128xf32, #tpu.memory_space<vmem>>, vector<16xf32>,
        %mul3A_220 = arith.mulf %get3A_219, %gather3A : vector<16xf32>
        %swap3A_221 = arith.index_cast %scan3A_178 : i32 to index
        %swap3A_222 = arith.constant 80 : index
        %swap3A_223 = tpu.vector_load %arg16[%swap3A_221, %swap3A_222] {strides = array<i32>} : memref<128x128xf32, #tpu.memory_space<vmem>>, vector<16xf32>,
        tpu.vector_store %arg16[%swap3A_221, %swap3A_222], %mul3A_220 {strides = array<i32>} : memref<128x128xf32, #tpu.memory_space<vmem>>, vector<16xf32>,
        %get3A_224 = arith.index_cast %scan3A_178 : i32 to index
        %get3A_225 = arith.constant 96 : index
        %get3A_226 = tpu.vector_load %arg16[%get3A_224, %get3A_225] {strides = array<i32>} : memref<128x128xf32, #tpu.memory_space<vmem>>, vector<16xf32>,
        %mul3A_227 = arith.mulf %get3A_226, %gather3A : vector<16xf32>
        %swap3A_228 = arith.index_cast %scan3A_178 : i32 to index
        %swap3A_229 = arith.constant 96 : index
        %swap3A_230 = tpu.vector_load %arg16[%swap3A_228, %swap3A_229] {strides = array<i32>} : memref<128x128xf32, #tpu.memory_space<vmem>>, vector<16xf32>,
        tpu.vector_store %arg16[%swap3A_228, %swap3A_229], %mul3A_227 {strides = array<i32>} : memref<128x128xf32, #tpu.memory_space<vmem>>, vector<16xf32>,
        %get3A_231 = arith.index_cast %scan3A_178 : i32 to index
        %get3A_232 = arith.constant 112 : index
        %get3A_233 = tpu.vector_load %arg16[%get3A_231, %get3A_232] {strides = array<i32>} : memref<128x128xf32, #tpu.memory_space<vmem>>, vector<16xf32>,
        %mul3A_234 = arith.mulf %get3A_233, %gather3A : vector<16xf32>
        %swap3A_235 = arith.index_cast %scan3A_178 : i32 to index
        %swap3A_236 = arith.constant 112 : index
        %swap3A_237 = tpu.vector_load %arg16[%swap3A_235, %swap3A_236] {strides = array<i32>} : memref<128x128xf32, #tpu.memory_space<vmem>>, vector<16xf32>,
        tpu.vector_store %arg16[%swap3A_235, %swap3A_236], %mul3A_234 {strides = array<i32>} : memref<128x128xf32, #tpu.memory_space<vmem>>, vector<16xf32>,
      }
      %scan3A_177 = arith.constant 128 : i32
      "tpu.region"() ({
        %run_scoped3A = tpu.sem_alloc : memref<!tpu.dma_semaphore, #tpu.memory_space<semaphore_mem>>
        %dma_start3A_178 = arith.constant 0 : i32
        %dma_start3A_179 = arith.constant 0 : i32
        %dma_start3A_180 = tpu.memref_slice %arg17[%dma_start3A_178, %dma_start3A_179] : memref<10000x128xf32, #tpu.memory_space<vmem_shared>> -> memref<10000x128xf32, #tpu.memory_space<vmem_shared>>
        tpu.enqueue_indirect_dma source(%arg16 : memref<128x128xf32, #tpu.memory_space<vmem>>) target(%dma_start3A_180 : memref<10000x128xf32, #tpu.memory_space<vmem_shared>>) offsets(%arg12 : memref<128xi32, #tpu.memory_space<vmem>>) semaphore(%run_scoped3A : memref<!tpu.dma_semaphore, #tpu.memory_space<semaphore_mem>>) {add = true}
        %dma_wait3A_181 = arith.constant 0 : i32
        %dma_wait3A_182 = arith.constant 0 : i32
        %dma_wait3A_183 = tpu.memref_slice %arg17[%dma_wait3A_181, %dma_wait3A_182] : memref<10000x128xf32, #tpu.memory_space<vmem_shared>> -> memref<10000x128xf32, #tpu.memory_space<vmem_shared>>
        tpu.wait_indirect_dma semaphore(%run_scoped3A : memref<!tpu.dma_semaphore, #tpu.memory_space<semaphore_mem>>) src(%arg16 : memref<128x128xf32, #tpu.memory_space<vmem>>) dst(%dma_wait3A_183 : memref<10000x128xf32, #tpu.memory_space<vmem_shared>>)
        tpu.yield
      }) : () -> ()
    }
    %scan3A_11 = arith.constant 41 : i32
    %barrier3A_12 = arith.constant 0 : index
    tpu.barrier barrier_id(%barrier3A_12)
    %lt3A_13 = arith.constant 15 : i32
    %lt3A_14 = arith.cmpi slt, %arg1, %lt3A_13 : i32
    %convert_element_type3A_15 = arith.extui %lt3A_14 : i1 to i32
    %cond3A_16 = arith.constant 0 : i32
    %cond3A_17 = arith.cmpi ne, %convert_element_type3A_15, %cond3A_16 : i32
    scf.if %cond3A_17 {
      %mul3A_23 = arith.constant 640 : i32
      %mul3A_24 = arith.muli %mul3A_23, %arg1 : i32
      "tpu.region"() ({
        %run_scoped3A = tpu.sem_alloc : memref<!tpu.dma_semaphore, #tpu.memory_space<semaphore_mem>>
        %dma_start3A = arith.constant 0 : i32
        %dma_start3A_25 = tpu.memref_slice %arg7[%arg0, %mul3A_24, %dma_start3A] : memref<2x10000x128xf32, #tpu.memory_space<hbm>> -> memref<1x640x128xf32, #tpu.memory_space<hbm>>
        %dma_start3A_26 = tpu.memref_squeeze %dma_start3A_25 : memref<1x640x128xf32, #tpu.memory_space<hbm>> -> memref<640x128xf32, #tpu.memory_space<hbm>>
        %dma_start3A_27 = arith.constant 0 : i32
        %dma_start3A_28 = tpu.memref_slice %arg17[%mul3A_24, %dma_start3A_27] : memref<10000x128xf32, #tpu.memory_space<vmem_shared>> -> memref<640x128xf32, #tpu.memory_space<vmem_shared>>
        tpu.enqueue_dma source(%dma_start3A_28 : memref<640x128xf32, #tpu.memory_space<vmem_shared>>) target(%dma_start3A_26 : memref<640x128xf32, #tpu.memory_space<hbm>>) target_semaphore(%run_scoped3A : memref<!tpu.dma_semaphore, #tpu.memory_space<semaphore_mem>>)
        %dma_wait3A = arith.constant 0 : i32
        %dma_wait3A_29 = tpu.memref_slice %arg7[%arg0, %mul3A_24, %dma_wait3A] : memref<2x10000x128xf32, #tpu.memory_space<hbm>> -> memref<1x640x128xf32, #tpu.memory_space<hbm>>
        %dma_wait3A_30 = tpu.memref_squeeze %dma_wait3A_29 : memref<1x640x128xf32, #tpu.memory_space<hbm>> -> memref<640x128xf32, #tpu.memory_space<hbm>>
        %dma_wait3A_31 = arith.constant 0 : i32
        %dma_wait3A_32 = tpu.memref_slice %arg17[%mul3A_24, %dma_wait3A_31] : memref<10000x128xf32, #tpu.memory_space<vmem_shared>> -> memref<640x128xf32, #tpu.memory_space<vmem_shared>>
        tpu.wait_dma2 semaphore(%run_scoped3A : memref<!tpu.dma_semaphore, #tpu.memory_space<semaphore_mem>>) src(%dma_wait3A_32 : memref<640x128xf32, #tpu.memory_space<vmem_shared>>) dst(%dma_wait3A_30 : memref<640x128xf32, #tpu.memory_space<hbm>>)
        tpu.yield
      }) : () -> ()
    } else {
    }
    %eq3A_18 = arith.constant 15 : i32
    %eq3A_19 = arith.cmpi eq, %arg1, %eq3A_18 : i32
    %convert_element_type3A_20 = arith.extui %eq3A_19 : i1 to i32
    %cond3A_21 = arith.constant 0 : i32
    %cond3A_22 = arith.cmpi ne, %convert_element_type3A_20, %cond3A_21 : i32
    scf.if %cond3A_22 {
      "tpu.region"() ({
        %run_scoped3A = tpu.sem_alloc : memref<!tpu.dma_semaphore, #tpu.memory_space<semaphore_mem>>
        %dma_start3A = arith.constant 9600 : i32
        %dma_start3A_23 = arith.constant 0 : i32
        %dma_start3A_24 = tpu.memref_slice %arg7[%arg0, %dma_start3A, %dma_start3A_23] : memref<2x10000x128xf32, #tpu.memory_space<hbm>> -> memref<1x400x128xf32, #tpu.memory_space<hbm>>
        %dma_start3A_25 = tpu.memref_squeeze %dma_start3A_24 : memref<1x400x128xf32, #tpu.memory_space<hbm>> -> memref<400x128xf32, #tpu.memory_space<hbm>>
        %dma_start3A_26 = arith.constant 9600 : i32
        %dma_start3A_27 = arith.constant 0 : i32
        %dma_start3A_28 = tpu.memref_slice %arg17[%dma_start3A_26, %dma_start3A_27] : memref<10000x128xf32, #tpu.memory_space<vmem_shared>> -> memref<400x128xf32, #tpu.memory_space<vmem_shared>>
        tpu.enqueue_dma source(%dma_start3A_28 : memref<400x128xf32, #tpu.memory_space<vmem_shared>>) target(%dma_start3A_25 : memref<400x128xf32, #tpu.memory_space<hbm>>) target_semaphore(%run_scoped3A : memref<!tpu.dma_semaphore, #tpu.memory_space<semaphore_mem>>)
        %dma_wait3A = arith.constant 9600 : i32
        %dma_wait3A_29 = arith.constant 0 : i32
        %dma_wait3A_30 = tpu.memref_slice %arg7[%arg0, %dma_wait3A, %dma_wait3A_29] : memref<2x10000x128xf32, #tpu.memory_space<hbm>> -> memref<1x400x128xf32, #tpu.memory_space<hbm>>
        %dma_wait3A_31 = tpu.memref_squeeze %dma_wait3A_30 : memref<1x400x128xf32, #tpu.memory_space<hbm>> -> memref<400x128xf32, #tpu.memory_space<hbm>>
        %dma_wait3A_32 = arith.constant 9600 : i32
        %dma_wait3A_33 = arith.constant 0 : i32
        %dma_wait3A_34 = tpu.memref_slice %arg17[%dma_wait3A_32, %dma_wait3A_33] : memref<10000x128xf32, #tpu.memory_space<vmem_shared>> -> memref<400x128xf32, #tpu.memory_space<vmem_shared>>
        tpu.wait_dma2 semaphore(%run_scoped3A : memref<!tpu.dma_semaphore, #tpu.memory_space<semaphore_mem>>) src(%dma_wait3A_34 : memref<400x128xf32, #tpu.memory_space<vmem_shared>>) dst(%dma_wait3A_31 : memref<400x128xf32, #tpu.memory_space<hbm>>)
        tpu.yield
      }) : () -> ()
    } else {
    }
    return
  }
}

#map = affine_map<(d0, d1) -> (0, 0, 0)>
module attributes {stable_mosaic.version = 14 : i64} {
  func.func @body(%arg0: i32, %arg1: i32, %arg2: memref<32x82x128xi32, #tpu.memory_space<hbm>>, %arg3: memref<32x82x128xi32, #tpu.memory_space<hbm>>, %arg4: memref<32x82x128xf32, #tpu.memory_space<hbm>>, %arg5: memref<2x80x128xf32, #tpu.memory_space<hbm>>, %arg6: memref<32x82x128xf32, #tpu.memory_space<hbm>>, %arg7: memref<82x128xi32, #tpu.memory_space<vmem>>, %arg8: memref<82x128xi32, #tpu.memory_space<vmem>>, %arg9: memref<82x128xf32, #tpu.memory_space<vmem>>, %arg10: memref<82x128xf32, #tpu.memory_space<vmem>>, %arg11: memref<80x128xf32, #tpu.memory_space<vmem>>, %arg12: memref<80x128xf32, #tpu.memory_space<vmem>>) attributes {dimension_semantics = [#tpu.dimension_semantics<core_parallel>, #tpu.dimension_semantics<subcore_parallel>], iteration_bounds = array<i64: 2, 16>, scalar_prefetch = 0 : i64, scratch_operands = 6 : i64, tpu.core_type = #tpu.core_type<sc_vector_subcore>, window_params = [{transform_indices = #map}, {transform_indices = #map}, {transform_indices = #map}, {transform_indices = #map}, {transform_indices = #map}]} {
    %mul3A = arith.constant 16 : i32
    %mul3A_0 = arith.muli %arg0, %mul3A : i32
    %add3A = arith.addi %mul3A_0, %arg1 : i32
    "tpu.region"() ({
      %run_scoped3A_7 = tpu.sem_alloc : memref<!tpu.dma_semaphore, #tpu.memory_space<semaphore_mem>>
      %dma_start3A = arith.constant 0 : i32
      %dma_start3A_8 = arith.constant 0 : i32
      %dma_start3A_9 = tpu.memref_slice %arg2[%add3A, %dma_start3A, %dma_start3A_8] : memref<32x82x128xi32, #tpu.memory_space<hbm>> -> memref<1x82x128xi32, #tpu.memory_space<hbm>>
      %dma_start3A_10 = tpu.memref_squeeze %dma_start3A_9 : memref<1x82x128xi32, #tpu.memory_space<hbm>> -> memref<82x128xi32, #tpu.memory_space<hbm>>
      %dma_start3A_11 = arith.constant 0 : i32
      %dma_start3A_12 = arith.constant 0 : i32
      %dma_start3A_13 = tpu.memref_slice %arg2[%add3A, %dma_start3A_11, %dma_start3A_12] : memref<32x82x128xi32, #tpu.memory_space<hbm>> -> memref<1x82x128xi32, #tpu.memory_space<hbm>>
      %dma_start3A_14 = tpu.memref_squeeze %dma_start3A_13 : memref<1x82x128xi32, #tpu.memory_space<hbm>> -> memref<82x128xi32, #tpu.memory_space<hbm>>
      tpu.enqueue_dma source(%dma_start3A_14 : memref<82x128xi32, #tpu.memory_space<hbm>>) target(%arg7 : memref<82x128xi32, #tpu.memory_space<vmem>>) target_semaphore(%run_scoped3A_7 : memref<!tpu.dma_semaphore, #tpu.memory_space<semaphore_mem>>)
      %dma_wait3A = arith.constant 0 : i32
      %dma_wait3A_15 = arith.constant 0 : i32
      %dma_wait3A_16 = tpu.memref_slice %arg2[%add3A, %dma_wait3A, %dma_wait3A_15] : memref<32x82x128xi32, #tpu.memory_space<hbm>> -> memref<1x82x128xi32, #tpu.memory_space<hbm>>
      %dma_wait3A_17 = tpu.memref_squeeze %dma_wait3A_16 : memref<1x82x128xi32, #tpu.memory_space<hbm>> -> memref<82x128xi32, #tpu.memory_space<hbm>>
      %dma_wait3A_18 = arith.constant 0 : i32
      %dma_wait3A_19 = arith.constant 0 : i32
      %dma_wait3A_20 = tpu.memref_slice %arg2[%add3A, %dma_wait3A_18, %dma_wait3A_19] : memref<32x82x128xi32, #tpu.memory_space<hbm>> -> memref<1x82x128xi32, #tpu.memory_space<hbm>>
      %dma_wait3A_21 = tpu.memref_squeeze %dma_wait3A_20 : memref<1x82x128xi32, #tpu.memory_space<hbm>> -> memref<82x128xi32, #tpu.memory_space<hbm>>
      tpu.wait_dma2 semaphore(%run_scoped3A_7 : memref<!tpu.dma_semaphore, #tpu.memory_space<semaphore_mem>>) src(%dma_wait3A_21 : memref<82x128xi32, #tpu.memory_space<hbm>>) dst(%arg7 : memref<82x128xi32, #tpu.memory_space<vmem>>)
      tpu.yield
    }) : () -> ()
    "tpu.region"() ({
      %run_scoped3A_7 = tpu.sem_alloc : memref<!tpu.dma_semaphore, #tpu.memory_space<semaphore_mem>>
      %dma_start3A = arith.constant 0 : i32
      %dma_start3A_8 = arith.constant 0 : i32
      %dma_start3A_9 = tpu.memref_slice %arg3[%add3A, %dma_start3A, %dma_start3A_8] : memref<32x82x128xi32, #tpu.memory_space<hbm>> -> memref<1x82x128xi32, #tpu.memory_space<hbm>>
      %dma_start3A_10 = tpu.memref_squeeze %dma_start3A_9 : memref<1x82x128xi32, #tpu.memory_space<hbm>> -> memref<82x128xi32, #tpu.memory_space<hbm>>
      %dma_start3A_11 = arith.constant 0 : i32
      %dma_start3A_12 = arith.constant 0 : i32
      %dma_start3A_13 = tpu.memref_slice %arg3[%add3A, %dma_start3A_11, %dma_start3A_12] : memref<32x82x128xi32, #tpu.memory_space<hbm>> -> memref<1x82x128xi32, #tpu.memory_space<hbm>>
      %dma_start3A_14 = tpu.memref_squeeze %dma_start3A_13 : memref<1x82x128xi32, #tpu.memory_space<hbm>> -> memref<82x128xi32, #tpu.memory_space<hbm>>
      tpu.enqueue_dma source(%dma_start3A_14 : memref<82x128xi32, #tpu.memory_space<hbm>>) target(%arg8 : memref<82x128xi32, #tpu.memory_space<vmem>>) target_semaphore(%run_scoped3A_7 : memref<!tpu.dma_semaphore, #tpu.memory_space<semaphore_mem>>)
      %dma_wait3A = arith.constant 0 : i32
      %dma_wait3A_15 = arith.constant 0 : i32
      %dma_wait3A_16 = tpu.memref_slice %arg3[%add3A, %dma_wait3A, %dma_wait3A_15] : memref<32x82x128xi32, #tpu.memory_space<hbm>> -> memref<1x82x128xi32, #tpu.memory_space<hbm>>
      %dma_wait3A_17 = tpu.memref_squeeze %dma_wait3A_16 : memref<1x82x128xi32, #tpu.memory_space<hbm>> -> memref<82x128xi32, #tpu.memory_space<hbm>>
      %dma_wait3A_18 = arith.constant 0 : i32
      %dma_wait3A_19 = arith.constant 0 : i32
      %dma_wait3A_20 = tpu.memref_slice %arg3[%add3A, %dma_wait3A_18, %dma_wait3A_19] : memref<32x82x128xi32, #tpu.memory_space<hbm>> -> memref<1x82x128xi32, #tpu.memory_space<hbm>>
      %dma_wait3A_21 = tpu.memref_squeeze %dma_wait3A_20 : memref<1x82x128xi32, #tpu.memory_space<hbm>> -> memref<82x128xi32, #tpu.memory_space<hbm>>
      tpu.wait_dma2 semaphore(%run_scoped3A_7 : memref<!tpu.dma_semaphore, #tpu.memory_space<semaphore_mem>>) src(%dma_wait3A_21 : memref<82x128xi32, #tpu.memory_space<hbm>>) dst(%arg8 : memref<82x128xi32, #tpu.memory_space<vmem>>)
      tpu.yield
    }) : () -> ()
    "tpu.region"() ({
      %run_scoped3A_7 = tpu.sem_alloc : memref<!tpu.dma_semaphore, #tpu.memory_space<semaphore_mem>>
      %dma_start3A = arith.constant 0 : i32
      %dma_start3A_8 = arith.constant 0 : i32
      %dma_start3A_9 = tpu.memref_slice %arg4[%add3A, %dma_start3A, %dma_start3A_8] : memref<32x82x128xf32, #tpu.memory_space<hbm>> -> memref<1x82x128xf32, #tpu.memory_space<hbm>>
      %dma_start3A_10 = tpu.memref_squeeze %dma_start3A_9 : memref<1x82x128xf32, #tpu.memory_space<hbm>> -> memref<82x128xf32, #tpu.memory_space<hbm>>
      %dma_start3A_11 = arith.constant 0 : i32
      %dma_start3A_12 = arith.constant 0 : i32
      %dma_start3A_13 = tpu.memref_slice %arg4[%add3A, %dma_start3A_11, %dma_start3A_12] : memref<32x82x128xf32, #tpu.memory_space<hbm>> -> memref<1x82x128xf32, #tpu.memory_space<hbm>>
      %dma_start3A_14 = tpu.memref_squeeze %dma_start3A_13 : memref<1x82x128xf32, #tpu.memory_space<hbm>> -> memref<82x128xf32, #tpu.memory_space<hbm>>
      tpu.enqueue_dma source(%dma_start3A_14 : memref<82x128xf32, #tpu.memory_space<hbm>>) target(%arg9 : memref<82x128xf32, #tpu.memory_space<vmem>>) target_semaphore(%run_scoped3A_7 : memref<!tpu.dma_semaphore, #tpu.memory_space<semaphore_mem>>)
      %dma_wait3A = arith.constant 0 : i32
      %dma_wait3A_15 = arith.constant 0 : i32
      %dma_wait3A_16 = tpu.memref_slice %arg4[%add3A, %dma_wait3A, %dma_wait3A_15] : memref<32x82x128xf32, #tpu.memory_space<hbm>> -> memref<1x82x128xf32, #tpu.memory_space<hbm>>
      %dma_wait3A_17 = tpu.memref_squeeze %dma_wait3A_16 : memref<1x82x128xf32, #tpu.memory_space<hbm>> -> memref<82x128xf32, #tpu.memory_space<hbm>>
      %dma_wait3A_18 = arith.constant 0 : i32
      %dma_wait3A_19 = arith.constant 0 : i32
      %dma_wait3A_20 = tpu.memref_slice %arg4[%add3A, %dma_wait3A_18, %dma_wait3A_19] : memref<32x82x128xf32, #tpu.memory_space<hbm>> -> memref<1x82x128xf32, #tpu.memory_space<hbm>>
      %dma_wait3A_21 = tpu.memref_squeeze %dma_wait3A_20 : memref<1x82x128xf32, #tpu.memory_space<hbm>> -> memref<82x128xf32, #tpu.memory_space<hbm>>
      tpu.wait_dma2 semaphore(%run_scoped3A_7 : memref<!tpu.dma_semaphore, #tpu.memory_space<semaphore_mem>>) src(%dma_wait3A_21 : memref<82x128xf32, #tpu.memory_space<hbm>>) dst(%arg9 : memref<82x128xf32, #tpu.memory_space<vmem>>)
      tpu.yield
    }) : () -> ()
    %run_scoped3A = arith.constant 0 : i32
    "tpu.region"() ({
      %run_scoped3A_7 = tpu.sem_alloc : memref<!tpu.dma_semaphore, #tpu.memory_space<semaphore_mem>>
      %dma_start3A = arith.constant 0 : i32
      %dma_start3A_8 = arith.constant 0 : i32
      %dma_start3A_9 = tpu.memref_slice %arg5[%run_scoped3A, %dma_start3A, %dma_start3A_8] : memref<2x80x128xf32, #tpu.memory_space<hbm>> -> memref<1x80x128xf32, #tpu.memory_space<hbm>>
      %dma_start3A_10 = tpu.memref_squeeze %dma_start3A_9 : memref<1x80x128xf32, #tpu.memory_space<hbm>> -> memref<80x128xf32, #tpu.memory_space<hbm>>
      %dma_start3A_11 = arith.constant 0 : i32
      %dma_start3A_12 = arith.constant 0 : i32
      %dma_start3A_13 = tpu.memref_slice %arg5[%run_scoped3A, %dma_start3A_11, %dma_start3A_12] : memref<2x80x128xf32, #tpu.memory_space<hbm>> -> memref<1x80x128xf32, #tpu.memory_space<hbm>>
      %dma_start3A_14 = tpu.memref_squeeze %dma_start3A_13 : memref<1x80x128xf32, #tpu.memory_space<hbm>> -> memref<80x128xf32, #tpu.memory_space<hbm>>
      tpu.enqueue_dma source(%dma_start3A_14 : memref<80x128xf32, #tpu.memory_space<hbm>>) target(%arg11 : memref<80x128xf32, #tpu.memory_space<vmem>>) target_semaphore(%run_scoped3A_7 : memref<!tpu.dma_semaphore, #tpu.memory_space<semaphore_mem>>)
      %dma_wait3A = arith.constant 0 : i32
      %dma_wait3A_15 = arith.constant 0 : i32
      %dma_wait3A_16 = tpu.memref_slice %arg5[%run_scoped3A, %dma_wait3A, %dma_wait3A_15] : memref<2x80x128xf32, #tpu.memory_space<hbm>> -> memref<1x80x128xf32, #tpu.memory_space<hbm>>
      %dma_wait3A_17 = tpu.memref_squeeze %dma_wait3A_16 : memref<1x80x128xf32, #tpu.memory_space<hbm>> -> memref<80x128xf32, #tpu.memory_space<hbm>>
      %dma_wait3A_18 = arith.constant 0 : i32
      %dma_wait3A_19 = arith.constant 0 : i32
      %dma_wait3A_20 = tpu.memref_slice %arg5[%run_scoped3A, %dma_wait3A_18, %dma_wait3A_19] : memref<2x80x128xf32, #tpu.memory_space<hbm>> -> memref<1x80x128xf32, #tpu.memory_space<hbm>>
      %dma_wait3A_21 = tpu.memref_squeeze %dma_wait3A_20 : memref<1x80x128xf32, #tpu.memory_space<hbm>> -> memref<80x128xf32, #tpu.memory_space<hbm>>
      tpu.wait_dma2 semaphore(%run_scoped3A_7 : memref<!tpu.dma_semaphore, #tpu.memory_space<semaphore_mem>>) src(%dma_wait3A_21 : memref<80x128xf32, #tpu.memory_space<hbm>>) dst(%arg11 : memref<80x128xf32, #tpu.memory_space<vmem>>)
      tpu.yield
    }) : () -> ()
    %run_scoped3A_1 = arith.constant 1 : i32
    "tpu.region"() ({
      %run_scoped3A_7 = tpu.sem_alloc : memref<!tpu.dma_semaphore, #tpu.memory_space<semaphore_mem>>
      %dma_start3A = arith.constant 0 : i32
      %dma_start3A_8 = arith.constant 0 : i32
      %dma_start3A_9 = tpu.memref_slice %arg5[%run_scoped3A_1, %dma_start3A, %dma_start3A_8] : memref<2x80x128xf32, #tpu.memory_space<hbm>> -> memref<1x80x128xf32, #tpu.memory_space<hbm>>
      %dma_start3A_10 = tpu.memref_squeeze %dma_start3A_9 : memref<1x80x128xf32, #tpu.memory_space<hbm>> -> memref<80x128xf32, #tpu.memory_space<hbm>>
      %dma_start3A_11 = arith.constant 0 : i32
      %dma_start3A_12 = arith.constant 0 : i32
      %dma_start3A_13 = tpu.memref_slice %arg5[%run_scoped3A_1, %dma_start3A_11, %dma_start3A_12] : memref<2x80x128xf32, #tpu.memory_space<hbm>> -> memref<1x80x128xf32, #tpu.memory_space<hbm>>
      %dma_start3A_14 = tpu.memref_squeeze %dma_start3A_13 : memref<1x80x128xf32, #tpu.memory_space<hbm>> -> memref<80x128xf32, #tpu.memory_space<hbm>>
      tpu.enqueue_dma source(%dma_start3A_14 : memref<80x128xf32, #tpu.memory_space<hbm>>) target(%arg12 : memref<80x128xf32, #tpu.memory_space<vmem>>) target_semaphore(%run_scoped3A_7 : memref<!tpu.dma_semaphore, #tpu.memory_space<semaphore_mem>>)
      %dma_wait3A = arith.constant 0 : i32
      %dma_wait3A_15 = arith.constant 0 : i32
      %dma_wait3A_16 = tpu.memref_slice %arg5[%run_scoped3A_1, %dma_wait3A, %dma_wait3A_15] : memref<2x80x128xf32, #tpu.memory_space<hbm>> -> memref<1x80x128xf32, #tpu.memory_space<hbm>>
      %dma_wait3A_17 = tpu.memref_squeeze %dma_wait3A_16 : memref<1x80x128xf32, #tpu.memory_space<hbm>> -> memref<80x128xf32, #tpu.memory_space<hbm>>
      %dma_wait3A_18 = arith.constant 0 : i32
      %dma_wait3A_19 = arith.constant 0 : i32
      %dma_wait3A_20 = tpu.memref_slice %arg5[%run_scoped3A_1, %dma_wait3A_18, %dma_wait3A_19] : memref<2x80x128xf32, #tpu.memory_space<hbm>> -> memref<1x80x128xf32, #tpu.memory_space<hbm>>
      %dma_wait3A_21 = tpu.memref_squeeze %dma_wait3A_20 : memref<1x80x128xf32, #tpu.memory_space<hbm>> -> memref<80x128xf32, #tpu.memory_space<hbm>>
      tpu.wait_dma2 semaphore(%run_scoped3A_7 : memref<!tpu.dma_semaphore, #tpu.memory_space<semaphore_mem>>) src(%dma_wait3A_21 : memref<80x128xf32, #tpu.memory_space<hbm>>) dst(%arg12 : memref<80x128xf32, #tpu.memory_space<vmem>>)
      tpu.yield
    }) : () -> ()
    %scan3A = arith.constant 0 : i32
    %scan3A_2 = arith.constant 0 : i32
    %scan3A_3 = arith.constant 82 : i32
    %scan3A_4 = arith.addi %scan3A_2, %scan3A_3 : i32
    %scan3A_5 = arith.constant 1 : i32
    scf.for %scan3A_7 = %scan3A_2 to %scan3A_4 step %scan3A_5  : i32 {
      %get3A = arith.index_cast %scan3A_7 : i32 to index
      %get3A_8 = arith.constant 0 : index
      %get3A_9 = tpu.vector_load %arg7[%get3A, %get3A_8] {strides = array<i32>} : memref<82x128xi32, #tpu.memory_space<vmem>>, vector<16xi32>,
      %get3A_10 = arith.index_cast %scan3A_7 : i32 to index
      %get3A_11 = arith.constant 0 : index
      %get3A_12 = tpu.vector_load %arg8[%get3A_10, %get3A_11] {strides = array<i32>} : memref<82x128xi32, #tpu.memory_space<vmem>>, vector<16xi32>,
      %get3A_13 = arith.index_cast %scan3A_7 : i32 to index
      %get3A_14 = arith.constant 0 : index
      %get3A_15 = tpu.vector_load %arg9[%get3A_13, %get3A_14] {strides = array<i32>} : memref<82x128xf32, #tpu.memory_space<vmem>>, vector<16xf32>,
      %shift_right_arithmetic3A = arith.constant 7 : i32
      %shift_right_arithmetic3A_16 = vector.broadcast %shift_right_arithmetic3A : i32 to vector<16xi32>
      %shift_right_arithmetic3A_17 = arith.shrsi %get3A_9, %shift_right_arithmetic3A_16 : vector<16xi32>
      %and3A = arith.constant 127 : i32
      %and3A_18 = vector.broadcast %and3A : i32 to vector<16xi32>
      %and3A_19 = arith.andi %get3A_9, %and3A_18 : vector<16xi32>
      %gather3A = tpu.vector_load_idx %arg11[%shift_right_arithmetic3A_17, %and3A_19] : memref<80x128xf32, #tpu.memory_space<vmem>>[vector<16xi32>, vector<16xi32>], vector<16xf32>,
      %shift_right_arithmetic3A_20 = arith.constant 7 : i32
      %shift_right_arithmetic3A_21 = vector.broadcast %shift_right_arithmetic3A_20 : i32 to vector<16xi32>
      %shift_right_arithmetic3A_22 = arith.shrsi %get3A_12, %shift_right_arithmetic3A_21 : vector<16xi32>
      %and3A_23 = arith.constant 127 : i32
      %and3A_24 = vector.broadcast %and3A_23 : i32 to vector<16xi32>
      %and3A_25 = arith.andi %get3A_12, %and3A_24 : vector<16xi32>
      %gather3A_26 = tpu.vector_load_idx %arg12[%shift_right_arithmetic3A_22, %and3A_25] : memref<80x128xf32, #tpu.memory_space<vmem>>[vector<16xi32>, vector<16xi32>], vector<16xf32>,
      %mul3A_27 = arith.mulf %get3A_15, %gather3A : vector<16xf32>
      %mul3A_28 = arith.mulf %mul3A_27, %gather3A_26 : vector<16xf32>
      %swap3A = arith.index_cast %scan3A_7 : i32 to index
      %swap3A_29 = arith.constant 0 : index
      %swap3A_30 = tpu.vector_load %arg10[%swap3A, %swap3A_29] {strides = array<i32>} : memref<82x128xf32, #tpu.memory_space<vmem>>, vector<16xf32>,
      tpu.vector_store %arg10[%swap3A, %swap3A_29], %mul3A_28 {strides = array<i32>} : memref<82x128xf32, #tpu.memory_space<vmem>>, vector<16xf32>,
      %get3A_31 = arith.index_cast %scan3A_7 : i32 to index
      %get3A_32 = arith.constant 16 : index
      %get3A_33 = tpu.vector_load %arg7[%get3A_31, %get3A_32] {strides = array<i32>} : memref<82x128xi32, #tpu.memory_space<vmem>>, vector<16xi32>,
      %get3A_34 = arith.index_cast %scan3A_7 : i32 to index
      %get3A_35 = arith.constant 16 : index
      %get3A_36 = tpu.vector_load %arg8[%get3A_34, %get3A_35] {strides = array<i32>} : memref<82x128xi32, #tpu.memory_space<vmem>>, vector<16xi32>,
      %get3A_37 = arith.index_cast %scan3A_7 : i32 to index
      %get3A_38 = arith.constant 16 : index
      %get3A_39 = tpu.vector_load %arg9[%get3A_37, %get3A_38] {strides = array<i32>} : memref<82x128xf32, #tpu.memory_space<vmem>>, vector<16xf32>,
      %shift_right_arithmetic3A_40 = arith.constant 7 : i32
      %shift_right_arithmetic3A_41 = vector.broadcast %shift_right_arithmetic3A_40 : i32 to vector<16xi32>
      %shift_right_arithmetic3A_42 = arith.shrsi %get3A_33, %shift_right_arithmetic3A_41 : vector<16xi32>
      %and3A_43 = arith.constant 127 : i32
      %and3A_44 = vector.broadcast %and3A_43 : i32 to vector<16xi32>
      %and3A_45 = arith.andi %get3A_33, %and3A_44 : vector<16xi32>
      %gather3A_46 = tpu.vector_load_idx %arg11[%shift_right_arithmetic3A_42, %and3A_45] : memref<80x128xf32, #tpu.memory_space<vmem>>[vector<16xi32>, vector<16xi32>], vector<16xf32>,
      %shift_right_arithmetic3A_47 = arith.constant 7 : i32
      %shift_right_arithmetic3A_48 = vector.broadcast %shift_right_arithmetic3A_47 : i32 to vector<16xi32>
      %shift_right_arithmetic3A_49 = arith.shrsi %get3A_36, %shift_right_arithmetic3A_48 : vector<16xi32>
      %and3A_50 = arith.constant 127 : i32
      %and3A_51 = vector.broadcast %and3A_50 : i32 to vector<16xi32>
      %and3A_52 = arith.andi %get3A_36, %and3A_51 : vector<16xi32>
      %gather3A_53 = tpu.vector_load_idx %arg12[%shift_right_arithmetic3A_49, %and3A_52] : memref<80x128xf32, #tpu.memory_space<vmem>>[vector<16xi32>, vector<16xi32>], vector<16xf32>,
      %mul3A_54 = arith.mulf %get3A_39, %gather3A_46 : vector<16xf32>
      %mul3A_55 = arith.mulf %mul3A_54, %gather3A_53 : vector<16xf32>
      %swap3A_56 = arith.index_cast %scan3A_7 : i32 to index
      %swap3A_57 = arith.constant 16 : index
      %swap3A_58 = tpu.vector_load %arg10[%swap3A_56, %swap3A_57] {strides = array<i32>} : memref<82x128xf32, #tpu.memory_space<vmem>>, vector<16xf32>,
      tpu.vector_store %arg10[%swap3A_56, %swap3A_57], %mul3A_55 {strides = array<i32>} : memref<82x128xf32, #tpu.memory_space<vmem>>, vector<16xf32>,
      %get3A_59 = arith.index_cast %scan3A_7 : i32 to index
      %get3A_60 = arith.constant 32 : index
      %get3A_61 = tpu.vector_load %arg7[%get3A_59, %get3A_60] {strides = array<i32>} : memref<82x128xi32, #tpu.memory_space<vmem>>, vector<16xi32>,
      %get3A_62 = arith.index_cast %scan3A_7 : i32 to index
      %get3A_63 = arith.constant 32 : index
      %get3A_64 = tpu.vector_load %arg8[%get3A_62, %get3A_63] {strides = array<i32>} : memref<82x128xi32, #tpu.memory_space<vmem>>, vector<16xi32>,
      %get3A_65 = arith.index_cast %scan3A_7 : i32 to index
      %get3A_66 = arith.constant 32 : index
      %get3A_67 = tpu.vector_load %arg9[%get3A_65, %get3A_66] {strides = array<i32>} : memref<82x128xf32, #tpu.memory_space<vmem>>, vector<16xf32>,
      %shift_right_arithmetic3A_68 = arith.constant 7 : i32
      %shift_right_arithmetic3A_69 = vector.broadcast %shift_right_arithmetic3A_68 : i32 to vector<16xi32>
      %shift_right_arithmetic3A_70 = arith.shrsi %get3A_61, %shift_right_arithmetic3A_69 : vector<16xi32>
      %and3A_71 = arith.constant 127 : i32
      %and3A_72 = vector.broadcast %and3A_71 : i32 to vector<16xi32>
      %and3A_73 = arith.andi %get3A_61, %and3A_72 : vector<16xi32>
      %gather3A_74 = tpu.vector_load_idx %arg11[%shift_right_arithmetic3A_70, %and3A_73] : memref<80x128xf32, #tpu.memory_space<vmem>>[vector<16xi32>, vector<16xi32>], vector<16xf32>,
      %shift_right_arithmetic3A_75 = arith.constant 7 : i32
      %shift_right_arithmetic3A_76 = vector.broadcast %shift_right_arithmetic3A_75 : i32 to vector<16xi32>
      %shift_right_arithmetic3A_77 = arith.shrsi %get3A_64, %shift_right_arithmetic3A_76 : vector<16xi32>
      %and3A_78 = arith.constant 127 : i32
      %and3A_79 = vector.broadcast %and3A_78 : i32 to vector<16xi32>
      %and3A_80 = arith.andi %get3A_64, %and3A_79 : vector<16xi32>
      %gather3A_81 = tpu.vector_load_idx %arg12[%shift_right_arithmetic3A_77, %and3A_80] : memref<80x128xf32, #tpu.memory_space<vmem>>[vector<16xi32>, vector<16xi32>], vector<16xf32>,
      %mul3A_82 = arith.mulf %get3A_67, %gather3A_74 : vector<16xf32>
      %mul3A_83 = arith.mulf %mul3A_82, %gather3A_81 : vector<16xf32>
      %swap3A_84 = arith.index_cast %scan3A_7 : i32 to index
      %swap3A_85 = arith.constant 32 : index
      %swap3A_86 = tpu.vector_load %arg10[%swap3A_84, %swap3A_85] {strides = array<i32>} : memref<82x128xf32, #tpu.memory_space<vmem>>, vector<16xf32>,
      tpu.vector_store %arg10[%swap3A_84, %swap3A_85], %mul3A_83 {strides = array<i32>} : memref<82x128xf32, #tpu.memory_space<vmem>>, vector<16xf32>,
      %get3A_87 = arith.index_cast %scan3A_7 : i32 to index
      %get3A_88 = arith.constant 48 : index
      %get3A_89 = tpu.vector_load %arg7[%get3A_87, %get3A_88] {strides = array<i32>} : memref<82x128xi32, #tpu.memory_space<vmem>>, vector<16xi32>,
      %get3A_90 = arith.index_cast %scan3A_7 : i32 to index
      %get3A_91 = arith.constant 48 : index
      %get3A_92 = tpu.vector_load %arg8[%get3A_90, %get3A_91] {strides = array<i32>} : memref<82x128xi32, #tpu.memory_space<vmem>>, vector<16xi32>,
      %get3A_93 = arith.index_cast %scan3A_7 : i32 to index
      %get3A_94 = arith.constant 48 : index
      %get3A_95 = tpu.vector_load %arg9[%get3A_93, %get3A_94] {strides = array<i32>} : memref<82x128xf32, #tpu.memory_space<vmem>>, vector<16xf32>,
      %shift_right_arithmetic3A_96 = arith.constant 7 : i32
      %shift_right_arithmetic3A_97 = vector.broadcast %shift_right_arithmetic3A_96 : i32 to vector<16xi32>
      %shift_right_arithmetic3A_98 = arith.shrsi %get3A_89, %shift_right_arithmetic3A_97 : vector<16xi32>
      %and3A_99 = arith.constant 127 : i32
      %and3A_100 = vector.broadcast %and3A_99 : i32 to vector<16xi32>
      %and3A_101 = arith.andi %get3A_89, %and3A_100 : vector<16xi32>
      %gather3A_102 = tpu.vector_load_idx %arg11[%shift_right_arithmetic3A_98, %and3A_101] : memref<80x128xf32, #tpu.memory_space<vmem>>[vector<16xi32>, vector<16xi32>], vector<16xf32>,
      %shift_right_arithmetic3A_103 = arith.constant 7 : i32
      %shift_right_arithmetic3A_104 = vector.broadcast %shift_right_arithmetic3A_103 : i32 to vector<16xi32>
      %shift_right_arithmetic3A_105 = arith.shrsi %get3A_92, %shift_right_arithmetic3A_104 : vector<16xi32>
      %and3A_106 = arith.constant 127 : i32
      %and3A_107 = vector.broadcast %and3A_106 : i32 to vector<16xi32>
      %and3A_108 = arith.andi %get3A_92, %and3A_107 : vector<16xi32>
      %gather3A_109 = tpu.vector_load_idx %arg12[%shift_right_arithmetic3A_105, %and3A_108] : memref<80x128xf32, #tpu.memory_space<vmem>>[vector<16xi32>, vector<16xi32>], vector<16xf32>,
      %mul3A_110 = arith.mulf %get3A_95, %gather3A_102 : vector<16xf32>
      %mul3A_111 = arith.mulf %mul3A_110, %gather3A_109 : vector<16xf32>
      %swap3A_112 = arith.index_cast %scan3A_7 : i32 to index
      %swap3A_113 = arith.constant 48 : index
      %swap3A_114 = tpu.vector_load %arg10[%swap3A_112, %swap3A_113] {strides = array<i32>} : memref<82x128xf32, #tpu.memory_space<vmem>>, vector<16xf32>,
      tpu.vector_store %arg10[%swap3A_112, %swap3A_113], %mul3A_111 {strides = array<i32>} : memref<82x128xf32, #tpu.memory_space<vmem>>, vector<16xf32>,
      %get3A_115 = arith.index_cast %scan3A_7 : i32 to index
      %get3A_116 = arith.constant 64 : index
      %get3A_117 = tpu.vector_load %arg7[%get3A_115, %get3A_116] {strides = array<i32>} : memref<82x128xi32, #tpu.memory_space<vmem>>, vector<16xi32>,
      %get3A_118 = arith.index_cast %scan3A_7 : i32 to index
      %get3A_119 = arith.constant 64 : index
      %get3A_120 = tpu.vector_load %arg8[%get3A_118, %get3A_119] {strides = array<i32>} : memref<82x128xi32, #tpu.memory_space<vmem>>, vector<16xi32>,
      %get3A_121 = arith.index_cast %scan3A_7 : i32 to index
      %get3A_122 = arith.constant 64 : index
      %get3A_123 = tpu.vector_load %arg9[%get3A_121, %get3A_122] {strides = array<i32>} : memref<82x128xf32, #tpu.memory_space<vmem>>, vector<16xf32>,
      %shift_right_arithmetic3A_124 = arith.constant 7 : i32
      %shift_right_arithmetic3A_125 = vector.broadcast %shift_right_arithmetic3A_124 : i32 to vector<16xi32>
      %shift_right_arithmetic3A_126 = arith.shrsi %get3A_117, %shift_right_arithmetic3A_125 : vector<16xi32>
      %and3A_127 = arith.constant 127 : i32
      %and3A_128 = vector.broadcast %and3A_127 : i32 to vector<16xi32>
      %and3A_129 = arith.andi %get3A_117, %and3A_128 : vector<16xi32>
      %gather3A_130 = tpu.vector_load_idx %arg11[%shift_right_arithmetic3A_126, %and3A_129] : memref<80x128xf32, #tpu.memory_space<vmem>>[vector<16xi32>, vector<16xi32>], vector<16xf32>,
      %shift_right_arithmetic3A_131 = arith.constant 7 : i32
      %shift_right_arithmetic3A_132 = vector.broadcast %shift_right_arithmetic3A_131 : i32 to vector<16xi32>
      %shift_right_arithmetic3A_133 = arith.shrsi %get3A_120, %shift_right_arithmetic3A_132 : vector<16xi32>
      %and3A_134 = arith.constant 127 : i32
      %and3A_135 = vector.broadcast %and3A_134 : i32 to vector<16xi32>
      %and3A_136 = arith.andi %get3A_120, %and3A_135 : vector<16xi32>
      %gather3A_137 = tpu.vector_load_idx %arg12[%shift_right_arithmetic3A_133, %and3A_136] : memref<80x128xf32, #tpu.memory_space<vmem>>[vector<16xi32>, vector<16xi32>], vector<16xf32>,
      %mul3A_138 = arith.mulf %get3A_123, %gather3A_130 : vector<16xf32>
      %mul3A_139 = arith.mulf %mul3A_138, %gather3A_137 : vector<16xf32>
      %swap3A_140 = arith.index_cast %scan3A_7 : i32 to index
      %swap3A_141 = arith.constant 64 : index
      %swap3A_142 = tpu.vector_load %arg10[%swap3A_140, %swap3A_141] {strides = array<i32>} : memref<82x128xf32, #tpu.memory_space<vmem>>, vector<16xf32>,
      tpu.vector_store %arg10[%swap3A_140, %swap3A_141], %mul3A_139 {strides = array<i32>} : memref<82x128xf32, #tpu.memory_space<vmem>>, vector<16xf32>,
      %get3A_143 = arith.index_cast %scan3A_7 : i32 to index
      %get3A_144 = arith.constant 80 : index
      %get3A_145 = tpu.vector_load %arg7[%get3A_143, %get3A_144] {strides = array<i32>} : memref<82x128xi32, #tpu.memory_space<vmem>>, vector<16xi32>,
      %get3A_146 = arith.index_cast %scan3A_7 : i32 to index
      %get3A_147 = arith.constant 80 : index
      %get3A_148 = tpu.vector_load %arg8[%get3A_146, %get3A_147] {strides = array<i32>} : memref<82x128xi32, #tpu.memory_space<vmem>>, vector<16xi32>,
      %get3A_149 = arith.index_cast %scan3A_7 : i32 to index
      %get3A_150 = arith.constant 80 : index
      %get3A_151 = tpu.vector_load %arg9[%get3A_149, %get3A_150] {strides = array<i32>} : memref<82x128xf32, #tpu.memory_space<vmem>>, vector<16xf32>,
      %shift_right_arithmetic3A_152 = arith.constant 7 : i32
      %shift_right_arithmetic3A_153 = vector.broadcast %shift_right_arithmetic3A_152 : i32 to vector<16xi32>
      %shift_right_arithmetic3A_154 = arith.shrsi %get3A_145, %shift_right_arithmetic3A_153 : vector<16xi32>
      %and3A_155 = arith.constant 127 : i32
      %and3A_156 = vector.broadcast %and3A_155 : i32 to vector<16xi32>
      %and3A_157 = arith.andi %get3A_145, %and3A_156 : vector<16xi32>
      %gather3A_158 = tpu.vector_load_idx %arg11[%shift_right_arithmetic3A_154, %and3A_157] : memref<80x128xf32, #tpu.memory_space<vmem>>[vector<16xi32>, vector<16xi32>], vector<16xf32>,
      %shift_right_arithmetic3A_159 = arith.constant 7 : i32
      %shift_right_arithmetic3A_160 = vector.broadcast %shift_right_arithmetic3A_159 : i32 to vector<16xi32>
      %shift_right_arithmetic3A_161 = arith.shrsi %get3A_148, %shift_right_arithmetic3A_160 : vector<16xi32>
      %and3A_162 = arith.constant 127 : i32
      %and3A_163 = vector.broadcast %and3A_162 : i32 to vector<16xi32>
      %and3A_164 = arith.andi %get3A_148, %and3A_163 : vector<16xi32>
      %gather3A_165 = tpu.vector_load_idx %arg12[%shift_right_arithmetic3A_161, %and3A_164] : memref<80x128xf32, #tpu.memory_space<vmem>>[vector<16xi32>, vector<16xi32>], vector<16xf32>,
      %mul3A_166 = arith.mulf %get3A_151, %gather3A_158 : vector<16xf32>
      %mul3A_167 = arith.mulf %mul3A_166, %gather3A_165 : vector<16xf32>
      %swap3A_168 = arith.index_cast %scan3A_7 : i32 to index
      %swap3A_169 = arith.constant 80 : index
      %swap3A_170 = tpu.vector_load %arg10[%swap3A_168, %swap3A_169] {strides = array<i32>} : memref<82x128xf32, #tpu.memory_space<vmem>>, vector<16xf32>,
      tpu.vector_store %arg10[%swap3A_168, %swap3A_169], %mul3A_167 {strides = array<i32>} : memref<82x128xf32, #tpu.memory_space<vmem>>, vector<16xf32>,
      %get3A_171 = arith.index_cast %scan3A_7 : i32 to index
      %get3A_172 = arith.constant 96 : index
      %get3A_173 = tpu.vector_load %arg7[%get3A_171, %get3A_172] {strides = array<i32>} : memref<82x128xi32, #tpu.memory_space<vmem>>, vector<16xi32>,
      %get3A_174 = arith.index_cast %scan3A_7 : i32 to index
      %get3A_175 = arith.constant 96 : index
      %get3A_176 = tpu.vector_load %arg8[%get3A_174, %get3A_175] {strides = array<i32>} : memref<82x128xi32, #tpu.memory_space<vmem>>, vector<16xi32>,
      %get3A_177 = arith.index_cast %scan3A_7 : i32 to index
      %get3A_178 = arith.constant 96 : index
      %get3A_179 = tpu.vector_load %arg9[%get3A_177, %get3A_178] {strides = array<i32>} : memref<82x128xf32, #tpu.memory_space<vmem>>, vector<16xf32>,
      %shift_right_arithmetic3A_180 = arith.constant 7 : i32
      %shift_right_arithmetic3A_181 = vector.broadcast %shift_right_arithmetic3A_180 : i32 to vector<16xi32>
      %shift_right_arithmetic3A_182 = arith.shrsi %get3A_173, %shift_right_arithmetic3A_181 : vector<16xi32>
      %and3A_183 = arith.constant 127 : i32
      %and3A_184 = vector.broadcast %and3A_183 : i32 to vector<16xi32>
      %and3A_185 = arith.andi %get3A_173, %and3A_184 : vector<16xi32>
      %gather3A_186 = tpu.vector_load_idx %arg11[%shift_right_arithmetic3A_182, %and3A_185] : memref<80x128xf32, #tpu.memory_space<vmem>>[vector<16xi32>, vector<16xi32>], vector<16xf32>,
      %shift_right_arithmetic3A_187 = arith.constant 7 : i32
      %shift_right_arithmetic3A_188 = vector.broadcast %shift_right_arithmetic3A_187 : i32 to vector<16xi32>
      %shift_right_arithmetic3A_189 = arith.shrsi %get3A_176, %shift_right_arithmetic3A_188 : vector<16xi32>
      %and3A_190 = arith.constant 127 : i32
      %and3A_191 = vector.broadcast %and3A_190 : i32 to vector<16xi32>
      %and3A_192 = arith.andi %get3A_176, %and3A_191 : vector<16xi32>
      %gather3A_193 = tpu.vector_load_idx %arg12[%shift_right_arithmetic3A_189, %and3A_192] : memref<80x128xf32, #tpu.memory_space<vmem>>[vector<16xi32>, vector<16xi32>], vector<16xf32>,
      %mul3A_194 = arith.mulf %get3A_179, %gather3A_186 : vector<16xf32>
      %mul3A_195 = arith.mulf %mul3A_194, %gather3A_193 : vector<16xf32>
      %swap3A_196 = arith.index_cast %scan3A_7 : i32 to index
      %swap3A_197 = arith.constant 96 : index
      %swap3A_198 = tpu.vector_load %arg10[%swap3A_196, %swap3A_197] {strides = array<i32>} : memref<82x128xf32, #tpu.memory_space<vmem>>, vector<16xf32>,
      tpu.vector_store %arg10[%swap3A_196, %swap3A_197], %mul3A_195 {strides = array<i32>} : memref<82x128xf32, #tpu.memory_space<vmem>>, vector<16xf32>,
      %get3A_199 = arith.index_cast %scan3A_7 : i32 to index
      %get3A_200 = arith.constant 112 : index
      %get3A_201 = tpu.vector_load %arg7[%get3A_199, %get3A_200] {strides = array<i32>} : memref<82x128xi32, #tpu.memory_space<vmem>>, vector<16xi32>,
      %get3A_202 = arith.index_cast %scan3A_7 : i32 to index
      %get3A_203 = arith.constant 112 : index
      %get3A_204 = tpu.vector_load %arg8[%get3A_202, %get3A_203] {strides = array<i32>} : memref<82x128xi32, #tpu.memory_space<vmem>>, vector<16xi32>,
      %get3A_205 = arith.index_cast %scan3A_7 : i32 to index
      %get3A_206 = arith.constant 112 : index
      %get3A_207 = tpu.vector_load %arg9[%get3A_205, %get3A_206] {strides = array<i32>} : memref<82x128xf32, #tpu.memory_space<vmem>>, vector<16xf32>,
      %shift_right_arithmetic3A_208 = arith.constant 7 : i32
      %shift_right_arithmetic3A_209 = vector.broadcast %shift_right_arithmetic3A_208 : i32 to vector<16xi32>
      %shift_right_arithmetic3A_210 = arith.shrsi %get3A_201, %shift_right_arithmetic3A_209 : vector<16xi32>
      %and3A_211 = arith.constant 127 : i32
      %and3A_212 = vector.broadcast %and3A_211 : i32 to vector<16xi32>
      %and3A_213 = arith.andi %get3A_201, %and3A_212 : vector<16xi32>
      %gather3A_214 = tpu.vector_load_idx %arg11[%shift_right_arithmetic3A_210, %and3A_213] : memref<80x128xf32, #tpu.memory_space<vmem>>[vector<16xi32>, vector<16xi32>], vector<16xf32>,
      %shift_right_arithmetic3A_215 = arith.constant 7 : i32
      %shift_right_arithmetic3A_216 = vector.broadcast %shift_right_arithmetic3A_215 : i32 to vector<16xi32>
      %shift_right_arithmetic3A_217 = arith.shrsi %get3A_204, %shift_right_arithmetic3A_216 : vector<16xi32>
      %and3A_218 = arith.constant 127 : i32
      %and3A_219 = vector.broadcast %and3A_218 : i32 to vector<16xi32>
      %and3A_220 = arith.andi %get3A_204, %and3A_219 : vector<16xi32>
      %gather3A_221 = tpu.vector_load_idx %arg12[%shift_right_arithmetic3A_217, %and3A_220] : memref<80x128xf32, #tpu.memory_space<vmem>>[vector<16xi32>, vector<16xi32>], vector<16xf32>,
      %mul3A_222 = arith.mulf %get3A_207, %gather3A_214 : vector<16xf32>
      %mul3A_223 = arith.mulf %mul3A_222, %gather3A_221 : vector<16xf32>
      %swap3A_224 = arith.index_cast %scan3A_7 : i32 to index
      %swap3A_225 = arith.constant 112 : index
      %swap3A_226 = tpu.vector_load %arg10[%swap3A_224, %swap3A_225] {strides = array<i32>} : memref<82x128xf32, #tpu.memory_space<vmem>>, vector<16xf32>,
      tpu.vector_store %arg10[%swap3A_224, %swap3A_225], %mul3A_223 {strides = array<i32>} : memref<82x128xf32, #tpu.memory_space<vmem>>, vector<16xf32>,
    }
    %scan3A_6 = arith.constant 82 : i32
    "tpu.region"() ({
      %run_scoped3A_7 = tpu.sem_alloc : memref<!tpu.dma_semaphore, #tpu.memory_space<semaphore_mem>>
      %dma_start3A = arith.constant 0 : i32
      %dma_start3A_8 = arith.constant 0 : i32
      %dma_start3A_9 = tpu.memref_slice %arg6[%add3A, %dma_start3A, %dma_start3A_8] : memref<32x82x128xf32, #tpu.memory_space<hbm>> -> memref<1x82x128xf32, #tpu.memory_space<hbm>>
      %dma_start3A_10 = tpu.memref_squeeze %dma_start3A_9 : memref<1x82x128xf32, #tpu.memory_space<hbm>> -> memref<82x128xf32, #tpu.memory_space<hbm>>
      %dma_start3A_11 = arith.constant 0 : i32
      %dma_start3A_12 = arith.constant 0 : i32
      %dma_start3A_13 = tpu.memref_slice %arg6[%add3A, %dma_start3A_11, %dma_start3A_12] : memref<32x82x128xf32, #tpu.memory_space<hbm>> -> memref<1x82x128xf32, #tpu.memory_space<hbm>>
      %dma_start3A_14 = tpu.memref_squeeze %dma_start3A_13 : memref<1x82x128xf32, #tpu.memory_space<hbm>> -> memref<82x128xf32, #tpu.memory_space<hbm>>
      tpu.enqueue_dma source(%arg10 : memref<82x128xf32, #tpu.memory_space<vmem>>) target(%dma_start3A_14 : memref<82x128xf32, #tpu.memory_space<hbm>>) target_semaphore(%run_scoped3A_7 : memref<!tpu.dma_semaphore, #tpu.memory_space<semaphore_mem>>)
      %dma_wait3A = arith.constant 0 : i32
      %dma_wait3A_15 = arith.constant 0 : i32
      %dma_wait3A_16 = tpu.memref_slice %arg6[%add3A, %dma_wait3A, %dma_wait3A_15] : memref<32x82x128xf32, #tpu.memory_space<hbm>> -> memref<1x82x128xf32, #tpu.memory_space<hbm>>
      %dma_wait3A_17 = tpu.memref_squeeze %dma_wait3A_16 : memref<1x82x128xf32, #tpu.memory_space<hbm>> -> memref<82x128xf32, #tpu.memory_space<hbm>>
      %dma_wait3A_18 = arith.constant 0 : i32
      %dma_wait3A_19 = arith.constant 0 : i32
      %dma_wait3A_20 = tpu.memref_slice %arg6[%add3A, %dma_wait3A_18, %dma_wait3A_19] : memref<32x82x128xf32, #tpu.memory_space<hbm>> -> memref<1x82x128xf32, #tpu.memory_space<hbm>>
      %dma_wait3A_21 = tpu.memref_squeeze %dma_wait3A_20 : memref<1x82x128xf32, #tpu.memory_space<hbm>> -> memref<82x128xf32, #tpu.memory_space<hbm>>
      tpu.wait_dma2 semaphore(%run_scoped3A_7 : memref<!tpu.dma_semaphore, #tpu.memory_space<semaphore_mem>>) src(%arg10 : memref<82x128xf32, #tpu.memory_space<vmem>>) dst(%dma_wait3A_21 : memref<82x128xf32, #tpu.memory_space<hbm>>)
      tpu.yield
    }) : () -> ()
    return
  }
}

module attributes {stable_mosaic.version = 14 : i64} {
  func.func @_norm_body(%arg0: memref<2x2x80x128xf32, #tpu.memory_space<vmem>>, %arg1: memref<2x80x128xf32, #tpu.memory_space<vmem>>) attributes {dimension_semantics = [], scalar_prefetch = 0 : i64, scratch_operands = 0 : i64, tpu.core_type = #tpu.core_type<tc>} {
    %get3A = arith.constant 0 : index
    %get3A_0 = arith.constant 0 : index
    %get3A_1 = arith.constant 0 : index
    %get3A_2 = arith.constant 0 : index
    %get3A_3 = vector.load %arg0[%get3A, %get3A_0, %get3A_1, %get3A_2] : memref<2x2x80x128xf32, #tpu.memory_space<vmem>>, vector<2x2x80x128xf32>
    %slice3A = vector.extract_strided_slice %get3A_3 {offsets = [0, 0, 0, 0], sizes = [1, 2, 80, 128], strides = [1, 1, 1, 1]} : vector<2x2x80x128xf32> to vector<1x2x80x128xf32>
    %squeeze3A = vector.shape_cast %slice3A : vector<1x2x80x128xf32> to vector<2x80x128xf32>
    %slice3A_4 = vector.extract_strided_slice %get3A_3 {offsets = [1, 0, 0, 0], sizes = [1, 2, 80, 128], strides = [1, 1, 1, 1]} : vector<2x2x80x128xf32> to vector<1x2x80x128xf32>
    %squeeze3A_5 = vector.shape_cast %slice3A_4 : vector<1x2x80x128xf32> to vector<2x80x128xf32>
    %add3A = arith.addf %squeeze3A, %squeeze3A_5 : vector<2x80x128xf32>
    %jit3A = arith.constant 1.000000e+00 : f32
    %max3A = vector.broadcast %jit3A : f32 to vector<2x80x128xf32>
    %max3A_6 = arith.maximumf %max3A, %add3A : vector<2x80x128xf32>
    %rsqrt3A = math.rsqrt %max3A_6 : vector<2x80x128xf32>
    %swap3A = arith.constant 0 : index
    %swap3A_7 = arith.constant 0 : index
    %swap3A_8 = arith.constant 0 : index
    %swap3A_9 = vector.load %arg1[%swap3A, %swap3A_7, %swap3A_8] : memref<2x80x128xf32, #tpu.memory_space<vmem>>, vector<2x80x128xf32>
    tpu.vector_store %arg1[%swap3A, %swap3A_7, %swap3A_8], %rsqrt3A {strides = array<i32>} : memref<2x80x128xf32, #tpu.memory_space<vmem>>, vector<2x80x128xf32>,
    return
  }
}

module attributes {stable_mosaic.version = 14 : i64} {
  func.func @_matmul_body(%arg0: i32, %arg1: memref<2x1000x128xf32, #tpu.memory_space<vmem>>, %arg2: memref<128x128xf32, #tpu.memory_space<vmem>>, %arg3: memref<1x128xf32, #tpu.memory_space<vmem>>, %arg4: memref<1000x128xf32, #tpu.memory_space<vmem>>, %arg5: memref<1x128xf32, #tpu.memory_space<vmem>>) attributes {dimension_semantics = [#tpu.dimension_semantics<arbitrary>], iteration_bounds = array<i64: 10>, scalar_prefetch = 0 : i64, scratch_operands = 0 : i64, tpu.core_type = #tpu.core_type<tc>, window_params = [{transform_indices = @transform_0, window_bounds = array<i64: 2, 1000, 128>}, {pipeline_mode = #tpu.pipeline_mode<synchronous>, transform_indices = @transform_1, window_bounds = array<i64: 128, 128>}, {pipeline_mode = #tpu.pipeline_mode<synchronous>, transform_indices = @transform_2, window_bounds = array<i64: 1, 128>}, {transform_indices = @transform_3, window_bounds = array<i64: 1000, 128>}, {pipeline_mode = #tpu.pipeline_mode<synchronous>, transform_indices = @transform_4, window_bounds = array<i64: 1, 128>}]} {
    %get3A = arith.constant 0 : index
    %get3A_0 = arith.constant 0 : index
    %get3A_1 = arith.constant 0 : index
    %get3A_2 = vector.load %arg1[%get3A, %get3A_0, %get3A_1] : memref<2x1000x128xf32, #tpu.memory_space<vmem>>, vector<1x1000x128xf32>
    %get3A_3 = vector.shape_cast %get3A_2 : vector<1x1000x128xf32> to vector<1000x128xf32>
    %get3A_4 = arith.constant 1 : index
    %get3A_5 = arith.constant 0 : index
    %get3A_6 = arith.constant 0 : index
    %get3A_7 = vector.load %arg1[%get3A_4, %get3A_5, %get3A_6] : memref<2x1000x128xf32, #tpu.memory_space<vmem>>, vector<1x1000x128xf32>
    %get3A_8 = vector.shape_cast %get3A_7 : vector<1x1000x128xf32> to vector<1000x128xf32>
    %add3A = arith.addf %get3A_3, %get3A_8 : vector<1000x128xf32>
    %get3A_9 = arith.constant 0 : index
    %get3A_10 = arith.constant 0 : index
    %get3A_11 = vector.load %arg2[%get3A_9, %get3A_10] : memref<128x128xf32, #tpu.memory_space<vmem>>, vector<128x128xf32>
    %dot_general3A = arith.constant dense<0.000000e+00> : vector<1000x128xf32>
    %dot_general3A_12 = tpu.matmul %add3A, %get3A_11, %dot_general3A {dimension_numbers = #tpu.dot_dimension_numbers<[1], [0], [0], [1], [0, 0, 1, 1], [], []>, transpose_lhs_hint = false} : vector<1000x128xf32>, vector<128x128xf32>, vector<1000x128xf32> -> vector<1000x128xf32>
    %gt3A = arith.constant 0.000000e+00 : f32
    %gt3A_13 = vector.broadcast %gt3A : f32 to vector<1000x128xf32>
    %gt3A_14 = arith.cmpf ogt, %dot_general3A_12, %gt3A_13 : vector<1000x128xf32>
    %get3A_15 = arith.constant 0 : index
    %get3A_16 = arith.constant 0 : index
    %get3A_17 = vector.load %arg3[%get3A_15, %get3A_16] : memref<1x128xf32, #tpu.memory_space<vmem>>, vector<1x128xf32>
    %mul3A = vector.broadcast %get3A_17 : vector<1x128xf32> to vector<1000x128xf32>
    %mul3A_18 = arith.mulf %mul3A, %dot_general3A_12 : vector<1000x128xf32>
    %select_n3A = arith.select %gt3A_14, %dot_general3A_12, %mul3A_18 : vector<1000x128xi1>, vector<1000x128xf32>
    %swap3A = arith.constant 0 : index
    %swap3A_19 = arith.constant 0 : index
    %swap3A_20 = vector.load %arg4[%swap3A, %swap3A_19] : memref<1000x128xf32, #tpu.memory_space<vmem>>, vector<1000x128xf32>
    tpu.vector_store %arg4[%swap3A, %swap3A_19], %select_n3A {strides = array<i32>} : memref<1000x128xf32, #tpu.memory_space<vmem>>, vector<1000x128xf32>,
    %eq3A = arith.constant 0 : i32
    %eq3A_21 = arith.cmpi eq, %arg0, %eq3A : i32
    %convert_element_type3A = arith.extui %eq3A_21 : i1 to i32
    %cond3A = arith.constant 0 : i32
    %cond3A_22 = arith.cmpi ne, %convert_element_type3A, %cond3A : i32
    scf.if %cond3A_22 {
      %broadcast_in_dim3A_31 = arith.constant 0.000000e+00 : f32
      %broadcast_in_dim3A_32 = vector.broadcast %broadcast_in_dim3A_31 : f32 to vector<1x128xf32>
      %swap3A_33 = arith.constant 0 : index
      %swap3A_34 = arith.constant 0 : index
      %swap3A_35 = vector.load %arg5[%swap3A_33, %swap3A_34] : memref<1x128xf32, #tpu.memory_space<vmem>>, vector<1x128xf32>
      tpu.vector_store %arg5[%swap3A_33, %swap3A_34], %broadcast_in_dim3A_32 {strides = array<i32>} : memref<1x128xf32, #tpu.memory_space<vmem>>, vector<1x128xf32>,
    } else {
    }
    %get3A_23 = arith.constant 0 : index
    %get3A_24 = arith.constant 0 : index
    %get3A_25 = vector.load %arg5[%get3A_23, %get3A_24] : memref<1x128xf32, #tpu.memory_space<vmem>>, vector<1x128xf32>
    %reduce_sum3A = arith.constant dense<0.000000e+00> : vector<128xf32>
    %reduce_sum3A_26 = vector.multi_reduction <add>, %select_n3A, %reduce_sum3A [0] : vector<1000x128xf32> to vector<128xf32>
    %broadcast_in_dim3A = vector.shape_cast %reduce_sum3A_26 : vector<128xf32> to vector<1x128xf32>
    %add3A_27 = arith.addf %get3A_25, %broadcast_in_dim3A : vector<1x128xf32>
    %swap3A_28 = arith.constant 0 : index
    %swap3A_29 = arith.constant 0 : index
    %swap3A_30 = vector.load %arg5[%swap3A_28, %swap3A_29] : memref<1x128xf32, #tpu.memory_space<vmem>>, vector<1x128xf32>
    tpu.vector_store %arg5[%swap3A_28, %swap3A_29], %add3A_27 {strides = array<i32>} : memref<1x128xf32, #tpu.memory_space<vmem>>, vector<1x128xf32>,
    return
  }
  func.func @transform_0(%arg0: i32) -> (i32, i32, i32) {
    %c0_i32 = arith.constant 0 : i32
    %c0_i32_0 = arith.constant 0 : i32
    %c0_i32_1 = arith.constant 0 : i32
    return %c0_i32, %arg0, %c0_i32_0 : i32, i32, i32
  }
  func.func @transform_1(%arg0: i32) -> (i32, i32) {
    %c0_i32 = arith.constant 0 : i32
    %c0_i32_0 = arith.constant 0 : i32
    %c0_i32_1 = arith.constant 0 : i32
    return %c0_i32, %c0_i32_0 : i32, i32
  }
  func.func @transform_2(%arg0: i32) -> (i32, i32) {
    %c0_i32 = arith.constant 0 : i32
    %c0_i32_0 = arith.constant 0 : i32
    %c0_i32_1 = arith.constant 0 : i32
    return %c0_i32, %c0_i32_0 : i32, i32
  }
  func.func @transform_3(%arg0: i32) -> (i32, i32) {
    %c0_i32 = arith.constant 0 : i32
    %c0_i32_0 = arith.constant 0 : i32
    return %arg0, %c0_i32 : i32, i32
  }
  func.func @transform_4(%arg0: i32) -> (i32, i32) {
    %c0_i32 = arith.constant 0 : i32
    %c0_i32_0 = arith.constant 0 : i32
    %c0_i32_1 = arith.constant 0 : i32
    return %c0_i32, %c0_i32_0 : i32, i32
  }
}

module attributes {stable_mosaic.version = 14 : i64} {
  func.func @_matmul_body(%arg0: i32, %arg1: memref<2x1000x128xf32, #tpu.memory_space<vmem>>, %arg2: memref<128x128xf32, #tpu.memory_space<vmem>>, %arg3: memref<1x128xf32, #tpu.memory_space<vmem>>, %arg4: memref<1000x128xf32, #tpu.memory_space<vmem>>, %arg5: memref<1x128xf32, #tpu.memory_space<vmem>>) attributes {dimension_semantics = [#tpu.dimension_semantics<arbitrary>], iteration_bounds = array<i64: 10>, scalar_prefetch = 0 : i64, scratch_operands = 0 : i64, tpu.core_type = #tpu.core_type<tc>, window_params = [{transform_indices = @transform_0, window_bounds = array<i64: 2, 1000, 128>}, {pipeline_mode = #tpu.pipeline_mode<synchronous>, transform_indices = @transform_1, window_bounds = array<i64: 128, 128>}, {pipeline_mode = #tpu.pipeline_mode<synchronous>, transform_indices = @transform_2, window_bounds = array<i64: 1, 128>}, {transform_indices = @transform_3, window_bounds = array<i64: 1000, 128>}, {pipeline_mode = #tpu.pipeline_mode<synchronous>, transform_indices = @transform_4, window_bounds = array<i64: 1, 128>}]} {
    %get3A = arith.constant 0 : index
    %get3A_0 = arith.constant 0 : index
    %get3A_1 = arith.constant 0 : index
    %get3A_2 = vector.load %arg1[%get3A, %get3A_0, %get3A_1] : memref<2x1000x128xf32, #tpu.memory_space<vmem>>, vector<1x1000x128xf32>
    %get3A_3 = vector.shape_cast %get3A_2 : vector<1x1000x128xf32> to vector<1000x128xf32>
    %get3A_4 = arith.constant 1 : index
    %get3A_5 = arith.constant 0 : index
    %get3A_6 = arith.constant 0 : index
    %get3A_7 = vector.load %arg1[%get3A_4, %get3A_5, %get3A_6] : memref<2x1000x128xf32, #tpu.memory_space<vmem>>, vector<1x1000x128xf32>
    %get3A_8 = vector.shape_cast %get3A_7 : vector<1x1000x128xf32> to vector<1000x128xf32>
    %add3A = arith.addf %get3A_3, %get3A_8 : vector<1000x128xf32>
    %get3A_9 = arith.constant 0 : index
    %get3A_10 = arith.constant 0 : index
    %get3A_11 = vector.load %arg2[%get3A_9, %get3A_10] : memref<128x128xf32, #tpu.memory_space<vmem>>, vector<128x128xf32>
    %dot_general3A = arith.constant dense<0.000000e+00> : vector<1000x128xf32>
    %dot_general3A_12 = tpu.matmul %add3A, %get3A_11, %dot_general3A {dimension_numbers = #tpu.dot_dimension_numbers<[1], [0], [0], [1], [0, 0, 1, 1], [], []>, transpose_lhs_hint = false} : vector<1000x128xf32>, vector<128x128xf32>, vector<1000x128xf32> -> vector<1000x128xf32>
    %gt3A = arith.constant 0.000000e+00 : f32
    %gt3A_13 = vector.broadcast %gt3A : f32 to vector<1000x128xf32>
    %gt3A_14 = arith.cmpf ogt, %dot_general3A_12, %gt3A_13 : vector<1000x128xf32>
    %get3A_15 = arith.constant 0 : index
    %get3A_16 = arith.constant 0 : index
    %get3A_17 = vector.load %arg3[%get3A_15, %get3A_16] : memref<1x128xf32, #tpu.memory_space<vmem>>, vector<1x128xf32>
    %mul3A = vector.broadcast %get3A_17 : vector<1x128xf32> to vector<1000x128xf32>
    %mul3A_18 = arith.mulf %mul3A, %dot_general3A_12 : vector<1000x128xf32>
    %select_n3A = arith.select %gt3A_14, %dot_general3A_12, %mul3A_18 : vector<1000x128xi1>, vector<1000x128xf32>
    %swap3A = arith.constant 0 : index
    %swap3A_19 = arith.constant 0 : index
    %swap3A_20 = vector.load %arg4[%swap3A, %swap3A_19] : memref<1000x128xf32, #tpu.memory_space<vmem>>, vector<1000x128xf32>
    tpu.vector_store %arg4[%swap3A, %swap3A_19], %select_n3A {strides = array<i32>} : memref<1000x128xf32, #tpu.memory_space<vmem>>, vector<1000x128xf32>,
    %eq3A = arith.constant 0 : i32
    %eq3A_21 = arith.cmpi eq, %arg0, %eq3A : i32
    %convert_element_type3A = arith.extui %eq3A_21 : i1 to i32
    %cond3A = arith.constant 0 : i32
    %cond3A_22 = arith.cmpi ne, %convert_element_type3A, %cond3A : i32
    scf.if %cond3A_22 {
      %broadcast_in_dim3A_31 = arith.constant 0.000000e+00 : f32
      %broadcast_in_dim3A_32 = vector.broadcast %broadcast_in_dim3A_31 : f32 to vector<1x128xf32>
      %swap3A_33 = arith.constant 0 : index
      %swap3A_34 = arith.constant 0 : index
      %swap3A_35 = vector.load %arg5[%swap3A_33, %swap3A_34] : memref<1x128xf32, #tpu.memory_space<vmem>>, vector<1x128xf32>
      tpu.vector_store %arg5[%swap3A_33, %swap3A_34], %broadcast_in_dim3A_32 {strides = array<i32>} : memref<1x128xf32, #tpu.memory_space<vmem>>, vector<1x128xf32>,
    } else {
    }
    %get3A_23 = arith.constant 0 : index
    %get3A_24 = arith.constant 0 : index
    %get3A_25 = vector.load %arg5[%get3A_23, %get3A_24] : memref<1x128xf32, #tpu.memory_space<vmem>>, vector<1x128xf32>
    %reduce_sum3A = arith.constant dense<0.000000e+00> : vector<128xf32>
    %reduce_sum3A_26 = vector.multi_reduction <add>, %select_n3A, %reduce_sum3A [0] : vector<1000x128xf32> to vector<128xf32>
    %broadcast_in_dim3A = vector.shape_cast %reduce_sum3A_26 : vector<128xf32> to vector<1x128xf32>
    %add3A_27 = arith.addf %get3A_25, %broadcast_in_dim3A : vector<1x128xf32>
    %swap3A_28 = arith.constant 0 : index
    %swap3A_29 = arith.constant 0 : index
    %swap3A_30 = vector.load %arg5[%swap3A_28, %swap3A_29] : memref<1x128xf32, #tpu.memory_space<vmem>>, vector<1x128xf32>
    tpu.vector_store %arg5[%swap3A_28, %swap3A_29], %add3A_27 {strides = array<i32>} : memref<1x128xf32, #tpu.memory_space<vmem>>, vector<1x128xf32>,
    return
  }
  func.func @transform_0(%arg0: i32) -> (i32, i32, i32) {
    %c0_i32 = arith.constant 0 : i32
    %c0_i32_0 = arith.constant 0 : i32
    %c0_i32_1 = arith.constant 0 : i32
    return %c0_i32, %arg0, %c0_i32_0 : i32, i32, i32
  }
  func.func @transform_1(%arg0: i32) -> (i32, i32) {
    %c0_i32 = arith.constant 0 : i32
    %c0_i32_0 = arith.constant 0 : i32
    %c0_i32_1 = arith.constant 0 : i32
    return %c0_i32, %c0_i32_0 : i32, i32
  }
  func.func @transform_2(%arg0: i32) -> (i32, i32) {
    %c0_i32 = arith.constant 0 : i32
    %c0_i32_0 = arith.constant 0 : i32
    %c0_i32_1 = arith.constant 0 : i32
    return %c0_i32, %c0_i32_0 : i32, i32
  }
  func.func @transform_3(%arg0: i32) -> (i32, i32) {
    %c0_i32 = arith.constant 0 : i32
    %c0_i32_0 = arith.constant 0 : i32
    return %arg0, %c0_i32 : i32, i32
  }
  func.func @transform_4(%arg0: i32) -> (i32, i32) {
    %c0_i32 = arith.constant 0 : i32
    %c0_i32_0 = arith.constant 0 : i32
    %c0_i32_1 = arith.constant 0 : i32
    return %c0_i32, %c0_i32_0 : i32, i32
  }
}

</mosaic_0001>

<sc_bundles>
// kernel: kernel.12.cloned.1.call-start
scs
__scs_entry_jumppad:
0x0: {  	(pc) =	sbr.rel $0x88, $3  }
0x1: {  	(tag) =	ssettag $0x0;
	lr =	simm.s32 $0x1  }
0x2: {  	[smem:$0x3F9A] =	sst lr;
	_ =	strace $0xD0000000  }
0x3: {  	_ = 	snop  }
0x4: {  	_ = 	snop  }
0x5: {  	_ = 	snop  }
0x6: {  	_ = 	snop  }
0x7: {  	_ = 	snop  }
__scs_overlays_trampoline_lowered:
0x8: {  	[smem:$0x3FA9] =	sst s0  }
0x9: {  	[smem:$0x3FAA] =	sst s1  }
0xa: {  	[smem:$0x3FAB] =	sst s2  }
0xb: {  	[smem:$0x3FAC] =	sst s3  }
0xc: {  	[smem:$0x3FAD] =	sst s4  }
0xd: {  	[smem:$0x3FAE] =	sst s5  }
0xe: {  	[smem:$0x3FAF] =	sst s6  }
0xf: {  	[smem:$0x3FB0] =	sst s7  }
0x10: {  	[smem:$0x3FB1] =	sst s8  }
0x11: {  	[smem:$0x3FB2] =	sst s9;
	s0 =	simm.s32 @!p0 $0x0  }
0x12: {  	s1 =	sld [smem:$0x3F98];
	s0 =	simm.s32 @p0 $0x1  }
0x13: {  	[smem:$0x3FB3] =	sst s0;
	s0 =	simm.s32 @!p1 $0x0  }
0x14: {  	s2 =	sld [smem:$0x3F97];
	s0 =	simm.s32 @p1 $0x1  }
0x15: {  	[smem:$0x3FB4] =	sst s0;
	s0 =	simm.s32 @!p2 $0x0  }
0x16: {  	s3 =	sld [smem:$0x3FDB];
	s0 =	simm.s32 @p2 $0x1  }
0x17: {  	s4 =	simm.s32 $0x1BF5;
	[smem:$0x3FB6] =	sst s0  }
0x18: {  	s0 =	sld [smem:$0x3F99];
	_ =	swait.ge [sflag:s4], $0x0  }
0x19: {  	s7 =	sld [smem:$0x3F9A]  }
0x1a: {  	s8 =	sadd.s32 $0xFFFFE003, lr  }
0x1b: {  	s9 =	sadd.s32 $0xFFFFFEF7, lr;
	s5 =	simm.s32 $0xFFFFFFFF;
	p2 =	slt.u32 s8, $0xFFFFF086  }
0x1c: {  	p1 =	slt.u32 s9, $0xF7A;
	s5 =	simm.s32 @!p2 $0x0  }
0x1d: {  	s5 =	simm.s32 @p1 $0x1;
	p0 =	seq.s32 s7, s2  }
0x1e: {  	s7 =	smul.u32 @!p0 $0xF7A, s2;
	p2 =	seq.s32 @!p0 s5, $0x0  }
0x1f: {  	s9 =	smul.u32 $0xF7A, s1;
	s8 =	simm.s32 @!p0 $0x1BF5;
	p2 =	por !p2, p0  }
0x20: {  	[sflag:s8] =	ssyncset.s32 @!p0 $0xFFFFF086;
	s6 =	sadd.s32 @!p0 s3, s7;
	s7 =	simm.s32 @!p0 $0x108  }
0x21: {  	s3 =	sadd.s32 s3, s9;
	s6 =	sadd.s32 @!p0 $0x88, s6;
	s7 =	simm.s32 @p2 $0x1082  }
0x22: {  	[simem:s7], [sflag:s8] =	dma.local @!p0 [hbm:s6], $0xF7A  }
0x23: {  	s9 =	sor.u32 $0xD0000000, s2;
	s6 =	simm.s32 $0x108;
	_ =	swait.ge @!p0 [sflag:s8], $0x0  }
0x24: {  	s3 =	sadd.s32 $0x88, s3;
	s6 =	simm.s32 @!p1 $0x1082;
	[sflag:s4] =	ssyncset.s32 $0xFFFFF086  }
0x25: {  	[simem:s6], [sflag:s4] =	dma.local [hbm:s3], $0xF7A  }
0x26: {  	[smem:$0x3F9A] =	sst s1;
	(tag) =	ssettag s2;
	_ =	strace s9  }
0x27: {  	s1 =	sld [smem:$0x3FAA]  }
0x28: {  	s2 =	sld [smem:$0x3FAB]  }
0x29: {  	s4 =	sld [smem:$0x3FAD]  }
0x2a: {  	p0 =	seq.s32 s5, $0x0;
	s5 =	sld [smem:$0x3FAE]  }
0x2b: {  	s6 =	sld [smem:$0x3FAF]  }
0x2c: {  	s7 =	sld [smem:$0x3FB0]  }
0x2d: {  	s3 =	simm.s32 $0x108;
	s8 =	sld [smem:$0x3FB1]  }
0x2e: {  	s3 =	simm.s32 @!p0 $0x1082;
	s9 =	sld [smem:$0x3FB2]  }
0x2f: {  	lr =	sadd.s32 s0, s3;
	s0 =	sld [smem:$0x3FA9]  }
0x30: {  	s3 =	sld [smem:$0x3FAC]  }
0x31: {  	[smem:$0x3FB5] =	sst s10  }
0x32: {  	s10 =	sld [smem:$0x3FB3];
	_ =	sdelay $0x3  }
0x33: {  	p0 =	seq.s32 s10, $0x1;
	s10 =	sld [smem:$0x3FB5];
	_ =	sdelay $0x3  }
0x34: {  	[smem:$0x3FB5] =	sst s10  }
0x35: {  	s10 =	sld [smem:$0x3FB4];
	_ =	sdelay $0x3  }
0x36: {  	p1 =	seq.s32 s10, $0x1;
	s10 =	sld [smem:$0x3FB5];
	_ =	sdelay $0x3  }
0x37: {  	[smem:$0x3FB5] =	sst s10  }
0x38: {  	s10 =	sld [smem:$0x3FB6]  }
0x39: {  	_ = 	snop;
	(pc) =	sbr.ind lr, $3  }
0x3a: {  	_ = 	snop  }
0x3b: {  	_ = 	snop  }
0x3c: {  	p2 =	seq.s32 s10, $0x1;
	s10 =	sld [smem:$0x3FB5]  }
0x3d: {  	_ =	shalt  }
0x3e: {  	_ =	shalt  }
0x3f: {  	_ =	shalt  }
0x40: {  	_ =	shalt  }
0x41: {  	_ =	shalt  }
0x42: {  	_ =	shalt  }
0x43: {  	_ =	shalt  }
0x44: {  	_ =	shalt  }
0x45: {  	_ =	shalt  }
0x46: {  	_ =	shalt  }
0x47: {  	_ =	shalt  }
0x48: {  	_ =	shalt  }
0x49: {  	_ =	shalt  }
0x4a: {  	_ =	shalt  }
0x4b: {  	_ =	shalt  }
0x4c: {  	_ =	shalt  }
0x4d: {  	_ =	shalt  }
0x4e: {  	_ =	shalt  }
0x4f: {  	_ =	shalt  }
0x50: {  	_ =	shalt  }
0x51: {  	_ =	shalt  }
0x52: {  	_ =	shalt  }
0x53: {  	_ =	shalt  }
0x54: {  	_ =	shalt  }
0x55: {  	_ =	shalt  }
0x56: {  	_ =	shalt  }
0x57: {  	_ =	shalt  }
0x58: {  	_ =	shalt  }
0x59: {  	_ =	shalt  }
0x5a: {  	_ =	shalt  }
0x5b: {  	_ =	shalt  }
0x5c: {  	_ =	shalt  }
0x5d: {  	_ =	shalt  }
0x5e: {  	_ =	shalt  }
0x5f: {  	_ =	shalt  }
0x60: {  	_ =	shalt  }
0x61: {  	_ =	shalt  }
0x62: {  	_ =	shalt  }
0x63: {  	_ =	shalt  }
0x64: {  	_ =	shalt  }
0x65: {  	_ =	shalt  }
0x66: {  	_ =	shalt  }
0x67: {  	_ =	shalt  }
0x68: {  	_ =	shalt  }
0x69: {  	_ =	shalt  }
0x6a: {  	_ =	shalt  }
0x6b: {  	_ =	shalt  }
0x6c: {  	_ =	shalt  }
0x6d: {  	_ =	shalt  }
0x6e: {  	_ =	shalt  }
0x6f: {  	_ =	shalt  }
0x70: {  	_ =	shalt  }
0x71: {  	_ =	shalt  }
0x72: {  	_ =	shalt  }
0x73: {  	_ =	shalt  }
0x74: {  	_ =	shalt  }
0x75: {  	_ =	shalt  }
0x76: {  	_ =	shalt  }
0x77: {  	_ =	shalt  }
0x78: {  	_ =	shalt  }
0x79: {  	_ =	shalt  }
0x7a: {  	_ =	shalt  }
0x7b: {  	_ =	shalt  }
0x7c: {  	_ =	shalt  }
0x7d: {  	_ =	shalt  }
0x7e: {  	_ =	shalt  }
0x7f: {  	_ =	shalt  }
0x80: {  	_ =	shalt  }
0x81: {  	_ =	shalt  }
0x82: {  	_ =	shalt  }
0x83: {  	_ =	shalt  }
0x84: {  	_ =	shalt  }
0x85: {  	_ =	shalt  }
0x86: {  	_ =	shalt  }
0x87: {  	_ =	shalt  }
.Lfunc_end0:
.L_simem_size_0:
called_computation.1_lowered:
.L_overlay_start_0:
0x88: {  	s2 =	sld [smem:$0x3FD9]  }
0x89: {  	s3 =	sld [smem:$0x3FFE];
	_ =	sdelay $0x1  }
0x8a: {  	s1 =	srdreg.scid  }
0x8b: {  	s0 =	sand.u32 $0x1, s1  }
0x8c: {  	s14 =	sshll.u32 s0, $0xA;
	s2 =	sadd.s32 s3, s2  }
0x8d: {  	s2 =	sadd.s32 s2, s14  }
0x8e: {  	[smem:$0x3FC1] =	sst s2  }
0x8f: {  	_ = 	snop  }
0x90: {  	s2 =	sld [smem:$0x3FD0];
	_ =	sdelay $0x2  }
0x91: {  	s15 =	simm.s32 $0xA;
	s4 =	simm.s32 $0x10  }
0x92: {  	[smem:s4], [sflag:s15] =	dma.local [hbm:s2], $0x1  }
0x93: {  	_ =	swait.eq [sflag:s15], $0x1  }
0x94: {  	[sflag:s15] =	ssyncset.done $0x0  }
0x95: {  	[sflag:s15] =	ssyncadd.s32 $0xFFFFFFFF  }
0x96: {  	s16 =	sld [smem:$0x10];
	(tm) =	ssettm $0x1  }
0x97: {  	s17 =	sld [smem:$0x3FFB];
	_ =	sdelay $0x3  }
0x98: {  	_ =	strace s17  }
0x99: {  	s3 =	sld [smem:$0x3FFC];
	_ =	sdelay $0x3  }
0x9a: {  	_ =	strace s3  }
0x9b: {  	s3 =	sld [smem:$0x3FFD];
	_ =	sdelay $0x3  }
0x9c: {  	_ =	strace s3  }
0x9d: {  	_ =	strace $0x8FFFFFFF  }
0x9e: {  	s18 =	sld [smem:$0x3FDB];
	_ =	sdelay $0x1  }
0x9f: {  	s19 =	simm.s32 $_scs_section_size  }
0xa0: {  	s5 =	simm.s32 $_size__tile_overlayer_lowered;
	s6 =	simm.s32 $_tile_overlayer_lowered  }
0xa1: {  	s22 =	simm.s32 $0x1BFF;
	s21 =	sshll.u32 s6, $0x1;
	s3 =	sadd.s32 s19, s18  }
0xa2: {  	s7 =	simm.s32 $0x0;
	s20 =	sshll.u32 s5, $0x1;
	s5 =	sadd.s32 s21, s3  }
0xa3: {  	[timem:s7], [sflag:s22] =	dma.local [hbm:s5], s20  }
0xa4: {  	_ =	swait.ge [sflag:s22], s20  }
0xa5: {  	s4 =	ssub.s32 $0x0, s20;
	[sflag:s22] =	ssyncset.done $0x0  }
0xa6: {  	[sflag:s22] =	ssyncadd.s32 s4;
	_ =	sdelay $0x1  }
0xa7: {  	s23 =	simm.s32 $0x1B8B  }
0xa8: {  	_ =	swait.ge [sflag:s23], $0x1  }
0xa9: {  	[sflag:s23] =	ssyncset.done $0x0  }
0xaa: {  	s25 =	simm.s32 $0x1B8E;
	s24 =	sld [smem:$0x3FFE];
	[sflag:s23] =	ssyncadd.s32 $0xFFFFFFFF  }
0xab: {  	s26 =	simm.s32 $execute0_lowered;
	[smem:$0x3FD2] =	sst s25  }
0xac: {  	s5 =	sshll.u32 s26, $0x1;
	_ =	strace $0x80000049;
	[dreg:$0x1] =	wrdreg $0xFFFFFFFF  }
0xad: {  	s28 =	simm.s32 $_size_execute0_lowered;
	s3 =	sadd.s32 s3, s5;
	[dreg:$0x0] =	wrdreg $0x0  }
0xae: {  	s5 =	sshll.u32 s28, $0x1;
	[dreg:$0x2] =	wrdreg s3  }
0xaf: {  	[dreg:$0x3] =	wrdreg s5  }
0xb0: {  	[dreg:$0x4] =	wrdreg $0xC0  }
0xb1: {  	_ =	task [dreg:s7], $0x5FFFF  }
0xb2: {  	[dreg:$0x1] =	wrdreg $0xFFFFFFFF  }
0xb3: {  	[dreg:$0x0] =	wrdreg $0x60  }
0xb4: {  	[dreg:$0x2] =	wrdreg s24  }
0xb5: {  	[dreg:$0x3] =	wrdreg s16  }
0xb6: {  	[dreg:$0x4] =	wrdreg $0x9  }
0xb7: {  	_ =	task.clear_ibuf [dreg:s7], $0x5FFFF;
	_ =	strace $0x90000049  }
0xb8: {  	s29 =	simm.s32 $0x9;
	_ =	strace $0x8000004B  }
0xb9: {  	_ =	swait.ge [sflag:s29], $0x1  }
0xba: {  	[sflag:s29] =	ssyncadd.s32 $0xFFFFFFFF  }
0xbb: {  	_ =	strace $0x9000004B  }
0xbc: {  	_ =	sfence  }
0xbd: {  	s30 =	sld [smem:$0x0];
	_ =	sdelay $0x2  }
0xbe: {  	s31 =	sshll.u32 s1, $0xD;
	s1 =	sshrl.u32 s1, $0x2  }
0xbf: {  	s3 =	sand.u32 $0x4000, s31;
	s1 =	sadd.s32 s1, s30  }
0xc0: {  	s0 =	sor.u32 s3, s0;
	s1 =	sshll.u32 s1, $0x11  }
0xc1: {  	s0 =	sor.u32 s1, s0  }
0xc2: {  	s0 =	sadd.s32 $0x8F2B, s0  }
0xc3: {  	[sflag:s0] =	ssyncadd.remote.s32 $0x1  }
0xc4: {  	_ =	sfence.sel $0xFFFF  }
0xc5: {  	[dreg:$0x0] =	wrdreg $0xFFFFFFFF;
	(pc) =	sbr.abs _section_cstart, $3  }
0xc6: {  	[dreg:$0x1] =	wrdreg $0xFFFFFFFF  }
0xc7: {  	_ =	task.clear_ibuf [dreg:s7], $0x2FFFF;
	_ =	strace $0x9FFFFFFF  }
0xc8: {  	(tm) =	ssettm $0x7FFFFFFF  }
0xc9: {  	_ =	shalt  }
tec
execute0_lowered:
.L_overlay_start_1:
0x0: {  	(tag) =	ssettag $0x1  }
0x1: {  	s7 =	rddreg [dreg:$0x0]  }
0x2: {  	s0 =	srdreg.scid;
	s6 =	rddreg [dreg:$0x1]  }
0x3: {  	s2 =	simm.s32 $0x0;
	s11 =	simm.s32 $0x2C00;
	s12 =	simm.s32 $0x5800  }
0x4: {  	s13 =	simm.s32 $0xB000;
	s14 =	simm.s32 $0xD800;
	s3 =	sand.u32 $0x1, s0  }
0x5: {  	s15 =	simm.s32 $0x8400;
	s0 =	stileid.u32;
	s1 =	sshll.u32 s3, $0x4  }
0x6: {  	s16 =	simm.s32 $0x0;
	[smem:$0x7FF] =	sst s2;
	s4 =	sor.u32 s0, s1  }
0x7: {  	s31 =	ssub.s32 $0x2, s3;
	s3 =	sadd.s32 $0x17E00, s7;
	s8 =	smul.u32 $0x580, s4  }
0x8: {  	s1 =	rddreg [dreg:$0x2];
	_ =	strace $0x8000004A;
	s5 =	sshrl.u32 s31, $0x1  }
0x9: {  	s10 =	ssub.s32 s31, s5;
	s9 =	sadd.s32 s8, s7;
	s6 =	sadd.s32 s6, s8  }
0xa: {  	s7 =	sadd.s32 $0x18300, s7;
	s4 =	sadd.s32 $0xCE00, s9;
	s5 =	sadd.s32 $0x1E00, s9  }
0xb: {  	s8 =	sadd.s32 $0x18800, s9;
	s9 =	smax.u32 s10, $0x1;
	s10 =	simm.s32 $0x1  }
.LBB2_1:
0xc: {  	[tilespmem:s2], [sflag:$0x1] =	stream.linear.gather [hbm4b:s4+s2], $0x2900, $0x38;
	[tilespmem:$0x10000] =	vst v63  }
0xd: {  	_ =	swait.ge [sflag:s10], $0x2900  }
0xe: {  	[sflag:s10] =	ssyncset.done $0x0  }
0xf: {  	[sflag:s10] =	ssyncadd.s32 $0xFFFFD700  }
0x10: {  	[tilespmem:s11], [sflag:$0x1] =	stream.linear.gather [hbm4b:s5+s2], $0x2900, $0x38;
	[tilespmem:$0x10000] =	vst v63  }
0x11: {  	_ =	swait.ge [sflag:s10], $0x2900  }
0x12: {  	[sflag:s10] =	ssyncset.done $0x0  }
0x13: {  	[sflag:s10] =	ssyncadd.s32 $0xFFFFD700  }
0x14: {  	[tilespmem:s12], [sflag:$0x1] =	stream.linear.gather [hbm4b:s6+s2], $0x2900, $0x38;
	[tilespmem:$0x10000] =	vst v63  }
0x15: {  	_ =	swait.ge [sflag:s10], $0x2900  }
0x16: {  	[sflag:s10] =	ssyncset.done $0x0  }
0x17: {  	[sflag:s10] =	ssyncadd.s32 $0xFFFFD700  }
0x18: {  	[tilespmem:s13], [sflag:$0x1] =	stream.linear.gather [hbm4b:s3+s2], $0x2800, $0x38;
	[tilespmem:$0x10000] =	vst v63  }
0x19: {  	_ =	swait.ge [sflag:s10], $0x2800  }
0x1a: {  	[sflag:s10] =	ssyncset.done $0x0  }
0x1b: {  	[sflag:s10] =	ssyncadd.s32 $0xFFFFD800  }
0x1c: {  	[tilespmem:s14], [sflag:$0x1] =	stream.linear.gather [hbm4b:s7+s2], $0x2800, $0x38;
	[tilespmem:$0x10000] =	vst v63  }
0x1d: {  	_ =	swait.ge [sflag:s10], $0x2800  }
0x1e: {  	[sflag:s10] =	ssyncset.done $0x0  }
0x1f: {  	s17 =	simm.s32 $0x0;
	[sflag:s10] =	ssyncadd.s32 $0xFFFFD800  }
0x20: {  	v0 =	vld [tilespmem:s17+$0x0];
	_ =	sdelay $0x1  }
0x21: {  	v1 =	vld [tilespmem:s17+$0x2C00];
	_ =	sdelay $0x4  }
0x22: {  	v2 =	vld [tilespmem:s17+$0x5800]  }
0x23: {  	v0 =	vld.idx.msk [tilespmem:v0+s13+$0x0], $0xffff  }
0x24: {  	v3 =	vld [tilespmem:s17+$0x10]  }
0x25: {  	v1 =	vld.idx.msk [tilespmem:v1+s14+$0x0], $0xffff  }
0x26: {  	v4 =	vld [tilespmem:s17+$0x2C10];
	_ =	sdelay $0x1  }
0x27: {  	v0 =	vmul.f32 v0, v2;
	_ =	sdelay $0x1  }
0x28: {  	v0 =	vmul.f32 v1, v0;
	_ =	sdelay $0x1  }
0x29: {  	v1 =	vld [tilespmem:s17+$0x5810];
	[tilespmem:s17+$0x8400] =	vst v0  }
0x2a: {  	v0 =	vld.idx.msk [tilespmem:v3+s13+$0x0], $0xffff  }
0x2b: {  	v2 =	vld.idx.msk [tilespmem:v4+s14+$0x0], $0xffff  }
0x2c: {  	v3 =	vld [tilespmem:s17+$0x20]  }
0x2d: {  	v58 =	vld [tilespmem:s17+$0x2C20];
	_ =	sdelay $0x1  }
0x2e: {  	v0 =	vmul.f32 v0, v1;
	_ =	sdelay $0x1  }
0x2f: {  	v0 =	vmul.f32 v2, v0;
	_ =	sdelay $0x1  }
0x30: {  	v1 =	vld [tilespmem:s17+$0x5820];
	[tilespmem:s17+$0x8410] =	vst v0  }
0x31: {  	v0 =	vld.idx.msk [tilespmem:v3+s13+$0x0], $0xffff  }
0x32: {  	v2 =	vld.idx.msk [tilespmem:v58+s14+$0x0], $0xffff  }
0x33: {  	v3 =	vld [tilespmem:s17+$0x30]  }
0x34: {  	v59 =	vld [tilespmem:s17+$0x2C30];
	_ =	sdelay $0x1  }
0x35: {  	v0 =	vmul.f32 v0, v1;
	_ =	sdelay $0x1  }
0x36: {  	v0 =	vmul.f32 v2, v0;
	_ =	sdelay $0x1  }
0x37: {  	v1 =	vld [tilespmem:s17+$0x5830];
	[tilespmem:s17+$0x8420] =	vst v0  }
0x38: {  	v0 =	vld.idx.msk [tilespmem:v3+s13+$0x0], $0xffff  }
0x39: {  	v2 =	vld.idx.msk [tilespmem:v59+s14+$0x0], $0xffff  }
0x3a: {  	v3 =	vld [tilespmem:s17+$0x40]  }
0x3b: {  	v60 =	vld [tilespmem:s17+$0x2C40];
	_ =	sdelay $0x1  }
0x3c: {  	v0 =	vmul.f32 v0, v1;
	_ =	sdelay $0x1  }
0x3d: {  	v0 =	vmul.f32 v2, v0;
	_ =	sdelay $0x1  }
0x3e: {  	v1 =	vld [tilespmem:s17+$0x5840];
	[tilespmem:s17+$0x8430] =	vst v0  }
0x3f: {  	v0 =	vld.idx.msk [tilespmem:v3+s13+$0x0], $0xffff  }
0x40: {  	v2 =	vld.idx.msk [tilespmem:v60+s14+$0x0], $0xffff  }
0x41: {  	v3 =	vld [tilespmem:s17+$0x50]  }
0x42: {  	v61 =	vld [tilespmem:s17+$0x2C50];
	_ =	sdelay $0x1  }
0x43: {  	v0 =	vmul.f32 v0, v1;
	_ =	sdelay $0x1  }
0x44: {  	v0 =	vmul.f32 v2, v0;
	_ =	sdelay $0x1  }
0x45: {  	[tilespmem:s17+$0x8440] =	vst v0;
	v0 =	vld [tilespmem:s17+$0x5850]  }
0x46: {  	v1 =	vld.idx.msk [tilespmem:v3+s13+$0x0], $0xffff  }
0x47: {  	v2 =	vld.idx.msk [tilespmem:v61+s14+$0x0], $0xffff  }
0x48: {  	v3 =	vld [tilespmem:s17+$0x60]  }
0x49: {  	v62 =	vld [tilespmem:s17+$0x2C60];
	_ =	sdelay $0x1  }
0x4a: {  	v0 =	vmul.f32 v1, v0;
	_ =	sdelay $0x1  }
0x4b: {  	v0 =	vmul.f32 v2, v0;
	_ =	sdelay $0x1  }
0x4c: {  	[tilespmem:s17+$0x8450] =	vst v0;
	v0 =	vld [tilespmem:s17+$0x5860]  }
0x4d: {  	v1 =	vld.idx.msk [tilespmem:v3+s13+$0x0], $0xffff  }
0x4e: {  	v2 =	vld.idx.msk [tilespmem:v62+s14+$0x0], $0xffff  }
0x4f: {  	v3 =	vld [tilespmem:s17+$0x70];
	_ =	sdelay $0x2  }
0x50: {  	v0 =	vmul.f32 v1, v0  }
0x51: {  	v63 =	vld [tilespmem:s17+$0x2C70]  }
0x52: {  	v0 =	vmul.f32 v2, v0;
	_ =	sdelay $0x1  }
0x53: {  	[tilespmem:s17+$0x8460] =	vst v0;
	v0 =	vld [tilespmem:s17+$0x5870]  }
0x54: {  	v1 =	vld.idx.msk [tilespmem:v3+s13+$0x0], $0xffff;
	_ =	sdelay $0x3  }
0x55: {  	s20 =	simm.s32 $0x80;
	v2 =	vld.idx.msk [tilespmem:v63+s14+$0x0], $0xffff  }
0x56: {  	v3 =	vmul.f32 v1, v0;
	v1 =	vld [tilespmem:s20+$0x0];
	_ =	sdelay $0x1  }
0x57: {  	v0 =	vld [tilespmem:s20+$0x2C00];
	_ =	sdelay $0x2  }
0x58: {  	s18 =	simm.s32 $0x400;
	v2 =	vmul.f32 v2, v3  }
.LBB2_2:
0x59: {  	_ = 	snop  }
0x5a: {  	p0 =	sne.s32 s18, $0xA200;
	s19 =	smov.u32 s18;
	s18 =	sadd.s32 $0x200, s18;
	[tilespmem:s17+$0x8470] =	vst v2  }
0x5b: {  	s17 =	smov.u32 s20;
	v1 =	vld.idx.msk [tilespmem:v1+s13+$0x0], $0xffff  }
0x5c: {  	v2 =	vld [tilespmem:s17+$0x5800]  }
0x5d: {  	v0 =	vld.idx.msk [tilespmem:v0+s14+$0x0], $0xffff  }
0x5e: {  	v3 =	vld [tilespmem:s17+$0x10];
	_ =	sdelay $0x1  }
0x5f: {  	v4 =	vld [tilespmem:s17+$0x2C10]  }
0x60: {  	v1 =	vmul.f32 v1, v2;
	_ =	sdelay $0x1  }
0x61: {  	v0 =	vmul.f32 v0, v1;
	_ =	sdelay $0x1  }
0x62: {  	[tilespmem:s17+$0x8400] =	vst v0  }
0x63: {  	v0 =	vld.idx.msk [tilespmem:v3+s13+$0x0], $0xffff  }
0x64: {  	v1 =	vld [tilespmem:s17+$0x5810]  }
0x65: {  	v2 =	vld.idx.msk [tilespmem:v4+s14+$0x0], $0xffff  }
0x66: {  	v3 =	vld [tilespmem:s17+$0x20];
	_ =	sdelay $0x1  }
0x67: {  	v4 =	vld [tilespmem:s17+$0x2C20]  }
0x68: {  	v0 =	vmul.f32 v0, v1;
	_ =	sdelay $0x1  }
0x69: {  	v0 =	vmul.f32 v2, v0;
	_ =	sdelay $0x1  }
0x6a: {  	[tilespmem:s17+$0x8410] =	vst v0  }
0x6b: {  	v0 =	vld.idx.msk [tilespmem:v3+s13+$0x0], $0xffff  }
0x6c: {  	v1 =	vld [tilespmem:s17+$0x5820]  }
0x6d: {  	v2 =	vld.idx.msk [tilespmem:v4+s14+$0x0], $0xffff  }
0x6e: {  	v3 =	vld [tilespmem:s17+$0x30];
	_ =	sdelay $0x1  }
0x6f: {  	v4 =	vld [tilespmem:s17+$0x2C30]  }
0x70: {  	v0 =	vmul.f32 v0, v1;
	_ =	sdelay $0x1  }
0x71: {  	v0 =	vmul.f32 v2, v0;
	_ =	sdelay $0x1  }
0x72: {  	[tilespmem:s17+$0x8420] =	vst v0  }
0x73: {  	v0 =	vld.idx.msk [tilespmem:v3+s13+$0x0], $0xffff  }
0x74: {  	v1 =	vld [tilespmem:s17+$0x5830]  }
0x75: {  	v2 =	vld.idx.msk [tilespmem:v4+s14+$0x0], $0xffff  }
0x76: {  	v3 =	vld [tilespmem:s17+$0x40];
	_ =	sdelay $0x1  }
0x77: {  	v4 =	vld [tilespmem:s17+$0x2C40]  }
0x78: {  	v0 =	vmul.f32 v0, v1;
	_ =	sdelay $0x1  }
0x79: {  	v0 =	vmul.f32 v2, v0;
	_ =	sdelay $0x1  }
0x7a: {  	[tilespmem:s17+$0x8430] =	vst v0  }
0x7b: {  	v0 =	vld.idx.msk [tilespmem:v3+s13+$0x0], $0xffff  }
0x7c: {  	v1 =	vld [tilespmem:s17+$0x5840]  }
0x7d: {  	v2 =	vld.idx.msk [tilespmem:v4+s14+$0x0], $0xffff  }
0x7e: {  	v3 =	vld [tilespmem:s17+$0x50]  }
0x7f: {  	v4 =	vld [tilespmem:s17+$0x2C50];
	_ =	sdelay $0x1  }
0x80: {  	v0 =	vmul.f32 v0, v1;
	_ =	sdelay $0x1  }
0x81: {  	v0 =	vmul.f32 v2, v0;
	_ =	sdelay $0x1  }
0x82: {  	[tilespmem:s17+$0x8440] =	vst v0;
	v0 =	vld [tilespmem:s17+$0x5850]  }
0x83: {  	v1 =	vld.idx.msk [tilespmem:v3+s13+$0x0], $0xffff  }
0x84: {  	v2 =	vld.idx.msk [tilespmem:v4+s14+$0x0], $0xffff;
	_ =	sdelay $0x1  }
0x85: {  	v3 =	vld [tilespmem:s17+$0x60]  }
0x86: {  	v4 =	vld [tilespmem:s17+$0x2C60];
	_ =	sdelay $0x1  }
0x87: {  	v0 =	vmul.f32 v1, v0;
	_ =	sdelay $0x1  }
0x88: {  	v0 =	vmul.f32 v2, v0;
	_ =	sdelay $0x1  }
0x89: {  	[tilespmem:s17+$0x8450] =	vst v0;
	v0 =	vld [tilespmem:s17+$0x5860]  }
0x8a: {  	v1 =	vld.idx.msk [tilespmem:v3+s13+$0x0], $0xffff  }
0x8b: {  	v2 =	vld.idx.msk [tilespmem:v4+s14+$0x0], $0xffff;
	_ =	sdelay $0x1  }
0x8c: {  	v3 =	vld [tilespmem:s17+$0x70]  }
0x8d: {  	v4 =	vld [tilespmem:s17+$0x2C70];
	_ =	sdelay $0x1  }
0x8e: {  	v0 =	vmul.f32 v1, v0;
	_ =	sdelay $0x1  }
0x8f: {  	v0 =	vmul.f32 v2, v0;
	_ =	sdelay $0x1  }
0x90: {  	[tilespmem:s17+$0x8460] =	vst v0;
	v2 =	vld [tilespmem:s17+$0x5870]  }
0x91: {  	v3 =	vld.idx.msk [tilespmem:v3+s13+$0x0], $0xffff  }
0x92: {  	v4 =	vld.idx.msk [tilespmem:v4+s14+$0x0], $0xffff  }
0x93: {  	s20 =	sshra.s32 s19, $0x2  }
0x94: {  	v1 =	vld [tilespmem:s20+$0x0]  }
.Ltmp0:
0x95: {  	v0 =	vld [tilespmem:s20+$0x2C00];
	(pc) =	sbr.rel @p0 .LBB2_2-.Ltmp0, $3  }
0x96: {  	_ = 	snop  }
0x97: {  	v2 =	vmul.f32 v3, v2;
	_ =	sdelay $0x1  }
0x98: {  	v2 =	vmul.f32 v4, v2  }
0x99: {  	_ =	sdelay $0x2  }
0x9a: {  	[tilespmem:s17+$0x8470] =	vst v2  }
0x9b: {  	v1 =	vld.idx.msk [tilespmem:v1+s13+$0x0], $0xffff  }
0x9c: {  	v2 =	vld [tilespmem:s20+$0x5800]  }
0x9d: {  	v0 =	vld.idx.msk [tilespmem:v0+s14+$0x0], $0xffff  }
0x9e: {  	v3 =	vld [tilespmem:s20+$0x10];
	_ =	sdelay $0x1  }
0x9f: {  	v4 =	vld [tilespmem:s20+$0x2C10]  }
0xa0: {  	v1 =	vmul.f32 v1, v2;
	_ =	sdelay $0x1  }
0xa1: {  	v0 =	vmul.f32 v0, v1;
	_ =	sdelay $0x1  }
0xa2: {  	v35 =	vld [tilespmem:s20+$0x5810];
	[tilespmem:s20+$0x8400] =	vst v0  }
0xa3: {  	v0 =	vld.idx.msk [tilespmem:v3+s13+$0x0], $0xffff  }
0xa4: {  	v37 =	vld [tilespmem:s20+$0x20]  }
0xa5: {  	v36 =	vld.idx.msk [tilespmem:v4+s14+$0x0], $0xffff;
	_ =	sdelay $0x1  }
0xa6: {  	v38 =	vld [tilespmem:s20+$0x2C20]  }
0xa7: {  	v0 =	vmul.f32 v0, v35;
	_ =	sdelay $0x1  }
0xa8: {  	v0 =	vmul.f32 v36, v0;
	_ =	sdelay $0x1  }
0xa9: {  	v39 =	vld [tilespmem:s20+$0x5820];
	[tilespmem:s20+$0x8410] =	vst v0  }
0xaa: {  	v0 =	vld.idx.msk [tilespmem:v37+s13+$0x0], $0xffff  }
0xab: {  	v41 =	vld [tilespmem:s20+$0x30]  }
0xac: {  	v40 =	vld.idx.msk [tilespmem:v38+s14+$0x0], $0xffff;
	_ =	sdelay $0x1  }
0xad: {  	v42 =	vld [tilespmem:s20+$0x2C30]  }
0xae: {  	v0 =	vmul.f32 v0, v39;
	_ =	sdelay $0x1  }
0xaf: {  	v0 =	vmul.f32 v40, v0;
	_ =	sdelay $0x1  }
0xb0: {  	v43 =	vld [tilespmem:s20+$0x5830];
	[tilespmem:s20+$0x8420] =	vst v0  }
0xb1: {  	v0 =	vld.idx.msk [tilespmem:v41+s13+$0x0], $0xffff  }
0xb2: {  	v45 =	vld [tilespmem:s20+$0x40]  }
0xb3: {  	v44 =	vld.idx.msk [tilespmem:v42+s14+$0x0], $0xffff;
	_ =	sdelay $0x1  }
0xb4: {  	v46 =	vld [tilespmem:s20+$0x2C40]  }
0xb5: {  	v0 =	vmul.f32 v0, v43;
	_ =	sdelay $0x1  }
0xb6: {  	v0 =	vmul.f32 v44, v0;
	_ =	sdelay $0x1  }
0xb7: {  	v47 =	vld [tilespmem:s20+$0x5840];
	[tilespmem:s20+$0x8430] =	vst v0  }
0xb8: {  	v0 =	vld.idx.msk [tilespmem:v45+s13+$0x0], $0xffff  }
0xb9: {  	v49 =	vld [tilespmem:s20+$0x50]  }
0xba: {  	v48 =	vld.idx.msk [tilespmem:v46+s14+$0x0], $0xffff;
	_ =	sdelay $0x1  }
0xbb: {  	v50 =	vld [tilespmem:s20+$0x2C50]  }
0xbc: {  	v0 =	vmul.f32 v0, v47;
	_ =	sdelay $0x1  }
0xbd: {  	v0 =	vmul.f32 v48, v0;
	_ =	sdelay $0x1  }
0xbe: {  	v51 =	vld [tilespmem:s20+$0x5850];
	[tilespmem:s20+$0x8440] =	vst v0  }
0xbf: {  	v52 =	vld.idx.msk [tilespmem:v49+s13+$0x0], $0xffff  }
0xc0: {  	v54 =	vld [tilespmem:s20+$0x60]  }
0xc1: {  	v53 =	vld.idx.msk [tilespmem:v50+s14+$0x0], $0xffff;
	_ =	sdelay $0x1  }
0xc2: {  	v55 =	vld [tilespmem:s20+$0x2C60]  }
0xc3: {  	v0 =	vmul.f32 v52, v51;
	_ =	sdelay $0x1  }
0xc4: {  	v0 =	vmul.f32 v53, v0;
	_ =	sdelay $0x1  }
0xc5: {  	v56 =	vld [tilespmem:s20+$0x5860];
	[tilespmem:s20+$0x8450] =	vst v0  }
0xc6: {  	v57 =	vld.idx.msk [tilespmem:v54+s13+$0x0], $0xffff  }
0xc7: {  	v59 =	vld [tilespmem:s20+$0x70]  }
0xc8: {  	v58 =	vld.idx.msk [tilespmem:v55+s14+$0x0], $0xffff;
	_ =	sdelay $0x1  }
0xc9: {  	v60 =	vld [tilespmem:s20+$0x2C70]  }
0xca: {  	v0 =	vmul.f32 v57, v56;
	_ =	sdelay $0x1  }
0xcb: {  	v0 =	vmul.f32 v58, v0;
	_ =	sdelay $0x1  }
0xcc: {  	v61 =	vld [tilespmem:s20+$0x5870];
	[tilespmem:s20+$0x8460] =	vst v0  }
0xcd: {  	v62 =	vld.idx.msk [tilespmem:v59+s13+$0x0], $0xffff;
	_ =	sdelay $0x1  }
0xce: {  	v63 =	vld.idx.msk [tilespmem:v60+s14+$0x0], $0xffff;
	_ =	sdelay $0x2  }
0xcf: {  	v0 =	vmul.f32 v62, v61;
	_ =	sdelay $0x1  }
0xd0: {  	s16 =	sadd.s32 $0x1, s16;
	v0 =	vmul.f32 v63, v0  }
0xd1: {  	p0 =	sne.s32 s16, s9  }
.Ltmp1:
0xd2: {  	[tilespmem:s20+$0x8470] =	vst v0;
	(pc) =	sbr.rel @p0 .LBB2_1-.Ltmp1, $4  }
0xd3: {  	[hbm4b:s8+s2] =	stream.linear.scatter [tilespmem:s15], [sflag:$0x1], $0x2900, $0x38;
	[tilespmem:$0x10000] =	vst v63  }
0xd4: {  	_ =	swait.ge [sflag:s10], $0x2900  }
0xd5: {  	[sflag:s10] =	ssyncset.done $0x0  }
0xd6: {  	[sflag:s10] =	ssyncadd.s32 $0xFFFFD700  }
0xd7: {  	_ =	sfence.sel $0x180000  }
0xd8: {  	[bflag:$0x0] =	sbarrier.arrive $0xFFFF  }
0xd9: {  	p0 =	sne.s32 s0, $0x0;
	_ =	strace $0x9000004A  }
0xda: {  	s0 =	sadd.s32 @!p0 $0x100000, s1;
	[bflag:$0x2] =	sbarrier.arrive $0xFFFF  }
0xdb: {  	[sflag:s0] =	ssyncadd.tile.s32 @!p0 $0x1;
	_ =	shalt  }
.Lfunc_end2:
_tile_overlayer_lowered:
.L_overlay_start_2:
0xdc: {  	(tag) =	ssettag $0x2  }
0xdd: {  	s0 =	rddreg [dreg:$0x0];
	s2 =	stileid.u32  }
0xde: {  	s1 =	rddreg [dreg:$0x1];
	p0 =	sne.s32 s2, $0x0  }
0xdf: {  	s3 =	rddreg [dreg:$0x2];
	[bflag:$0x3] =	sbarrier.arrive $0xFFFF;
	s2 =	simm.s32 @!p0 $0x1C01  }
0xe0: {  	[timem:s3], [sflag:s2] =	dma.local @!p0 [hbm:s0], s1  }
0xe1: {  	s0 =	simm.s32 @!p0 $0x1  }
0xe2: {  	_ =	swait.ge @!p0 [sflag:s0], s1  }
0xe3: {  	s1 =	ssub.s32 @!p0 $0x0, s1;
	[sflag:s0] =	ssyncset.done @!p0 $0x0  }
0xe4: {  	[sflag:s0] =	ssyncadd.s32 @!p0 s1  }
0xe5: {  	[bflag:$0x3] =	sbarrier.arrive $0xFFFF  }
0xe6: {  	_ =	shalt  }

// kernel: kernel.15.cloned.1.call-start
scs
__scs_entry_jumppad:
0x0: {  	(pc) =	sbr.rel $0x88, $3  }
0x1: {  	(tag) =	ssettag $0x0;
	lr =	simm.s32 $0x1  }
0x2: {  	[smem:$0x3F9A] =	sst lr;
	_ =	strace $0xD0000000  }
0x3: {  	_ = 	snop  }
0x4: {  	_ = 	snop  }
0x5: {  	_ = 	snop  }
0x6: {  	_ = 	snop  }
0x7: {  	_ = 	snop  }
__scs_overlays_trampoline_lowered:
0x8: {  	[smem:$0x3FA9] =	sst s0  }
0x9: {  	[smem:$0x3FAA] =	sst s1  }
0xa: {  	[smem:$0x3FAB] =	sst s2  }
0xb: {  	[smem:$0x3FAC] =	sst s3  }
0xc: {  	[smem:$0x3FAD] =	sst s4  }
0xd: {  	[smem:$0x3FAE] =	sst s5  }
0xe: {  	[smem:$0x3FAF] =	sst s6  }
0xf: {  	[smem:$0x3FB0] =	sst s7  }
0x10: {  	[smem:$0x3FB1] =	sst s8  }
0x11: {  	[smem:$0x3FB2] =	sst s9;
	s0 =	simm.s32 @!p0 $0x0  }
0x12: {  	s1 =	sld [smem:$0x3F98];
	s0 =	simm.s32 @p0 $0x1  }
0x13: {  	[smem:$0x3FB3] =	sst s0;
	s0 =	simm.s32 @!p1 $0x0  }
0x14: {  	s2 =	sld [smem:$0x3F97];
	s0 =	simm.s32 @p1 $0x1  }
0x15: {  	[smem:$0x3FB4] =	sst s0;
	s0 =	simm.s32 @!p2 $0x0  }
0x16: {  	s3 =	sld [smem:$0x3FDB];
	s0 =	simm.s32 @p2 $0x1  }
0x17: {  	s4 =	simm.s32 $0x1BF5;
	[smem:$0x3FB6] =	sst s0  }
0x18: {  	s0 =	sld [smem:$0x3F99];
	_ =	swait.ge [sflag:s4], $0x0  }
0x19: {  	s7 =	sld [smem:$0x3F9A]  }
0x1a: {  	s8 =	sadd.s32 $0xFFFFE003, lr  }
0x1b: {  	s9 =	sadd.s32 $0xFFFFFEF7, lr;
	s5 =	simm.s32 $0xFFFFFFFF;
	p2 =	slt.u32 s8, $0xFFFFF086  }
0x1c: {  	p1 =	slt.u32 s9, $0xF7A;
	s5 =	simm.s32 @!p2 $0x0  }
0x1d: {  	s5 =	simm.s32 @p1 $0x1;
	p0 =	seq.s32 s7, s2  }
0x1e: {  	s7 =	smul.u32 @!p0 $0xF7A, s2;
	p2 =	seq.s32 @!p0 s5, $0x0  }
0x1f: {  	s9 =	smul.u32 $0xF7A, s1;
	s8 =	simm.s32 @!p0 $0x1BF5;
	p2 =	por !p2, p0  }
0x20: {  	[sflag:s8] =	ssyncset.s32 @!p0 $0xFFFFF086;
	s6 =	sadd.s32 @!p0 s3, s7;
	s7 =	simm.s32 @!p0 $0x108  }
0x21: {  	s3 =	sadd.s32 s3, s9;
	s6 =	sadd.s32 @!p0 $0x88, s6;
	s7 =	simm.s32 @p2 $0x1082  }
0x22: {  	[simem:s7], [sflag:s8] =	dma.local @!p0 [hbm:s6], $0xF7A  }
0x23: {  	s9 =	sor.u32 $0xD0000000, s2;
	s6 =	simm.s32 $0x108;
	_ =	swait.ge @!p0 [sflag:s8], $0x0  }
0x24: {  	s3 =	sadd.s32 $0x88, s3;
	s6 =	simm.s32 @!p1 $0x1082;
	[sflag:s4] =	ssyncset.s32 $0xFFFFF086  }
0x25: {  	[simem:s6], [sflag:s4] =	dma.local [hbm:s3], $0xF7A  }
0x26: {  	[smem:$0x3F9A] =	sst s1;
	(tag) =	ssettag s2;
	_ =	strace s9  }
0x27: {  	s1 =	sld [smem:$0x3FAA]  }
0x28: {  	s2 =	sld [smem:$0x3FAB]  }
0x29: {  	s4 =	sld [smem:$0x3FAD]  }
0x2a: {  	p0 =	seq.s32 s5, $0x0;
	s5 =	sld [smem:$0x3FAE]  }
0x2b: {  	s6 =	sld [smem:$0x3FAF]  }
0x2c: {  	s7 =	sld [smem:$0x3FB0]  }
0x2d: {  	s3 =	simm.s32 $0x108;
	s8 =	sld [smem:$0x3FB1]  }
0x2e: {  	s3 =	simm.s32 @!p0 $0x1082;
	s9 =	sld [smem:$0x3FB2]  }
0x2f: {  	lr =	sadd.s32 s0, s3;
	s0 =	sld [smem:$0x3FA9]  }
0x30: {  	s3 =	sld [smem:$0x3FAC]  }
0x31: {  	[smem:$0x3FB5] =	sst s10  }
0x32: {  	s10 =	sld [smem:$0x3FB3];
	_ =	sdelay $0x3  }
0x33: {  	p0 =	seq.s32 s10, $0x1;
	s10 =	sld [smem:$0x3FB5];
	_ =	sdelay $0x3  }
0x34: {  	[smem:$0x3FB5] =	sst s10  }
0x35: {  	s10 =	sld [smem:$0x3FB4];
	_ =	sdelay $0x3  }
0x36: {  	p1 =	seq.s32 s10, $0x1;
	s10 =	sld [smem:$0x3FB5];
	_ =	sdelay $0x3  }
0x37: {  	[smem:$0x3FB5] =	sst s10  }
0x38: {  	s10 =	sld [smem:$0x3FB6]  }
0x39: {  	_ = 	snop;
	(pc) =	sbr.ind lr, $3  }
0x3a: {  	_ = 	snop  }
0x3b: {  	_ = 	snop  }
0x3c: {  	p2 =	seq.s32 s10, $0x1;
	s10 =	sld [smem:$0x3FB5]  }
0x3d: {  	_ =	shalt  }
0x3e: {  	_ =	shalt  }
0x3f: {  	_ =	shalt  }
0x40: {  	_ =	shalt  }
0x41: {  	_ =	shalt  }
0x42: {  	_ =	shalt  }
0x43: {  	_ =	shalt  }
0x44: {  	_ =	shalt  }
0x45: {  	_ =	shalt  }
0x46: {  	_ =	shalt  }
0x47: {  	_ =	shalt  }
0x48: {  	_ =	shalt  }
0x49: {  	_ =	shalt  }
0x4a: {  	_ =	shalt  }
0x4b: {  	_ =	shalt  }
0x4c: {  	_ =	shalt  }
0x4d: {  	_ =	shalt  }
0x4e: {  	_ =	shalt  }
0x4f: {  	_ =	shalt  }
0x50: {  	_ =	shalt  }
0x51: {  	_ =	shalt  }
0x52: {  	_ =	shalt  }
0x53: {  	_ =	shalt  }
0x54: {  	_ =	shalt  }
0x55: {  	_ =	shalt  }
0x56: {  	_ =	shalt  }
0x57: {  	_ =	shalt  }
0x58: {  	_ =	shalt  }
0x59: {  	_ =	shalt  }
0x5a: {  	_ =	shalt  }
0x5b: {  	_ =	shalt  }
0x5c: {  	_ =	shalt  }
0x5d: {  	_ =	shalt  }
0x5e: {  	_ =	shalt  }
0x5f: {  	_ =	shalt  }
0x60: {  	_ =	shalt  }
0x61: {  	_ =	shalt  }
0x62: {  	_ =	shalt  }
0x63: {  	_ =	shalt  }
0x64: {  	_ =	shalt  }
0x65: {  	_ =	shalt  }
0x66: {  	_ =	shalt  }
0x67: {  	_ =	shalt  }
0x68: {  	_ =	shalt  }
0x69: {  	_ =	shalt  }
0x6a: {  	_ =	shalt  }
0x6b: {  	_ =	shalt  }
0x6c: {  	_ =	shalt  }
0x6d: {  	_ =	shalt  }
0x6e: {  	_ =	shalt  }
0x6f: {  	_ =	shalt  }
0x70: {  	_ =	shalt  }
0x71: {  	_ =	shalt  }
0x72: {  	_ =	shalt  }
0x73: {  	_ =	shalt  }
0x74: {  	_ =	shalt  }
0x75: {  	_ =	shalt  }
0x76: {  	_ =	shalt  }
0x77: {  	_ =	shalt  }
0x78: {  	_ =	shalt  }
0x79: {  	_ =	shalt  }
0x7a: {  	_ =	shalt  }
0x7b: {  	_ =	shalt  }
0x7c: {  	_ =	shalt  }
0x7d: {  	_ =	shalt  }
0x7e: {  	_ =	shalt  }
0x7f: {  	_ =	shalt  }
0x80: {  	_ =	shalt  }
0x81: {  	_ =	shalt  }
0x82: {  	_ =	shalt  }
0x83: {  	_ =	shalt  }
0x84: {  	_ =	shalt  }
0x85: {  	_ =	shalt  }
0x86: {  	_ =	shalt  }
0x87: {  	_ =	shalt  }
.Lfunc_end0:
.L_simem_size_0:
called_computation.2_lowered:
.L_overlay_start_0:
0x88: {  	s2 =	sld [smem:$0x3FD9]  }
0x89: {  	s3 =	sld [smem:$0x3FFE];
	_ =	sdelay $0x1  }
0x8a: {  	s1 =	srdreg.scid  }
0x8b: {  	s0 =	sand.u32 $0x1, s1  }
0x8c: {  	s17 =	sshll.u32 s0, $0xA;
	s2 =	sadd.s32 s3, s2  }
0x8d: {  	s2 =	sadd.s32 s2, s17  }
0x8e: {  	[smem:$0x3FC1] =	sst s2  }
0x8f: {  	_ = 	snop  }
0x90: {  	s2 =	sld [smem:$0x3FC9];
	(tm) =	ssettm $0x1  }
0x91: {  	s18 =	sld [smem:$0x3FFB];
	_ =	sdelay $0x3  }
0x92: {  	_ =	strace s18  }
0x93: {  	s3 =	sld [smem:$0x3FFC];
	_ =	sdelay $0x3  }
0x94: {  	_ =	strace s3  }
0x95: {  	s3 =	sld [smem:$0x3FFD];
	_ =	sdelay $0x3  }
0x96: {  	_ =	strace s3  }
0x97: {  	_ =	strace $0x8FFFFFFF  }
0x98: {  	s19 =	sld [smem:$0x3FDB];
	_ =	sdelay $0x1  }
0x99: {  	s4 =	simm.s32 $_scs_section_size  }
0x9a: {  	s5 =	simm.s32 $_size__tile_overlayer_lowered;
	s6 =	simm.s32 $_tile_overlayer_lowered  }
0x9b: {  	s22 =	simm.s32 $0x1BFF;
	s21 =	sshll.u32 s6, $0x1;
	s3 =	sadd.s32 s4, s19  }
0x9c: {  	s7 =	simm.s32 $0x0;
	s20 =	sshll.u32 s5, $0x1;
	s5 =	sadd.s32 s21, s3  }
0x9d: {  	[timem:s7], [sflag:s22] =	dma.local [hbm:s5], s20  }
0x9e: {  	_ =	swait.ge [sflag:s22], s20  }
0x9f: {  	s4 =	ssub.s32 $0x0, s20;
	[sflag:s22] =	ssyncset.done $0x0  }
0xa0: {  	[sflag:s22] =	ssyncadd.s32 s4;
	_ =	sdelay $0x1  }
0xa1: {  	s23 =	simm.s32 $0x1B8B  }
0xa2: {  	_ =	swait.ge [sflag:s23], $0x1  }
0xa3: {  	[sflag:s23] =	ssyncset.done $0x0  }
0xa4: {  	s25 =	simm.s32 $0x1B8E;
	s24 =	sld [smem:$0x3FFE];
	[sflag:s23] =	ssyncadd.s32 $0xFFFFFFFF  }
0xa5: {  	s26 =	simm.s32 $execute0_lowered;
	[smem:$0x3FD2] =	sst s25  }
0xa6: {  	s5 =	sshll.u32 s26, $0x1;
	_ =	strace $0x8000004C;
	[dreg:$0x1] =	wrdreg $0xFFFFFFFF  }
0xa7: {  	s28 =	simm.s32 $_size_execute0_lowered;
	s3 =	sadd.s32 s3, s5;
	[dreg:$0x0] =	wrdreg $0x0  }
0xa8: {  	s5 =	sshll.u32 s28, $0x1;
	[dreg:$0x2] =	wrdreg s3  }
0xa9: {  	[dreg:$0x3] =	wrdreg s5  }
0xaa: {  	[dreg:$0x4] =	wrdreg $0xC0  }
0xab: {  	_ =	task [dreg:s7], $0x5FFFF  }
0xac: {  	[dreg:$0x1] =	wrdreg $0xFFFFFFFF  }
0xad: {  	[dreg:$0x0] =	wrdreg $0x60  }
0xae: {  	[dreg:$0x2] =	wrdreg s2  }
0xaf: {  	[dreg:$0x3] =	wrdreg s24  }
0xb0: {  	[dreg:$0x4] =	wrdreg $0xAF000  }
0xb1: {  	[dreg:$0x5] =	wrdreg $0x9  }
0xb2: {  	_ =	task.clear_ibuf [dreg:s7], $0x6FFFF;
	_ =	strace $0x9000004C  }
0xb3: {  	s29 =	simm.s32 $0x9;
	_ =	strace $0x8000004E  }
0xb4: {  	_ =	swait.ge [sflag:s29], $0x1  }
0xb5: {  	[sflag:s29] =	ssyncadd.s32 $0xFFFFFFFF  }
0xb6: {  	_ =	strace $0x9000004E  }
0xb7: {  	_ =	sfence  }
0xb8: {  	s30 =	sld [smem:$0x0];
	_ =	sdelay $0x2  }
0xb9: {  	s31 =	sshll.u32 s1, $0xD;
	s1 =	sshrl.u32 s1, $0x2  }
0xba: {  	s3 =	sand.u32 $0x4000, s31;
	s1 =	sadd.s32 s1, s30  }
0xbb: {  	s0 =	sor.u32 s3, s0;
	s1 =	sshll.u32 s1, $0x11  }
0xbc: {  	s0 =	sor.u32 s1, s0  }
0xbd: {  	s0 =	sadd.s32 $0x8F2B, s0  }
0xbe: {  	[sflag:s0] =	ssyncadd.remote.s32 $0x1  }
0xbf: {  	_ =	sfence.sel $0xFFFF  }
0xc0: {  	[dreg:$0x0] =	wrdreg $0xFFFFFFFF;
	(pc) =	sbr.abs _section_cstart, $3  }
0xc1: {  	[dreg:$0x1] =	wrdreg $0xFFFFFFFF  }
0xc2: {  	_ =	task.clear_ibuf [dreg:s7], $0x2FFFF;
	_ =	strace $0x9FFFFFFF  }
0xc3: {  	(tm) =	ssettm $0x7FFFFFFF  }
tec
execute0_lowered:
.L_overlay_start_1:
0x0: {  	(tag) =	ssettag $0x1  }
0x1: {  	s0 =	srdreg.scid;
	s1 =	rddreg [dreg:$0x0]  }
0x2: {  	s5 =	stileid.u32;
	s9 =	rddreg [dreg:$0x1]  }
0x3: {  	s3 =	rddreg [dreg:$0x2];
	s24 =	simm.s32 $0x0;
	s17 =	simm.s32 $0x80  }
0x4: {  	s18 =	simm.s32 $0x2C00;
	s19 =	simm.s32 $0x2F00;
	s20 =	simm.s32 $0x2D00  }
0x5: {  	s21 =	simm.s32 $0x2E00;
	s22 =	simm.s32 $0x1;
	s23 =	simm.s32 $0x2C80  }
0x6: {  	s28 =	simm.s32 $0x2;
	s29 =	simm.s32 $0x0;
	s0 =	sand.u32 $0x1, s0  }
0x7: {  	[smem:$0x7FF] =	sst s24;
	s6 =	sadd.s32 $0x1E00, s9;
	s7 =	sadd.s32 $0x18800, s9  }
0x8: {  	s10 =	smul.u32 $0x50000, s5;
	s8 =	sadd.s32 $0x23800, s9;
	s12 =	sadd.s32 $0x26000, s9  }
0x9: {  	s13 =	smul.u32 $0x14000, s5;
	s15 =	sadd.s32 $0x12C000, s3;
	p0 =	seq.s32 s5, $0xF  }
0xa: {  	s24 =	simm.s32 $0x6F00;
	s2 =	sshll.u32 s0, $0x4;
	_ =	strace $0x8000004D  }
0xb: {  	s11 =	ssub.s32 $0x2, s0;
	s0 =	smul.u32 $0x138800, s0;
	s2 =	sor.u32 s5, s2  }
0xc: {  	s26 =	sshrl.u32 s11, $0x1;
	s30 =	sshrl.u32 s10, $0x2;
	s4 =	smul.u32 $0x2C00, s2  }
0xd: {  	s14 =	ssub.s32 s11, s26;
	s31 =	sadd.s32 s13, s0;
	s0 =	sshrl.u32 s0, $0x3  }
0xe: {  	s13 =	simm.s32 $0x3;
	s26 =	simm.s32 $0x2E80;
	s10 =	sshrl.u32 s31, $0x3  }
0xf: {  	s0 =	sadd.s32 s12, s0;
	s25 =	sshrl.u32 s4, $0x3;
	s10 =	sadd.s32 s12, s10  }
0x10: {  	s11 =	sadd.s32 $0x25800, s0;
	s12 =	smax.u32 s14, $0x1;
	s2 =	sadd.s32 s25, s9  }
0x11: {  	s0 =	sshll.u32 @!p0 s5, $0x6;
	s14 =	sshrl.u32 @p0 s15, $0x3;
	s2 =	sadd.s32 $0xCE00, s2  }
0x12: {  	s15 =	sor.u32 @!p0 $0x1C03, s0;
	[dreg:$0x4] =	wrdreg s2;
	s2 =	sadd.s32 s30, s3  }
0x13: {  	s25 =	simm.s32 $0x2D80;
	s9 =	simm.s32 $0x0;
	s16 =	sshrl.u32 @!p0 s2, $0x3  }
.LBB2_1:
0x14: {  	s0 =	simm.s32 $0x0;
	s2 =	rddreg [dreg:$0x4]  }
0x15: {  	[tilespmem:s0], [sflag:$0x3] =	stream.linear.gather [hbm4b:s2+s0], $0x2900, $0x38;
	[tilespmem:$0x1E780] =	vst v63  }
0x16: {  	_ =	swait.ge [sflag:s13], $0x2900  }
0x17: {  	[sflag:s13] =	ssyncset.done $0x0  }
0x18: {  	s0 =	simm.s32 @p0 $0x1FC3;
	[sflag:s13] =	ssyncadd.s32 $0xFFFFD700  }
0x19: {  	[spmem:s14], [sflag:s0] =	dma.local @p0 [hbm:s8], $0x1900  }
0x1a: {  	s0 =	simm.s32 @p0 $0x3  }
0x1b: {  	_ =	swait.ge @p0 [sflag:s0], $0x1900  }
0x1c: {  	[sflag:s0] =	ssyncset.done @p0 $0x0  }
0x1d: {  	[sflag:s0] =	ssyncadd.s32 @p0 $0xFFFFE700;
	s0 =	simm.s32 @!p0 $0x3  }
0x1e: {  	[spmem:s16], [sflag:s15] =	dma.local @!p0 [hbm:s8], $0x2800  }
0x1f: {  	_ =	swait.ge @!p0 [sflag:s0], $0x2800  }
0x20: {  	[sflag:s0] =	ssyncset.done @!p0 $0x0  }
0x21: {  	[sflag:s0] =	ssyncadd.s32 @!p0 $0xFFFFD800  }
0x22: {  	s30 =	simm.s32 $0x0;
	[bflag:$0x0] =	sbarrier.arrive $0xFFFF  }
.LBB2_2:
0x23: {  	s0 =	sshll.u32 s30, $0x8  }
0x24: {  	v0 =	vld [tilespmem:s0+$0x0];
	_ =	sdelay $0x4  }
0x25: {  	[tilespmem:$0x2C00] =	vst v0  }
0x26: {  	v0 =	vld [tilespmem:s0+$0x10];
	_ =	sdelay $0x4  }
0x27: {  	[tilespmem:$0x2C10] =	vst v0  }
0x28: {  	v0 =	vld [tilespmem:s0+$0x20];
	_ =	sdelay $0x4  }
0x29: {  	[tilespmem:$0x2C20] =	vst v0  }
0x2a: {  	v0 =	vld [tilespmem:s0+$0x30];
	_ =	sdelay $0x4  }
0x2b: {  	[tilespmem:$0x2C30] =	vst v0  }
0x2c: {  	v0 =	vld [tilespmem:s0+$0x40];
	_ =	sdelay $0x4  }
0x2d: {  	[tilespmem:$0x2C40] =	vst v0  }
0x2e: {  	v0 =	vld [tilespmem:s0+$0x50];
	_ =	sdelay $0x4  }
0x2f: {  	[tilespmem:$0x2C50] =	vst v0  }
0x30: {  	v0 =	vld [tilespmem:s0+$0x60];
	_ =	sdelay $0x4  }
0x31: {  	[tilespmem:$0x2C60] =	vst v0  }
0x32: {  	v0 =	vld [tilespmem:s0+$0x70];
	_ =	sdelay $0x1  }
0x33: {  	s2 =	sand.u32 $0x3C00, s0  }
0x34: {  	s31 =	sand.u32 $0x300, s0;
	s2 =	sadd.s32 s4, s2  }
0x35: {  	s31 =	sor.u32 s31, s2  }
0x36: {  	s31 =	sshrl.u32 s31, $0x3;
	[tilespmem:$0x2C70] =	vst v0  }
0x37: {  	[tilespmem:s19], [sflag:$0x1] =	stream.indirect.gather [hbm4b:s1+s17], $0x80, s18, s17, $0xb8;
	[tilespmem:$0x1E780] =	vst v63  }
0x38: {  	s5 =	sadd.s32 s6, s31  }
0x39: {  	[tilespmem:s20], [sflag:$0x1] =	stream.linear.gather [hbm4b:s5+s9], $0x80, $0x38;
	[tilespmem:$0x1E780] =	vst v63  }
0x3a: {  	s5 =	sadd.s32 s7, s31  }
0x3b: {  	[tilespmem:s21], [sflag:$0x1] =	stream.linear.gather [hbm4b:s5+s9], $0x80, $0x38;
	[tilespmem:$0x1E780] =	vst v63  }
0x3c: {  	_ =	swait.ge [sflag:s22], $0x4000  }
0x3d: {  	[sflag:s22] =	ssyncset.done $0x0  }
0x3e: {  	[sflag:s22] =	ssyncadd.s32 $0xFFFFC000  }
0x3f: {  	_ =	swait.ge [sflag:s22], $0x80  }
0x40: {  	[sflag:s22] =	ssyncset.done $0x0  }
0x41: {  	[sflag:s22] =	ssyncadd.s32 $0xFFFFFF80  }
0x42: {  	_ =	swait.ge [sflag:s22], $0x80  }
0x43: {  	[sflag:s22] =	ssyncset.done $0x0  }
0x44: {  	[sflag:s22] =	ssyncadd.s32 $0xFFFFFF80  }
0x45: {  	v0 =	vld [tilespmem:s0+$0x80];
	_ =	sdelay $0x4  }
0x46: {  	[tilespmem:$0x2C80] =	vst v0  }
0x47: {  	v0 =	vld [tilespmem:s0+$0x90];
	_ =	sdelay $0x4  }
0x48: {  	[tilespmem:$0x2C90] =	vst v0  }
0x49: {  	v0 =	vld [tilespmem:s0+$0xA0];
	_ =	sdelay $0x4  }
0x4a: {  	[tilespmem:$0x2CA0] =	vst v0  }
0x4b: {  	v0 =	vld [tilespmem:s0+$0xB0];
	_ =	sdelay $0x4  }
0x4c: {  	[tilespmem:$0x2CB0] =	vst v0  }
0x4d: {  	v0 =	vld [tilespmem:s0+$0xC0];
	_ =	sdelay $0x4  }
0x4e: {  	[tilespmem:$0x2CC0] =	vst v0  }
0x4f: {  	v0 =	vld [tilespmem:s0+$0xD0];
	_ =	sdelay $0x4  }
0x50: {  	[tilespmem:$0x2CD0] =	vst v0  }
0x51: {  	v0 =	vld [tilespmem:s0+$0xE0];
	_ =	sdelay $0x4  }
0x52: {  	[tilespmem:$0x2CE0] =	vst v0  }
0x53: {  	v0 =	vld [tilespmem:s0+$0xF0];
	_ =	sdelay $0x1  }
0x54: {  	s0 =	sor.u32 $0x80, s0  }
0x55: {  	s0 =	sand.u32 $0x380, s0  }
0x56: {  	s0 =	sor.u32 s0, s2  }
0x57: {  	s0 =	sshrl.u32 s0, $0x3;
	[tilespmem:$0x2CF0] =	vst v0  }
0x58: {  	[tilespmem:s24], [sflag:$0x2] =	stream.indirect.gather [hbm4b:s1+s17], $0x80, s23, s17, $0xb8;
	[tilespmem:$0x1E780] =	vst v63  }
0x59: {  	s5 =	sadd.s32 s6, s0  }
0x5a: {  	[tilespmem:s25], [sflag:$0x2] =	stream.linear.gather [hbm4b:s5+s9], $0x80, $0x38;
	[tilespmem:$0x1E780] =	vst v63  }
0x5b: {  	s31 =	simm.s32 $0x2F40;
	s0 =	sadd.s32 s7, s0;
	v0 =	vmov s9  }
0x5c: {  	[tilespmem:s26], [sflag:$0x2] =	stream.linear.gather [hbm4b:s0+s9], $0x80, $0x38;
	[tilespmem:$0x1E780] =	vst v63  }
0x5d: {  	v4 =	vld [tilespmem:s31+$0x30]  }
0x5e: {  	v7 =	vld [tilespmem:s31+$0x10]  }
0x5f: {  	v5 =	vld [tilespmem:s31+$0xFFFFFFC0]  }
0x60: {  	v1 =	vld.idx.msk [tilespmem:v0+s21+$0x0], $0xffff  }
0x61: {  	v9 =	vld [tilespmem:s31+$0xFFFFFFE0]  }
0x62: {  	v0 =	vld [tilespmem:s31+$0xFFFFFFF0]  }
0x63: {  	v2 =	vld [tilespmem:s31+$0x20]  }
0x64: {  	v3 =	vld [tilespmem:s31+$0xFFFFFFD0]  }
0x65: {  	v8 =	vmul.f32 v4, v1;
	v4 =	vld [tilespmem:s31+$0x0]  }
0x66: {  	v6 =	vmul.f32 v5, v1  }
0x67: {  	s2 =	simm.s32 $0x1;
	s0 =	simm.s32 $0x2F40;
	v5 =	vmul.f32 v9, v1;
	v7 =	vmul.f32 v7, v1  }
.LBB2_3:
0x68: {  	p1 =	sne.s32 s2, $0x7F  }
0x69: {  	v3 =	vmul.f32 v3, v1;
	v2 =	vmul.f32 v2, v1;
	[tilespmem:s31+$0x30] =	vst v8;
	s0 =	sadd.s32 $0x80, s0;
	s5 =	smov.u32 s2;
	s2 =	sadd.s32 $0x1, s2  }
0x6a: {  	[tilespmem:s31+$0xFFFFFFC0] =	vst v6;
	v6 =	vmul.f32 v0, v1;
	v1 =	vmul.f32 v4, v1  }
0x6b: {  	[tilespmem:s31+$0x10] =	vst v7  }
0x6c: {  	v4 =	vmov s5;
	[tilespmem:s31+$0xFFFFFFE0] =	vst v5  }
0x6d: {  	v0 =	vld [tilespmem:s0+$0xFFFFFFF0];
	[tilespmem:s31+$0xFFFFFFF0] =	vst v6  }
0x6e: {  	v5 =	vld [tilespmem:s0+$0x30];
	[tilespmem:s31+$0x0] =	vst v1  }
0x6f: {  	v7 =	vld [tilespmem:s0+$0x10];
	[tilespmem:s31+$0x20] =	vst v2  }
0x70: {  	v6 =	vld [tilespmem:s0+$0xFFFFFFC0];
	[tilespmem:s31+$0xFFFFFFD0] =	vst v3;
	s31 =	smov.u32 s0  }
0x71: {  	v1 =	vld.idx.msk [tilespmem:v4+s21+$0x0], $0xffff  }
0x72: {  	v9 =	vld [tilespmem:s0+$0xFFFFFFE0]  }
0x73: {  	v2 =	vld [tilespmem:s0+$0x20]  }
.Ltmp0:
0x74: {  	v3 =	vld [tilespmem:s0+$0xFFFFFFD0];
	(pc) =	sbr.rel @p1 .LBB2_3-.Ltmp0, $3  }
0x75: {  	v4 =	vld [tilespmem:s0+$0x0];
	_ =	sdelay $0x1  }
0x76: {  	v6 =	vmul.f32 v6, v1;
	v8 =	vmul.f32 v5, v1  }
0x77: {  	v7 =	vmul.f32 v7, v1;
	v5 =	vmul.f32 v9, v1  }
0x78: {  	[tilespmem:s31+$0x30] =	vst v8  }
0x79: {  	[tilespmem:s31+$0xFFFFFFC0] =	vst v6  }
0x7a: {  	v0 =	vmul.f32 v0, v1;
	[tilespmem:s31+$0x10] =	vst v7  }
0x7b: {  	v2 =	vmul.f32 v2, v1;
	[tilespmem:s31+$0xFFFFFFE0] =	vst v5  }
0x7c: {  	v4 =	vmul.f32 v4, v1;
	[tilespmem:s31+$0xFFFFFFF0] =	vst v0  }
0x7d: {  	v0 =	vmul.f32 v3, v1;
	[tilespmem:s31+$0x20] =	vst v2  }
0x7e: {  	[tilespmem:s31+$0x0] =	vst v4  }
0x7f: {  	[tilespmem:s31+$0xFFFFFFD0] =	vst v0  }
0x80: {  	[spmem:s3] =	stream.indirect.scatter.add.f32 [tilespmem:s19], [sflag:$0x3], $0x80, s20, s17, $0xb8;
	[tilespmem:$0x1E780] =	vst v63  }
0x81: {  	_ =	swait.ge [sflag:s13], $0x4000  }
0x82: {  	[sflag:s13] =	ssyncset.done $0x0  }
0x83: {  	[sflag:s13] =	ssyncadd.s32 $0xFFFFC000  }
0x84: {  	_ =	swait.ge [sflag:s28], $0x4000  }
0x85: {  	[sflag:s28] =	ssyncset.done $0x0  }
0x86: {  	[sflag:s28] =	ssyncadd.s32 $0xFFFFC000  }
0x87: {  	_ =	swait.ge [sflag:s28], $0x80  }
0x88: {  	[sflag:s28] =	ssyncset.done $0x0  }
0x89: {  	[sflag:s28] =	ssyncadd.s32 $0xFFFFFF80  }
0x8a: {  	s0 =	simm.s32 $0x0;
	_ =	swait.ge [sflag:s28], $0x80  }
0x8b: {  	v0 =	vmov s0;
	[sflag:s28] =	ssyncset.done $0x0  }
0x8c: {  	s31 =	simm.s32 $0x6F40;
	[sflag:s28] =	ssyncadd.s32 $0xFFFFFF80  }
0x8d: {  	v4 =	vld [tilespmem:s31+$0x30]  }
0x8e: {  	v7 =	vld [tilespmem:s31+$0x10]  }
0x8f: {  	v5 =	vld [tilespmem:s31+$0xFFFFFFC0]  }
0x90: {  	v1 =	vld.idx.msk [tilespmem:v0+s26+$0x0], $0xffff  }
0x91: {  	v9 =	vld [tilespmem:s31+$0xFFFFFFE0]  }
0x92: {  	v0 =	vld [tilespmem:s31+$0xFFFFFFF0]  }
0x93: {  	v2 =	vld [tilespmem:s31+$0x20]  }
0x94: {  	v3 =	vld [tilespmem:s31+$0xFFFFFFD0]  }
0x95: {  	v8 =	vmul.f32 v4, v1;
	v4 =	vld [tilespmem:s31+$0x0]  }
0x96: {  	v6 =	vmul.f32 v5, v1  }
0x97: {  	s2 =	simm.s32 $0x1;
	s0 =	simm.s32 $0x6F40;
	v5 =	vmul.f32 v9, v1;
	v7 =	vmul.f32 v7, v1  }
.LBB2_5:
0x98: {  	p1 =	sne.s32 s2, $0x7F  }
0x99: {  	v3 =	vmul.f32 v3, v1;
	v2 =	vmul.f32 v2, v1;
	[tilespmem:s31+$0x30] =	vst v8;
	s0 =	sadd.s32 $0x80, s0;
	s5 =	smov.u32 s2;
	s2 =	sadd.s32 $0x1, s2  }
0x9a: {  	[tilespmem:s31+$0xFFFFFFC0] =	vst v6;
	v6 =	vmul.f32 v0, v1;
	v1 =	vmul.f32 v4, v1  }
0x9b: {  	[tilespmem:s31+$0x10] =	vst v7  }
0x9c: {  	v4 =	vmov s5;
	[tilespmem:s31+$0xFFFFFFE0] =	vst v5  }
0x9d: {  	v0 =	vld [tilespmem:s0+$0xFFFFFFF0];
	[tilespmem:s31+$0xFFFFFFF0] =	vst v6  }
0x9e: {  	v5 =	vld [tilespmem:s0+$0x30];
	[tilespmem:s31+$0x0] =	vst v1  }
0x9f: {  	v7 =	vld [tilespmem:s0+$0x10];
	[tilespmem:s31+$0x20] =	vst v2  }
0xa0: {  	v6 =	vld [tilespmem:s0+$0xFFFFFFC0];
	[tilespmem:s31+$0xFFFFFFD0] =	vst v3;
	s31 =	smov.u32 s0  }
0xa1: {  	v1 =	vld.idx.msk [tilespmem:v4+s26+$0x0], $0xffff  }
0xa2: {  	v9 =	vld [tilespmem:s0+$0xFFFFFFE0]  }
0xa3: {  	v2 =	vld [tilespmem:s0+$0x20]  }
.Ltmp1:
0xa4: {  	v3 =	vld [tilespmem:s0+$0xFFFFFFD0];
	(pc) =	sbr.rel @p1 .LBB2_5-.Ltmp1, $3  }
0xa5: {  	v4 =	vld [tilespmem:s0+$0x0];
	_ =	sdelay $0x1  }
0xa6: {  	v6 =	vmul.f32 v6, v1;
	v8 =	vmul.f32 v5, v1  }
0xa7: {  	v7 =	vmul.f32 v7, v1;
	v5 =	vmul.f32 v9, v1  }
0xa8: {  	[tilespmem:s31+$0x30] =	vst v8  }
0xa9: {  	[tilespmem:s31+$0xFFFFFFC0] =	vst v6  }
0xaa: {  	v0 =	vmul.f32 v0, v1;
	[tilespmem:s31+$0x10] =	vst v7  }
0xab: {  	v2 =	vmul.f32 v2, v1;
	[tilespmem:s31+$0xFFFFFFE0] =	vst v5  }
0xac: {  	v63 =	vmul.f32 v3, v1;
	[tilespmem:s31+$0xFFFFFFF0] =	vst v0  }
0xad: {  	s30 =	sadd.s32 $0x1, s30;
	v4 =	vmul.f32 v4, v1;
	[tilespmem:s31+$0x20] =	vst v2  }
0xae: {  	p1 =	sne.s32 s30, $0x29;
	[tilespmem:s31+$0xFFFFFFD0] =	vst v63  }
.Ltmp2:
0xaf: {  	[tilespmem:s31+$0x0] =	vst v4;
	(pc) =	sbr.rel @p1 .LBB2_2-.Ltmp2, $4  }
0xb0: {  	[spmem:s3] =	stream.indirect.scatter.add.f32 [tilespmem:s24], [sflag:$0x3], $0x80, s25, s17, $0xb8;
	[tilespmem:$0x1E780] =	vst v63  }
0xb1: {  	_ =	swait.ge [sflag:s13], $0x4000  }
0xb2: {  	[sflag:s13] =	ssyncset.done $0x0  }
0xb3: {  	[sflag:s13] =	ssyncadd.s32 $0xFFFFC000  }
0xb4: {  	[bflag:$0x0] =	sbarrier.arrive $0xFFFF;
	s0 =	simm.s32 @p0 $0x1FC3  }
0xb5: {  	[hbm:s11], [sflag:s0] =	dma.local @p0 [spmem:s14], $0x1900  }
0xb6: {  	s0 =	simm.s32 @p0 $0x3  }
0xb7: {  	s29 =	sadd.s32 $0x1, s29;
	_ =	swait.ge @p0 [sflag:s0], $0x1900  }
0xb8: {  	p1 =	sne.s32 s29, s12;
	[sflag:s0] =	ssyncset.done @p0 $0x0  }
.Ltmp3:
0xb9: {  	[sflag:s0] =	ssyncadd.s32 @p0 $0xFFFFE700;
	s0 =	simm.s32 @!p0 $0x3;
	(pc) =	sbr.rel @p1 .LBB2_1-.Ltmp3, $4  }
0xba: {  	[hbm:s10], [sflag:s15] =	dma.local @!p0 [spmem:s16], $0x2800  }
0xbb: {  	_ =	swait.ge @!p0 [sflag:s0], $0x2800  }
0xbc: {  	[sflag:s0] =	ssyncset.done @!p0 $0x0  }
0xbd: {  	[sflag:s0] =	ssyncadd.s32 @!p0 $0xFFFFD800  }
0xbe: {  	_ =	sfence.sel $0x180000  }
0xbf: {  	[bflag:$0x0] =	sbarrier.arrive $0xFFFF  }
0xc0: {  	_ =	strace $0x9000004D  }
0xc1: {  	s0 =	stileid.u32;
	[bflag:$0x2] =	sbarrier.arrive $0xFFFF  }
0xc2: {  	p0 =	sne.s32 s0, $0x0;
	s0 =	rddreg [dreg:$0x3]  }
0xc3: {  	s0 =	sadd.s32 @!p0 $0x100000, s0  }
0xc4: {  	[sflag:s0] =	ssyncadd.tile.s32 @!p0 $0x1;
	_ =	shalt  }
.Lfunc_end2:
_tile_overlayer_lowered:
.L_overlay_start_2:
0xc5: {  	(tag) =	ssettag $0x2  }
0xc6: {  	s0 =	rddreg [dreg:$0x0];
	s2 =	stileid.u32  }
0xc7: {  	s1 =	rddreg [dreg:$0x1];
	p0 =	sne.s32 s2, $0x0  }
0xc8: {  	s3 =	rddreg [dreg:$0x2];
	[bflag:$0x3] =	sbarrier.arrive $0xFFFF;
	s2 =	simm.s32 @!p0 $0x1C03  }
0xc9: {  	[timem:s3], [sflag:s2] =	dma.local @!p0 [hbm:s0], s1  }
0xca: {  	s0 =	simm.s32 @!p0 $0x3  }
0xcb: {  	_ =	swait.ge @!p0 [sflag:s0], s1  }
0xcc: {  	s1 =	ssub.s32 @!p0 $0x0, s1;
	[sflag:s0] =	ssyncset.done @!p0 $0x0  }
0xcd: {  	[sflag:s0] =	ssyncadd.s32 @!p0 s1  }
0xce: {  	[bflag:$0x3] =	sbarrier.arrive $0xFFFF  }
0xcf: {  	_ =	shalt  }

// kernel: kernel.18.cloned.1.call-start
scs
__scs_entry_jumppad:
0x0: {  	(pc) =	sbr.rel $0x88, $3  }
0x1: {  	(tag) =	ssettag $0x0;
	lr =	simm.s32 $0x1  }
0x2: {  	[smem:$0x3F9A] =	sst lr;
	_ =	strace $0xD0000000  }
0x3: {  	_ = 	snop  }
0x4: {  	_ = 	snop  }
0x5: {  	_ = 	snop  }
0x6: {  	_ = 	snop  }
0x7: {  	_ = 	snop  }
__scs_overlays_trampoline_lowered:
0x8: {  	[smem:$0x3FA9] =	sst s0  }
0x9: {  	[smem:$0x3FAA] =	sst s1  }
0xa: {  	[smem:$0x3FAB] =	sst s2  }
0xb: {  	[smem:$0x3FAC] =	sst s3  }
0xc: {  	[smem:$0x3FAD] =	sst s4  }
0xd: {  	[smem:$0x3FAE] =	sst s5  }
0xe: {  	[smem:$0x3FAF] =	sst s6  }
0xf: {  	[smem:$0x3FB0] =	sst s7  }
0x10: {  	[smem:$0x3FB1] =	sst s8  }
0x11: {  	[smem:$0x3FB2] =	sst s9;
	s0 =	simm.s32 @!p0 $0x0  }
0x12: {  	s1 =	sld [smem:$0x3F98];
	s0 =	simm.s32 @p0 $0x1  }
0x13: {  	[smem:$0x3FB3] =	sst s0;
	s0 =	simm.s32 @!p1 $0x0  }
0x14: {  	s2 =	sld [smem:$0x3F97];
	s0 =	simm.s32 @p1 $0x1  }
0x15: {  	[smem:$0x3FB4] =	sst s0;
	s0 =	simm.s32 @!p2 $0x0  }
0x16: {  	s3 =	sld [smem:$0x3FDB];
	s0 =	simm.s32 @p2 $0x1  }
0x17: {  	s4 =	simm.s32 $0x1BF5;
	[smem:$0x3FB6] =	sst s0  }
0x18: {  	s0 =	sld [smem:$0x3F99];
	_ =	swait.ge [sflag:s4], $0x0  }
0x19: {  	s7 =	sld [smem:$0x3F9A]  }
0x1a: {  	s8 =	sadd.s32 $0xFFFFE003, lr  }
0x1b: {  	s9 =	sadd.s32 $0xFFFFFEF7, lr;
	s5 =	simm.s32 $0xFFFFFFFF;
	p2 =	slt.u32 s8, $0xFFFFF086  }
0x1c: {  	p1 =	slt.u32 s9, $0xF7A;
	s5 =	simm.s32 @!p2 $0x0  }
0x1d: {  	s5 =	simm.s32 @p1 $0x1;
	p0 =	seq.s32 s7, s2  }
0x1e: {  	s7 =	smul.u32 @!p0 $0xF7A, s2;
	p2 =	seq.s32 @!p0 s5, $0x0  }
0x1f: {  	s9 =	smul.u32 $0xF7A, s1;
	s8 =	simm.s32 @!p0 $0x1BF5;
	p2 =	por !p2, p0  }
0x20: {  	[sflag:s8] =	ssyncset.s32 @!p0 $0xFFFFF086;
	s6 =	sadd.s32 @!p0 s3, s7;
	s7 =	simm.s32 @!p0 $0x108  }
0x21: {  	s3 =	sadd.s32 s3, s9;
	s6 =	sadd.s32 @!p0 $0x88, s6;
	s7 =	simm.s32 @p2 $0x1082  }
0x22: {  	[simem:s7], [sflag:s8] =	dma.local @!p0 [hbm:s6], $0xF7A  }
0x23: {  	s9 =	sor.u32 $0xD0000000, s2;
	s6 =	simm.s32 $0x108;
	_ =	swait.ge @!p0 [sflag:s8], $0x0  }
0x24: {  	s3 =	sadd.s32 $0x88, s3;
	s6 =	simm.s32 @!p1 $0x1082;
	[sflag:s4] =	ssyncset.s32 $0xFFFFF086  }
0x25: {  	[simem:s6], [sflag:s4] =	dma.local [hbm:s3], $0xF7A  }
0x26: {  	[smem:$0x3F9A] =	sst s1;
	(tag) =	ssettag s2;
	_ =	strace s9  }
0x27: {  	s1 =	sld [smem:$0x3FAA]  }
0x28: {  	s2 =	sld [smem:$0x3FAB]  }
0x29: {  	s4 =	sld [smem:$0x3FAD]  }
0x2a: {  	p0 =	seq.s32 s5, $0x0;
	s5 =	sld [smem:$0x3FAE]  }
0x2b: {  	s6 =	sld [smem:$0x3FAF]  }
0x2c: {  	s7 =	sld [smem:$0x3FB0]  }
0x2d: {  	s3 =	simm.s32 $0x108;
	s8 =	sld [smem:$0x3FB1]  }
0x2e: {  	s3 =	simm.s32 @!p0 $0x1082;
	s9 =	sld [smem:$0x3FB2]  }
0x2f: {  	lr =	sadd.s32 s0, s3;
	s0 =	sld [smem:$0x3FA9]  }
0x30: {  	s3 =	sld [smem:$0x3FAC]  }
0x31: {  	[smem:$0x3FB5] =	sst s10  }
0x32: {  	s10 =	sld [smem:$0x3FB3];
	_ =	sdelay $0x3  }
0x33: {  	p0 =	seq.s32 s10, $0x1;
	s10 =	sld [smem:$0x3FB5];
	_ =	sdelay $0x3  }
0x34: {  	[smem:$0x3FB5] =	sst s10  }
0x35: {  	s10 =	sld [smem:$0x3FB4];
	_ =	sdelay $0x3  }
0x36: {  	p1 =	seq.s32 s10, $0x1;
	s10 =	sld [smem:$0x3FB5];
	_ =	sdelay $0x3  }
0x37: {  	[smem:$0x3FB5] =	sst s10  }
0x38: {  	s10 =	sld [smem:$0x3FB6]  }
0x39: {  	_ = 	snop;
	(pc) =	sbr.ind lr, $3  }
0x3a: {  	_ = 	snop  }
0x3b: {  	_ = 	snop  }
0x3c: {  	p2 =	seq.s32 s10, $0x1;
	s10 =	sld [smem:$0x3FB5]  }
0x3d: {  	_ =	shalt  }
0x3e: {  	_ =	shalt  }
0x3f: {  	_ =	shalt  }
0x40: {  	_ =	shalt  }
0x41: {  	_ =	shalt  }
0x42: {  	_ =	shalt  }
0x43: {  	_ =	shalt  }
0x44: {  	_ =	shalt  }
0x45: {  	_ =	shalt  }
0x46: {  	_ =	shalt  }
0x47: {  	_ =	shalt  }
0x48: {  	_ =	shalt  }
0x49: {  	_ =	shalt  }
0x4a: {  	_ =	shalt  }
0x4b: {  	_ =	shalt  }
0x4c: {  	_ =	shalt  }
0x4d: {  	_ =	shalt  }
0x4e: {  	_ =	shalt  }
0x4f: {  	_ =	shalt  }
0x50: {  	_ =	shalt  }
0x51: {  	_ =	shalt  }
0x52: {  	_ =	shalt  }
0x53: {  	_ =	shalt  }
0x54: {  	_ =	shalt  }
0x55: {  	_ =	shalt  }
0x56: {  	_ =	shalt  }
0x57: {  	_ =	shalt  }
0x58: {  	_ =	shalt  }
0x59: {  	_ =	shalt  }
0x5a: {  	_ =	shalt  }
0x5b: {  	_ =	shalt  }
0x5c: {  	_ =	shalt  }
0x5d: {  	_ =	shalt  }
0x5e: {  	_ =	shalt  }
0x5f: {  	_ =	shalt  }
0x60: {  	_ =	shalt  }
0x61: {  	_ =	shalt  }
0x62: {  	_ =	shalt  }
0x63: {  	_ =	shalt  }
0x64: {  	_ =	shalt  }
0x65: {  	_ =	shalt  }
0x66: {  	_ =	shalt  }
0x67: {  	_ =	shalt  }
0x68: {  	_ =	shalt  }
0x69: {  	_ =	shalt  }
0x6a: {  	_ =	shalt  }
0x6b: {  	_ =	shalt  }
0x6c: {  	_ =	shalt  }
0x6d: {  	_ =	shalt  }
0x6e: {  	_ =	shalt  }
0x6f: {  	_ =	shalt  }
0x70: {  	_ =	shalt  }
0x71: {  	_ =	shalt  }
0x72: {  	_ =	shalt  }
0x73: {  	_ =	shalt  }
0x74: {  	_ =	shalt  }
0x75: {  	_ =	shalt  }
0x76: {  	_ =	shalt  }
0x77: {  	_ =	shalt  }
0x78: {  	_ =	shalt  }
0x79: {  	_ =	shalt  }
0x7a: {  	_ =	shalt  }
0x7b: {  	_ =	shalt  }
0x7c: {  	_ =	shalt  }
0x7d: {  	_ =	shalt  }
0x7e: {  	_ =	shalt  }
0x7f: {  	_ =	shalt  }
0x80: {  	_ =	shalt  }
0x81: {  	_ =	shalt  }
0x82: {  	_ =	shalt  }
0x83: {  	_ =	shalt  }
0x84: {  	_ =	shalt  }
0x85: {  	_ =	shalt  }
0x86: {  	_ =	shalt  }
0x87: {  	_ =	shalt  }
.Lfunc_end0:
.L_simem_size_0:
called_computation.3_lowered:
.L_overlay_start_0:
0x88: {  	s2 =	sld [smem:$0x3FD9]  }
0x89: {  	s3 =	sld [smem:$0x3FFE];
	_ =	sdelay $0x1  }
0x8a: {  	s1 =	srdreg.scid  }
0x8b: {  	s0 =	sand.u32 $0x1, s1  }
0x8c: {  	s14 =	sshll.u32 s0, $0xA;
	s2 =	sadd.s32 s3, s2  }
0x8d: {  	s2 =	sadd.s32 s2, s14  }
0x8e: {  	[smem:$0x3FC1] =	sst s2  }
0x8f: {  	_ = 	snop  }
0x90: {  	s2 =	sld [smem:$0x3FD0];
	_ =	sdelay $0x2  }
0x91: {  	s15 =	simm.s32 $0xA;
	s4 =	simm.s32 $0x10  }
0x92: {  	[smem:s4], [sflag:s15] =	dma.local [hbm:s2], $0x1  }
0x93: {  	_ =	swait.eq [sflag:s15], $0x1  }
0x94: {  	[sflag:s15] =	ssyncset.done $0x0  }
0x95: {  	[sflag:s15] =	ssyncadd.s32 $0xFFFFFFFF  }
0x96: {  	s16 =	sld [smem:$0x10];
	(tm) =	ssettm $0x1  }
0x97: {  	s17 =	sld [smem:$0x3FFB];
	_ =	sdelay $0x3  }
0x98: {  	_ =	strace s17  }
0x99: {  	s3 =	sld [smem:$0x3FFC];
	_ =	sdelay $0x3  }
0x9a: {  	_ =	strace s3  }
0x9b: {  	s3 =	sld [smem:$0x3FFD];
	_ =	sdelay $0x3  }
0x9c: {  	_ =	strace s3  }
0x9d: {  	_ =	strace $0x8FFFFFFF  }
0x9e: {  	s18 =	sld [smem:$0x3FDB];
	_ =	sdelay $0x1  }
0x9f: {  	s19 =	simm.s32 $_scs_section_size  }
0xa0: {  	s5 =	simm.s32 $_size__tile_overlayer_lowered;
	s6 =	simm.s32 $_tile_overlayer_lowered  }
0xa1: {  	s22 =	simm.s32 $0x1BFF;
	s21 =	sshll.u32 s6, $0x1;
	s3 =	sadd.s32 s19, s18  }
0xa2: {  	s7 =	simm.s32 $0x0;
	s20 =	sshll.u32 s5, $0x1;
	s5 =	sadd.s32 s21, s3  }
0xa3: {  	[timem:s7], [sflag:s22] =	dma.local [hbm:s5], s20  }
0xa4: {  	_ =	swait.ge [sflag:s22], s20  }
0xa5: {  	s4 =	ssub.s32 $0x0, s20;
	[sflag:s22] =	ssyncset.done $0x0  }
0xa6: {  	[sflag:s22] =	ssyncadd.s32 s4;
	_ =	sdelay $0x1  }
0xa7: {  	s23 =	simm.s32 $0x1B8B  }
0xa8: {  	_ =	swait.ge [sflag:s23], $0x1  }
0xa9: {  	[sflag:s23] =	ssyncset.done $0x0  }
0xaa: {  	s25 =	simm.s32 $0x1B8E;
	s24 =	sld [smem:$0x3FFE];
	[sflag:s23] =	ssyncadd.s32 $0xFFFFFFFF  }
0xab: {  	s26 =	simm.s32 $execute0_lowered;
	[smem:$0x3FD2] =	sst s25  }
0xac: {  	s5 =	sshll.u32 s26, $0x1;
	_ =	strace $0x8000004F;
	[dreg:$0x1] =	wrdreg $0xFFFFFFFF  }
0xad: {  	s28 =	simm.s32 $_size_execute0_lowered;
	s3 =	sadd.s32 s3, s5;
	[dreg:$0x0] =	wrdreg $0x0  }
0xae: {  	s5 =	sshll.u32 s28, $0x1;
	[dreg:$0x2] =	wrdreg s3  }
0xaf: {  	[dreg:$0x3] =	wrdreg s5  }
0xb0: {  	[dreg:$0x4] =	wrdreg $0xC0  }
0xb1: {  	_ =	task [dreg:s7], $0x5FFFF  }
0xb2: {  	[dreg:$0x1] =	wrdreg $0xFFFFFFFF  }
0xb3: {  	[dreg:$0x0] =	wrdreg $0x60  }
0xb4: {  	[dreg:$0x2] =	wrdreg s16  }
0xb5: {  	[dreg:$0x3] =	wrdreg s24  }
0xb6: {  	[dreg:$0x4] =	wrdreg $0xAF000  }
0xb7: {  	[dreg:$0x5] =	wrdreg $0x9  }
0xb8: {  	_ =	task.clear_ibuf [dreg:s7], $0x6FFFF;
	_ =	strace $0x9000004F  }
0xb9: {  	s29 =	simm.s32 $0x9;
	_ =	strace $0x80000051  }
0xba: {  	_ =	swait.ge [sflag:s29], $0x1  }
0xbb: {  	[sflag:s29] =	ssyncadd.s32 $0xFFFFFFFF  }
0xbc: {  	_ =	strace $0x90000051  }
0xbd: {  	_ =	sfence  }
0xbe: {  	s30 =	sld [smem:$0x0];
	_ =	sdelay $0x2  }
0xbf: {  	s31 =	sshll.u32 s1, $0xD;
	s1 =	sshrl.u32 s1, $0x2  }
0xc0: {  	s3 =	sand.u32 $0x4000, s31;
	s1 =	sadd.s32 s1, s30  }
0xc1: {  	s0 =	sor.u32 s3, s0;
	s1 =	sshll.u32 s1, $0x11  }
0xc2: {  	s0 =	sor.u32 s1, s0  }
0xc3: {  	s0 =	sadd.s32 $0x8F2B, s0  }
0xc4: {  	[sflag:s0] =	ssyncadd.remote.s32 $0x1  }
0xc5: {  	_ =	sfence.sel $0xFFFF  }
0xc6: {  	[dreg:$0x0] =	wrdreg $0xFFFFFFFF;
	(pc) =	sbr.abs _section_cstart, $3  }
0xc7: {  	[dreg:$0x1] =	wrdreg $0xFFFFFFFF  }
0xc8: {  	_ =	task.clear_ibuf [dreg:s7], $0x2FFFF;
	_ =	strace $0x9FFFFFFF  }
0xc9: {  	(tm) =	ssettm $0x7FFFFFFF  }
tec
execute0_lowered:
.L_overlay_start_1:
0x0: {  	(tag) =	ssettag $0x1  }
0x1: {  	s0 =	srdreg.scid;
	s1 =	rddreg [dreg:$0x0]  }
0x2: {  	s5 =	stileid.u32;
	s9 =	rddreg [dreg:$0x1]  }
0x3: {  	s3 =	rddreg [dreg:$0x2];
	s24 =	simm.s32 $0x0;
	s17 =	simm.s32 $0x80  }
0x4: {  	s18 =	simm.s32 $0x2C00;
	s19 =	simm.s32 $0x2F00;
	s20 =	simm.s32 $0x2D00  }
0x5: {  	s21 =	simm.s32 $0x2E00;
	s22 =	simm.s32 $0x1;
	s23 =	simm.s32 $0x2C80  }
0x6: {  	s28 =	simm.s32 $0x2;
	s29 =	simm.s32 $0x0;
	s0 =	sand.u32 $0x1, s0  }
0x7: {  	[smem:$0x7FF] =	sst s24;
	s6 =	sadd.s32 $0x1E00, s9;
	s7 =	sadd.s32 $0x18800, s9  }
0x8: {  	s10 =	smul.u32 $0x50000, s5;
	s8 =	sadd.s32 $0x23800, s9;
	s12 =	sadd.s32 $0x26000, s9  }
0x9: {  	s13 =	smul.u32 $0x14000, s5;
	s15 =	sadd.s32 $0x12C000, s3;
	p0 =	seq.s32 s5, $0xF  }
0xa: {  	s24 =	simm.s32 $0x6F00;
	s2 =	sshll.u32 s0, $0x4;
	_ =	strace $0x80000050  }
0xb: {  	s11 =	ssub.s32 $0x2, s0;
	s0 =	smul.u32 $0x138800, s0;
	s2 =	sor.u32 s5, s2  }
0xc: {  	s26 =	sshrl.u32 s11, $0x1;
	s30 =	sshrl.u32 s10, $0x2;
	s4 =	smul.u32 $0x2C00, s2  }
0xd: {  	s14 =	ssub.s32 s11, s26;
	s31 =	sadd.s32 s13, s0;
	s0 =	sshrl.u32 s0, $0x3  }
0xe: {  	s13 =	simm.s32 $0x3;
	s26 =	simm.s32 $0x2E80;
	s10 =	sshrl.u32 s31, $0x3  }
0xf: {  	s0 =	sadd.s32 s12, s0;
	s25 =	sshrl.u32 s4, $0x3;
	s10 =	sadd.s32 s12, s10  }
0x10: {  	s11 =	sadd.s32 $0x25800, s0;
	s12 =	smax.u32 s14, $0x1;
	s2 =	sadd.s32 s25, s9  }
0x11: {  	s0 =	sshll.u32 @!p0 s5, $0x6;
	s14 =	sshrl.u32 @p0 s15, $0x3;
	s2 =	sadd.s32 $0xCE00, s2  }
0x12: {  	s15 =	sor.u32 @!p0 $0x1C03, s0;
	[dreg:$0x4] =	wrdreg s2;
	s2 =	sadd.s32 s30, s3  }
0x13: {  	s25 =	simm.s32 $0x2D80;
	s9 =	simm.s32 $0x0;
	s16 =	sshrl.u32 @!p0 s2, $0x3  }
.LBB2_1:
0x14: {  	s0 =	simm.s32 $0x0;
	s2 =	rddreg [dreg:$0x4]  }
0x15: {  	[tilespmem:s0], [sflag:$0x3] =	stream.linear.gather [hbm4b:s2+s0], $0x2900, $0x38;
	[tilespmem:$0x1E780] =	vst v63  }
0x16: {  	_ =	swait.ge [sflag:s13], $0x2900  }
0x17: {  	[sflag:s13] =	ssyncset.done $0x0  }
0x18: {  	s0 =	simm.s32 @p0 $0x1FC3;
	[sflag:s13] =	ssyncadd.s32 $0xFFFFD700  }
0x19: {  	[spmem:s14], [sflag:s0] =	dma.local @p0 [hbm:s8], $0x1900  }
0x1a: {  	s0 =	simm.s32 @p0 $0x3  }
0x1b: {  	_ =	swait.ge @p0 [sflag:s0], $0x1900  }
0x1c: {  	[sflag:s0] =	ssyncset.done @p0 $0x0  }
0x1d: {  	[sflag:s0] =	ssyncadd.s32 @p0 $0xFFFFE700;
	s0 =	simm.s32 @!p0 $0x3  }
0x1e: {  	[spmem:s16], [sflag:s15] =	dma.local @!p0 [hbm:s8], $0x2800  }
0x1f: {  	_ =	swait.ge @!p0 [sflag:s0], $0x2800  }
0x20: {  	[sflag:s0] =	ssyncset.done @!p0 $0x0  }
0x21: {  	[sflag:s0] =	ssyncadd.s32 @!p0 $0xFFFFD800  }
0x22: {  	s30 =	simm.s32 $0x0;
	[bflag:$0x0] =	sbarrier.arrive $0xFFFF  }
.LBB2_2:
0x23: {  	s0 =	sshll.u32 s30, $0x8  }
0x24: {  	v0 =	vld [tilespmem:s0+$0x0];
	_ =	sdelay $0x4  }
0x25: {  	[tilespmem:$0x2C00] =	vst v0  }
0x26: {  	v0 =	vld [tilespmem:s0+$0x10];
	_ =	sdelay $0x4  }
0x27: {  	[tilespmem:$0x2C10] =	vst v0  }
0x28: {  	v0 =	vld [tilespmem:s0+$0x20];
	_ =	sdelay $0x4  }
0x29: {  	[tilespmem:$0x2C20] =	vst v0  }
0x2a: {  	v0 =	vld [tilespmem:s0+$0x30];
	_ =	sdelay $0x4  }
0x2b: {  	[tilespmem:$0x2C30] =	vst v0  }
0x2c: {  	v0 =	vld [tilespmem:s0+$0x40];
	_ =	sdelay $0x4  }
0x2d: {  	[tilespmem:$0x2C40] =	vst v0  }
0x2e: {  	v0 =	vld [tilespmem:s0+$0x50];
	_ =	sdelay $0x4  }
0x2f: {  	[tilespmem:$0x2C50] =	vst v0  }
0x30: {  	v0 =	vld [tilespmem:s0+$0x60];
	_ =	sdelay $0x4  }
0x31: {  	[tilespmem:$0x2C60] =	vst v0  }
0x32: {  	v0 =	vld [tilespmem:s0+$0x70];
	_ =	sdelay $0x1  }
0x33: {  	s2 =	sand.u32 $0x3C00, s0  }
0x34: {  	s31 =	sand.u32 $0x300, s0;
	s2 =	sadd.s32 s4, s2  }
0x35: {  	s31 =	sor.u32 s31, s2  }
0x36: {  	s31 =	sshrl.u32 s31, $0x3;
	[tilespmem:$0x2C70] =	vst v0  }
0x37: {  	[tilespmem:s19], [sflag:$0x1] =	stream.indirect.gather [hbm4b:s1+s17], $0x80, s18, s17, $0xb8;
	[tilespmem:$0x1E780] =	vst v63  }
0x38: {  	s5 =	sadd.s32 s6, s31  }
0x39: {  	[tilespmem:s20], [sflag:$0x1] =	stream.linear.gather [hbm4b:s5+s9], $0x80, $0x38;
	[tilespmem:$0x1E780] =	vst v63  }
0x3a: {  	s5 =	sadd.s32 s7, s31  }
0x3b: {  	[tilespmem:s21], [sflag:$0x1] =	stream.linear.gather [hbm4b:s5+s9], $0x80, $0x38;
	[tilespmem:$0x1E780] =	vst v63  }
0x3c: {  	_ =	swait.ge [sflag:s22], $0x4000  }
0x3d: {  	[sflag:s22] =	ssyncset.done $0x0  }
0x3e: {  	[sflag:s22] =	ssyncadd.s32 $0xFFFFC000  }
0x3f: {  	_ =	swait.ge [sflag:s22], $0x80  }
0x40: {  	[sflag:s22] =	ssyncset.done $0x0  }
0x41: {  	[sflag:s22] =	ssyncadd.s32 $0xFFFFFF80  }
0x42: {  	_ =	swait.ge [sflag:s22], $0x80  }
0x43: {  	[sflag:s22] =	ssyncset.done $0x0  }
0x44: {  	[sflag:s22] =	ssyncadd.s32 $0xFFFFFF80  }
0x45: {  	v0 =	vld [tilespmem:s0+$0x80];
	_ =	sdelay $0x4  }
0x46: {  	[tilespmem:$0x2C80] =	vst v0  }
0x47: {  	v0 =	vld [tilespmem:s0+$0x90];
	_ =	sdelay $0x4  }
0x48: {  	[tilespmem:$0x2C90] =	vst v0  }
0x49: {  	v0 =	vld [tilespmem:s0+$0xA0];
	_ =	sdelay $0x4  }
0x4a: {  	[tilespmem:$0x2CA0] =	vst v0  }
0x4b: {  	v0 =	vld [tilespmem:s0+$0xB0];
	_ =	sdelay $0x4  }
0x4c: {  	[tilespmem:$0x2CB0] =	vst v0  }
0x4d: {  	v0 =	vld [tilespmem:s0+$0xC0];
	_ =	sdelay $0x4  }
0x4e: {  	[tilespmem:$0x2CC0] =	vst v0  }
0x4f: {  	v0 =	vld [tilespmem:s0+$0xD0];
	_ =	sdelay $0x4  }
0x50: {  	[tilespmem:$0x2CD0] =	vst v0  }
0x51: {  	v0 =	vld [tilespmem:s0+$0xE0];
	_ =	sdelay $0x4  }
0x52: {  	[tilespmem:$0x2CE0] =	vst v0  }
0x53: {  	v0 =	vld [tilespmem:s0+$0xF0];
	_ =	sdelay $0x1  }
0x54: {  	s0 =	sor.u32 $0x80, s0  }
0x55: {  	s0 =	sand.u32 $0x380, s0  }
0x56: {  	s0 =	sor.u32 s0, s2  }
0x57: {  	s0 =	sshrl.u32 s0, $0x3;
	[tilespmem:$0x2CF0] =	vst v0  }
0x58: {  	[tilespmem:s24], [sflag:$0x2] =	stream.indirect.gather [hbm4b:s1+s17], $0x80, s23, s17, $0xb8;
	[tilespmem:$0x1E780] =	vst v63  }
0x59: {  	s5 =	sadd.s32 s6, s0  }
0x5a: {  	[tilespmem:s25], [sflag:$0x2] =	stream.linear.gather [hbm4b:s5+s9], $0x80, $0x38;
	[tilespmem:$0x1E780] =	vst v63  }
0x5b: {  	s31 =	simm.s32 $0x2F40;
	s0 =	sadd.s32 s7, s0;
	v0 =	vmov s9  }
0x5c: {  	[tilespmem:s26], [sflag:$0x2] =	stream.linear.gather [hbm4b:s0+s9], $0x80, $0x38;
	[tilespmem:$0x1E780] =	vst v63  }
0x5d: {  	v4 =	vld [tilespmem:s31+$0x30]  }
0x5e: {  	v7 =	vld [tilespmem:s31+$0x10]  }
0x5f: {  	v5 =	vld [tilespmem:s31+$0xFFFFFFC0]  }
0x60: {  	v1 =	vld.idx.msk [tilespmem:v0+s21+$0x0], $0xffff  }
0x61: {  	v9 =	vld [tilespmem:s31+$0xFFFFFFE0]  }
0x62: {  	v0 =	vld [tilespmem:s31+$0xFFFFFFF0]  }
0x63: {  	v2 =	vld [tilespmem:s31+$0x20]  }
0x64: {  	v3 =	vld [tilespmem:s31+$0xFFFFFFD0]  }
0x65: {  	v8 =	vmul.f32 v4, v1;
	v4 =	vld [tilespmem:s31+$0x0]  }
0x66: {  	v6 =	vmul.f32 v5, v1  }
0x67: {  	s2 =	simm.s32 $0x1;
	s0 =	simm.s32 $0x2F40;
	v5 =	vmul.f32 v9, v1;
	v7 =	vmul.f32 v7, v1  }
.LBB2_3:
0x68: {  	p1 =	sne.s32 s2, $0x7F  }
0x69: {  	v3 =	vmul.f32 v3, v1;
	v2 =	vmul.f32 v2, v1;
	[tilespmem:s31+$0x30] =	vst v8;
	s0 =	sadd.s32 $0x80, s0;
	s5 =	smov.u32 s2;
	s2 =	sadd.s32 $0x1, s2  }
0x6a: {  	[tilespmem:s31+$0xFFFFFFC0] =	vst v6;
	v6 =	vmul.f32 v0, v1;
	v1 =	vmul.f32 v4, v1  }
0x6b: {  	[tilespmem:s31+$0x10] =	vst v7  }
0x6c: {  	v4 =	vmov s5;
	[tilespmem:s31+$0xFFFFFFE0] =	vst v5  }
0x6d: {  	v0 =	vld [tilespmem:s0+$0xFFFFFFF0];
	[tilespmem:s31+$0xFFFFFFF0] =	vst v6  }
0x6e: {  	v5 =	vld [tilespmem:s0+$0x30];
	[tilespmem:s31+$0x0] =	vst v1  }
0x6f: {  	v7 =	vld [tilespmem:s0+$0x10];
	[tilespmem:s31+$0x20] =	vst v2  }
0x70: {  	v6 =	vld [tilespmem:s0+$0xFFFFFFC0];
	[tilespmem:s31+$0xFFFFFFD0] =	vst v3;
	s31 =	smov.u32 s0  }
0x71: {  	v1 =	vld.idx.msk [tilespmem:v4+s21+$0x0], $0xffff  }
0x72: {  	v9 =	vld [tilespmem:s0+$0xFFFFFFE0]  }
0x73: {  	v2 =	vld [tilespmem:s0+$0x20]  }
.Ltmp0:
0x74: {  	v3 =	vld [tilespmem:s0+$0xFFFFFFD0];
	(pc) =	sbr.rel @p1 .LBB2_3-.Ltmp0, $3  }
0x75: {  	v4 =	vld [tilespmem:s0+$0x0];
	_ =	sdelay $0x1  }
0x76: {  	v6 =	vmul.f32 v6, v1;
	v8 =	vmul.f32 v5, v1  }
0x77: {  	v7 =	vmul.f32 v7, v1;
	v5 =	vmul.f32 v9, v1  }
0x78: {  	[tilespmem:s31+$0x30] =	vst v8  }
0x79: {  	[tilespmem:s31+$0xFFFFFFC0] =	vst v6  }
0x7a: {  	v0 =	vmul.f32 v0, v1;
	[tilespmem:s31+$0x10] =	vst v7  }
0x7b: {  	v2 =	vmul.f32 v2, v1;
	[tilespmem:s31+$0xFFFFFFE0] =	vst v5  }
0x7c: {  	v4 =	vmul.f32 v4, v1;
	[tilespmem:s31+$0xFFFFFFF0] =	vst v0  }
0x7d: {  	v0 =	vmul.f32 v3, v1;
	[tilespmem:s31+$0x20] =	vst v2  }
0x7e: {  	[tilespmem:s31+$0x0] =	vst v4  }
0x7f: {  	[tilespmem:s31+$0xFFFFFFD0] =	vst v0  }
0x80: {  	[spmem:s3] =	stream.indirect.scatter.add.f32 [tilespmem:s19], [sflag:$0x3], $0x80, s20, s17, $0xb8;
	[tilespmem:$0x1E780] =	vst v63  }
0x81: {  	_ =	swait.ge [sflag:s13], $0x4000  }
0x82: {  	[sflag:s13] =	ssyncset.done $0x0  }
0x83: {  	[sflag:s13] =	ssyncadd.s32 $0xFFFFC000  }
0x84: {  	_ =	swait.ge [sflag:s28], $0x4000  }
0x85: {  	[sflag:s28] =	ssyncset.done $0x0  }
0x86: {  	[sflag:s28] =	ssyncadd.s32 $0xFFFFC000  }
0x87: {  	_ =	swait.ge [sflag:s28], $0x80  }
0x88: {  	[sflag:s28] =	ssyncset.done $0x0  }
0x89: {  	[sflag:s28] =	ssyncadd.s32 $0xFFFFFF80  }
0x8a: {  	s0 =	simm.s32 $0x0;
	_ =	swait.ge [sflag:s28], $0x80  }
0x8b: {  	v0 =	vmov s0;
	[sflag:s28] =	ssyncset.done $0x0  }
0x8c: {  	s31 =	simm.s32 $0x6F40;
	[sflag:s28] =	ssyncadd.s32 $0xFFFFFF80  }
0x8d: {  	v4 =	vld [tilespmem:s31+$0x30]  }
0x8e: {  	v7 =	vld [tilespmem:s31+$0x10]  }
0x8f: {  	v5 =	vld [tilespmem:s31+$0xFFFFFFC0]  }
0x90: {  	v1 =	vld.idx.msk [tilespmem:v0+s26+$0x0], $0xffff  }
0x91: {  	v9 =	vld [tilespmem:s31+$0xFFFFFFE0]  }
0x92: {  	v0 =	vld [tilespmem:s31+$0xFFFFFFF0]  }
0x93: {  	v2 =	vld [tilespmem:s31+$0x20]  }
0x94: {  	v3 =	vld [tilespmem:s31+$0xFFFFFFD0]  }
0x95: {  	v8 =	vmul.f32 v4, v1;
	v4 =	vld [tilespmem:s31+$0x0]  }
0x96: {  	v6 =	vmul.f32 v5, v1  }
0x97: {  	s2 =	simm.s32 $0x1;
	s0 =	simm.s32 $0x6F40;
	v5 =	vmul.f32 v9, v1;
	v7 =	vmul.f32 v7, v1  }
.LBB2_5:
0x98: {  	p1 =	sne.s32 s2, $0x7F  }
0x99: {  	v3 =	vmul.f32 v3, v1;
	v2 =	vmul.f32 v2, v1;
	[tilespmem:s31+$0x30] =	vst v8;
	s0 =	sadd.s32 $0x80, s0;
	s5 =	smov.u32 s2;
	s2 =	sadd.s32 $0x1, s2  }
0x9a: {  	[tilespmem:s31+$0xFFFFFFC0] =	vst v6;
	v6 =	vmul.f32 v0, v1;
	v1 =	vmul.f32 v4, v1  }
0x9b: {  	[tilespmem:s31+$0x10] =	vst v7  }
0x9c: {  	v4 =	vmov s5;
	[tilespmem:s31+$0xFFFFFFE0] =	vst v5  }
0x9d: {  	v0 =	vld [tilespmem:s0+$0xFFFFFFF0];
	[tilespmem:s31+$0xFFFFFFF0] =	vst v6  }
0x9e: {  	v5 =	vld [tilespmem:s0+$0x30];
	[tilespmem:s31+$0x0] =	vst v1  }
0x9f: {  	v7 =	vld [tilespmem:s0+$0x10];
	[tilespmem:s31+$0x20] =	vst v2  }
0xa0: {  	v6 =	vld [tilespmem:s0+$0xFFFFFFC0];
	[tilespmem:s31+$0xFFFFFFD0] =	vst v3;
	s31 =	smov.u32 s0  }
0xa1: {  	v1 =	vld.idx.msk [tilespmem:v4+s26+$0x0], $0xffff  }
0xa2: {  	v9 =	vld [tilespmem:s0+$0xFFFFFFE0]  }
0xa3: {  	v2 =	vld [tilespmem:s0+$0x20]  }
.Ltmp1:
0xa4: {  	v3 =	vld [tilespmem:s0+$0xFFFFFFD0];
	(pc) =	sbr.rel @p1 .LBB2_5-.Ltmp1, $3  }
0xa5: {  	v4 =	vld [tilespmem:s0+$0x0];
	_ =	sdelay $0x1  }
0xa6: {  	v6 =	vmul.f32 v6, v1;
	v8 =	vmul.f32 v5, v1  }
0xa7: {  	v7 =	vmul.f32 v7, v1;
	v5 =	vmul.f32 v9, v1  }
0xa8: {  	[tilespmem:s31+$0x30] =	vst v8  }
0xa9: {  	[tilespmem:s31+$0xFFFFFFC0] =	vst v6  }
0xaa: {  	v0 =	vmul.f32 v0, v1;
	[tilespmem:s31+$0x10] =	vst v7  }
0xab: {  	v2 =	vmul.f32 v2, v1;
	[tilespmem:s31+$0xFFFFFFE0] =	vst v5  }
0xac: {  	v63 =	vmul.f32 v3, v1;
	[tilespmem:s31+$0xFFFFFFF0] =	vst v0  }
0xad: {  	s30 =	sadd.s32 $0x1, s30;
	v4 =	vmul.f32 v4, v1;
	[tilespmem:s31+$0x20] =	vst v2  }
0xae: {  	p1 =	sne.s32 s30, $0x29;
	[tilespmem:s31+$0xFFFFFFD0] =	vst v63  }
.Ltmp2:
0xaf: {  	[tilespmem:s31+$0x0] =	vst v4;
	(pc) =	sbr.rel @p1 .LBB2_2-.Ltmp2, $4  }
0xb0: {  	[spmem:s3] =	stream.indirect.scatter.add.f32 [tilespmem:s24], [sflag:$0x3], $0x80, s25, s17, $0xb8;
	[tilespmem:$0x1E780] =	vst v63  }
0xb1: {  	_ =	swait.ge [sflag:s13], $0x4000  }
0xb2: {  	[sflag:s13] =	ssyncset.done $0x0  }
0xb3: {  	[sflag:s13] =	ssyncadd.s32 $0xFFFFC000  }
0xb4: {  	[bflag:$0x0] =	sbarrier.arrive $0xFFFF;
	s0 =	simm.s32 @p0 $0x1FC3  }
0xb5: {  	[hbm:s11], [sflag:s0] =	dma.local @p0 [spmem:s14], $0x1900  }
0xb6: {  	s0 =	simm.s32 @p0 $0x3  }
0xb7: {  	s29 =	sadd.s32 $0x1, s29;
	_ =	swait.ge @p0 [sflag:s0], $0x1900  }
0xb8: {  	p1 =	sne.s32 s29, s12;
	[sflag:s0] =	ssyncset.done @p0 $0x0  }
.Ltmp3:
0xb9: {  	[sflag:s0] =	ssyncadd.s32 @p0 $0xFFFFE700;
	s0 =	simm.s32 @!p0 $0x3;
	(pc) =	sbr.rel @p1 .LBB2_1-.Ltmp3, $4  }
0xba: {  	[hbm:s10], [sflag:s15] =	dma.local @!p0 [spmem:s16], $0x2800  }
0xbb: {  	_ =	swait.ge @!p0 [sflag:s0], $0x2800  }
0xbc: {  	[sflag:s0] =	ssyncset.done @!p0 $0x0  }
0xbd: {  	[sflag:s0] =	ssyncadd.s32 @!p0 $0xFFFFD800  }
0xbe: {  	_ =	sfence.sel $0x180000  }
0xbf: {  	[bflag:$0x0] =	sbarrier.arrive $0xFFFF  }
0xc0: {  	_ =	strace $0x90000050  }
0xc1: {  	s0 =	stileid.u32;
	[bflag:$0x2] =	sbarrier.arrive $0xFFFF  }
0xc2: {  	p0 =	sne.s32 s0, $0x0;
	s0 =	rddreg [dreg:$0x3]  }
0xc3: {  	s0 =	sadd.s32 @!p0 $0x100000, s0  }
0xc4: {  	[sflag:s0] =	ssyncadd.tile.s32 @!p0 $0x1;
	_ =	shalt  }
.Lfunc_end2:
_tile_overlayer_lowered:
.L_overlay_start_2:
0xc5: {  	(tag) =	ssettag $0x2  }
0xc6: {  	s0 =	rddreg [dreg:$0x0];
	s2 =	stileid.u32  }
0xc7: {  	s1 =	rddreg [dreg:$0x1];
	p0 =	sne.s32 s2, $0x0  }
0xc8: {  	s3 =	rddreg [dreg:$0x2];
	[bflag:$0x3] =	sbarrier.arrive $0xFFFF;
	s2 =	simm.s32 @!p0 $0x1C03  }
0xc9: {  	[timem:s3], [sflag:s2] =	dma.local @!p0 [hbm:s0], s1  }
0xca: {  	s0 =	simm.s32 @!p0 $0x3  }
0xcb: {  	_ =	swait.ge @!p0 [sflag:s0], s1  }
0xcc: {  	s1 =	ssub.s32 @!p0 $0x0, s1;
	[sflag:s0] =	ssyncset.done @!p0 $0x0  }
0xcd: {  	[sflag:s0] =	ssyncadd.s32 @!p0 s1  }
0xce: {  	[bflag:$0x3] =	sbarrier.arrive $0xFFFF  }
0xcf: {  	_ =	shalt  }

// kernel: kernel.9.cloned.1.call-start
scs
__scs_entry_jumppad:
0x0: {  	(pc) =	sbr.rel $0x88, $3  }
0x1: {  	(tag) =	ssettag $0x0;
	lr =	simm.s32 $0x1  }
0x2: {  	[smem:$0x3F9A] =	sst lr;
	_ =	strace $0xD0000000  }
0x3: {  	_ = 	snop  }
0x4: {  	_ = 	snop  }
0x5: {  	_ = 	snop  }
0x6: {  	_ = 	snop  }
0x7: {  	_ = 	snop  }
__scs_overlays_trampoline_lowered:
0x8: {  	[smem:$0x3FA9] =	sst s0  }
0x9: {  	[smem:$0x3FAA] =	sst s1  }
0xa: {  	[smem:$0x3FAB] =	sst s2  }
0xb: {  	[smem:$0x3FAC] =	sst s3  }
0xc: {  	[smem:$0x3FAD] =	sst s4  }
0xd: {  	[smem:$0x3FAE] =	sst s5  }
0xe: {  	[smem:$0x3FAF] =	sst s6  }
0xf: {  	[smem:$0x3FB0] =	sst s7  }
0x10: {  	[smem:$0x3FB1] =	sst s8  }
0x11: {  	[smem:$0x3FB2] =	sst s9;
	s0 =	simm.s32 @!p0 $0x0  }
0x12: {  	s1 =	sld [smem:$0x3F98];
	s0 =	simm.s32 @p0 $0x1  }
0x13: {  	[smem:$0x3FB3] =	sst s0;
	s0 =	simm.s32 @!p1 $0x0  }
0x14: {  	s2 =	sld [smem:$0x3F97];
	s0 =	simm.s32 @p1 $0x1  }
0x15: {  	[smem:$0x3FB4] =	sst s0;
	s0 =	simm.s32 @!p2 $0x0  }
0x16: {  	s3 =	sld [smem:$0x3FDB];
	s0 =	simm.s32 @p2 $0x1  }
0x17: {  	s4 =	simm.s32 $0x1BF5;
	[smem:$0x3FB6] =	sst s0  }
0x18: {  	s0 =	sld [smem:$0x3F99];
	_ =	swait.ge [sflag:s4], $0x0  }
0x19: {  	s7 =	sld [smem:$0x3F9A]  }
0x1a: {  	s8 =	sadd.s32 $0xFFFFE003, lr  }
0x1b: {  	s9 =	sadd.s32 $0xFFFFFEF7, lr;
	s5 =	simm.s32 $0xFFFFFFFF;
	p2 =	slt.u32 s8, $0xFFFFF086  }
0x1c: {  	p1 =	slt.u32 s9, $0xF7A;
	s5 =	simm.s32 @!p2 $0x0  }
0x1d: {  	s5 =	simm.s32 @p1 $0x1;
	p0 =	seq.s32 s7, s2  }
0x1e: {  	s7 =	smul.u32 @!p0 $0xF7A, s2;
	p2 =	seq.s32 @!p0 s5, $0x0  }
0x1f: {  	s9 =	smul.u32 $0xF7A, s1;
	s8 =	simm.s32 @!p0 $0x1BF5;
	p2 =	por !p2, p0  }
0x20: {  	[sflag:s8] =	ssyncset.s32 @!p0 $0xFFFFF086;
	s6 =	sadd.s32 @!p0 s3, s7;
	s7 =	simm.s32 @!p0 $0x108  }
0x21: {  	s3 =	sadd.s32 s3, s9;
	s6 =	sadd.s32 @!p0 $0x88, s6;
	s7 =	simm.s32 @p2 $0x1082  }
0x22: {  	[simem:s7], [sflag:s8] =	dma.local @!p0 [hbm:s6], $0xF7A  }
0x23: {  	s9 =	sor.u32 $0xD0000000, s2;
	s6 =	simm.s32 $0x108;
	_ =	swait.ge @!p0 [sflag:s8], $0x0  }
0x24: {  	s3 =	sadd.s32 $0x88, s3;
	s6 =	simm.s32 @!p1 $0x1082;
	[sflag:s4] =	ssyncset.s32 $0xFFFFF086  }
0x25: {  	[simem:s6], [sflag:s4] =	dma.local [hbm:s3], $0xF7A  }
0x26: {  	[smem:$0x3F9A] =	sst s1;
	(tag) =	ssettag s2;
	_ =	strace s9  }
0x27: {  	s1 =	sld [smem:$0x3FAA]  }
0x28: {  	s2 =	sld [smem:$0x3FAB]  }
0x29: {  	s4 =	sld [smem:$0x3FAD]  }
0x2a: {  	p0 =	seq.s32 s5, $0x0;
	s5 =	sld [smem:$0x3FAE]  }
0x2b: {  	s6 =	sld [smem:$0x3FAF]  }
0x2c: {  	s7 =	sld [smem:$0x3FB0]  }
0x2d: {  	s3 =	simm.s32 $0x108;
	s8 =	sld [smem:$0x3FB1]  }
0x2e: {  	s3 =	simm.s32 @!p0 $0x1082;
	s9 =	sld [smem:$0x3FB2]  }
0x2f: {  	lr =	sadd.s32 s0, s3;
	s0 =	sld [smem:$0x3FA9]  }
0x30: {  	s3 =	sld [smem:$0x3FAC]  }
0x31: {  	[smem:$0x3FB5] =	sst s10  }
0x32: {  	s10 =	sld [smem:$0x3FB3];
	_ =	sdelay $0x3  }
0x33: {  	p0 =	seq.s32 s10, $0x1;
	s10 =	sld [smem:$0x3FB5];
	_ =	sdelay $0x3  }
0x34: {  	[smem:$0x3FB5] =	sst s10  }
0x35: {  	s10 =	sld [smem:$0x3FB4];
	_ =	sdelay $0x3  }
0x36: {  	p1 =	seq.s32 s10, $0x1;
	s10 =	sld [smem:$0x3FB5];
	_ =	sdelay $0x3  }
0x37: {  	[smem:$0x3FB5] =	sst s10  }
0x38: {  	s10 =	sld [smem:$0x3FB6]  }
0x39: {  	_ = 	snop;
	(pc) =	sbr.ind lr, $3  }
0x3a: {  	_ = 	snop  }
0x3b: {  	_ = 	snop  }
0x3c: {  	p2 =	seq.s32 s10, $0x1;
	s10 =	sld [smem:$0x3FB5]  }
0x3d: {  	_ =	shalt  }
0x3e: {  	_ =	shalt  }
0x3f: {  	_ =	shalt  }
0x40: {  	_ =	shalt  }
0x41: {  	_ =	shalt  }
0x42: {  	_ =	shalt  }
0x43: {  	_ =	shalt  }
0x44: {  	_ =	shalt  }
0x45: {  	_ =	shalt  }
0x46: {  	_ =	shalt  }
0x47: {  	_ =	shalt  }
0x48: {  	_ =	shalt  }
0x49: {  	_ =	shalt  }
0x4a: {  	_ =	shalt  }
0x4b: {  	_ =	shalt  }
0x4c: {  	_ =	shalt  }
0x4d: {  	_ =	shalt  }
0x4e: {  	_ =	shalt  }
0x4f: {  	_ =	shalt  }
0x50: {  	_ =	shalt  }
0x51: {  	_ =	shalt  }
0x52: {  	_ =	shalt  }
0x53: {  	_ =	shalt  }
0x54: {  	_ =	shalt  }
0x55: {  	_ =	shalt  }
0x56: {  	_ =	shalt  }
0x57: {  	_ =	shalt  }
0x58: {  	_ =	shalt  }
0x59: {  	_ =	shalt  }
0x5a: {  	_ =	shalt  }
0x5b: {  	_ =	shalt  }
0x5c: {  	_ =	shalt  }
0x5d: {  	_ =	shalt  }
0x5e: {  	_ =	shalt  }
0x5f: {  	_ =	shalt  }
0x60: {  	_ =	shalt  }
0x61: {  	_ =	shalt  }
0x62: {  	_ =	shalt  }
0x63: {  	_ =	shalt  }
0x64: {  	_ =	shalt  }
0x65: {  	_ =	shalt  }
0x66: {  	_ =	shalt  }
0x67: {  	_ =	shalt  }
0x68: {  	_ =	shalt  }
0x69: {  	_ =	shalt  }
0x6a: {  	_ =	shalt  }
0x6b: {  	_ =	shalt  }
0x6c: {  	_ =	shalt  }
0x6d: {  	_ =	shalt  }
0x6e: {  	_ =	shalt  }
0x6f: {  	_ =	shalt  }
0x70: {  	_ =	shalt  }
0x71: {  	_ =	shalt  }
0x72: {  	_ =	shalt  }
0x73: {  	_ =	shalt  }
0x74: {  	_ =	shalt  }
0x75: {  	_ =	shalt  }
0x76: {  	_ =	shalt  }
0x77: {  	_ =	shalt  }
0x78: {  	_ =	shalt  }
0x79: {  	_ =	shalt  }
0x7a: {  	_ =	shalt  }
0x7b: {  	_ =	shalt  }
0x7c: {  	_ =	shalt  }
0x7d: {  	_ =	shalt  }
0x7e: {  	_ =	shalt  }
0x7f: {  	_ =	shalt  }
0x80: {  	_ =	shalt  }
0x81: {  	_ =	shalt  }
0x82: {  	_ =	shalt  }
0x83: {  	_ =	shalt  }
0x84: {  	_ =	shalt  }
0x85: {  	_ =	shalt  }
0x86: {  	_ =	shalt  }
0x87: {  	_ =	shalt  }
.Lfunc_end0:
.L_simem_size_0:
called_computation_lowered:
.L_overlay_start_0:
0x88: {  	s2 =	sld [smem:$0x3FD9]  }
0x89: {  	s3 =	sld [smem:$0x3FFE];
	_ =	sdelay $0x1  }
0x8a: {  	s1 =	srdreg.scid  }
0x8b: {  	s0 =	sand.u32 $0x1, s1  }
0x8c: {  	s16 =	sshll.u32 s0, $0xA;
	s2 =	sadd.s32 s3, s2  }
0x8d: {  	s2 =	sadd.s32 s2, s16  }
0x8e: {  	[smem:$0x3FC1] =	sst s2  }
0x8f: {  	_ = 	snop  }
0x90: {  	(tm) =	ssettm $0x1  }
0x91: {  	s17 =	sld [smem:$0x3FFB];
	_ =	sdelay $0x3  }
0x92: {  	_ =	strace s17  }
0x93: {  	s2 =	sld [smem:$0x3FFC];
	_ =	sdelay $0x3  }
0x94: {  	_ =	strace s2  }
0x95: {  	s2 =	sld [smem:$0x3FFD];
	_ =	sdelay $0x3  }
0x96: {  	_ =	strace s2  }
0x97: {  	_ =	strace $0x8FFFFFFF  }
0x98: {  	s18 =	sld [smem:$0x3FDB];
	_ =	sdelay $0x1  }
0x99: {  	s19 =	simm.s32 $_scs_section_size  }
0x9a: {  	s4 =	simm.s32 $_size__tile_overlayer_lowered;
	s5 =	simm.s32 $_tile_overlayer_lowered  }
0x9b: {  	s22 =	simm.s32 $0x1BFF;
	s21 =	sshll.u32 s5, $0x1;
	s2 =	sadd.s32 s19, s18  }
0x9c: {  	s6 =	simm.s32 $0x0;
	s20 =	sshll.u32 s4, $0x1;
	s4 =	sadd.s32 s21, s2  }
0x9d: {  	[timem:s6], [sflag:s22] =	dma.local [hbm:s4], s20  }
0x9e: {  	_ =	swait.ge [sflag:s22], s20  }
0x9f: {  	s3 =	ssub.s32 $0x0, s20;
	[sflag:s22] =	ssyncset.done $0x0  }
0xa0: {  	[sflag:s22] =	ssyncadd.s32 s3;
	_ =	sdelay $0x1  }
0xa1: {  	s23 =	simm.s32 $0x1B8B  }
0xa2: {  	_ =	swait.ge [sflag:s23], $0x1  }
0xa3: {  	[sflag:s23] =	ssyncset.done $0x0  }
0xa4: {  	s25 =	simm.s32 $0x1B8E;
	s24 =	sld [smem:$0x3FFE];
	[sflag:s23] =	ssyncadd.s32 $0xFFFFFFFF  }
0xa5: {  	s26 =	simm.s32 $execute0_lowered;
	[smem:$0x3FD2] =	sst s25  }
0xa6: {  	s4 =	sshll.u32 s26, $0x1;
	_ =	strace $0x80000046;
	[dreg:$0x1] =	wrdreg $0xFFFFFFFF  }
0xa7: {  	s28 =	simm.s32 $_size_execute0_lowered;
	s2 =	sadd.s32 s2, s4;
	[dreg:$0x0] =	wrdreg $0x0  }
0xa8: {  	s4 =	sshll.u32 s28, $0x1;
	[dreg:$0x2] =	wrdreg s2  }
0xa9: {  	[dreg:$0x3] =	wrdreg s4  }
0xaa: {  	[dreg:$0x4] =	wrdreg $0xC0  }
0xab: {  	_ =	task [dreg:s6], $0x5FFFF  }
0xac: {  	[dreg:$0x1] =	wrdreg $0xFFFFFFFF  }
0xad: {  	[dreg:$0x0] =	wrdreg $0x60  }
0xae: {  	[dreg:$0x2] =	wrdreg s24  }
0xaf: {  	[dreg:$0x3] =	wrdreg $0xA8800  }
0xb0: {  	[dreg:$0x4] =	wrdreg $0xAB000  }
0xb1: {  	[dreg:$0x5] =	wrdreg $0x9  }
0xb2: {  	_ =	task.clear_ibuf [dreg:s6], $0x6FFFF;
	_ =	strace $0x90000046  }
0xb3: {  	s29 =	simm.s32 $0x9;
	_ =	strace $0x80000048  }
0xb4: {  	_ =	swait.ge [sflag:s29], $0x1  }
0xb5: {  	[sflag:s29] =	ssyncadd.s32 $0xFFFFFFFF  }
0xb6: {  	_ =	strace $0x90000048  }
0xb7: {  	_ =	sfence  }
0xb8: {  	s30 =	sld [smem:$0x0];
	_ =	sdelay $0x2  }
0xb9: {  	s31 =	sshll.u32 s1, $0xD;
	s1 =	sshrl.u32 s1, $0x2  }
0xba: {  	s3 =	sand.u32 $0x4000, s31;
	s1 =	sadd.s32 s1, s30  }
0xbb: {  	s0 =	sor.u32 s3, s0;
	s1 =	sshll.u32 s1, $0x11  }
0xbc: {  	s0 =	sor.u32 s1, s0  }
0xbd: {  	s0 =	sadd.s32 $0x8F2B, s0  }
0xbe: {  	[sflag:s0] =	ssyncadd.remote.s32 $0x1  }
0xbf: {  	_ =	sfence.sel $0xFFFF  }
0xc0: {  	[dreg:$0x0] =	wrdreg $0xFFFFFFFF;
	(pc) =	sbr.abs _section_cstart, $3  }
0xc1: {  	[dreg:$0x1] =	wrdreg $0xFFFFFFFF  }
0xc2: {  	_ =	task.clear_ibuf [dreg:s6], $0x2FFFF;
	_ =	strace $0x9FFFFFFF  }
0xc3: {  	(tm) =	ssettm $0x7FFFFFFF  }
tec
execute0_lowered:
.L_overlay_start_1:
0x0: {  	(tag) =	ssettag $0x1  }
0x1: {  	s5 =	rddreg [dreg:$0x0]  }
0x2: {  	s0 =	srdreg.scid;
	s1 =	rddreg [dreg:$0x1]  }
0x3: {  	s10 =	stileid.u32;
	s2 =	rddreg [dreg:$0x2];
	s3 =	simm.s32 $0x0  }
0x4: {  	s12 =	simm.s32 $0x5800;
	s13 =	simm.s32 $0x8000;
	s16 =	simm.s32 $0x50  }
0x5: {  	s17 =	simm.s32 $0xA800;
	s18 =	simm.s32 $0x0;
	s4 =	sand.u32 $0x1, s0  }
0x6: {  	[smem:$0x7FF] =	sst s3;
	p0 =	sne.s32 s10, $0x0;
	s0 =	sshll.u32 s4, $0x4  }
0x7: {  	s7 =	smul.u32 $0x5000, s4;
	s8 =	ssub.s32 $0x2, s4;
	s4 =	sadd.s32 $0x17E00, s5  }
0x8: {  	s14 =	sshrl.u32 @!p0 s1, $0x3;
	s15 =	sshrl.u32 @!p0 s2, $0x3;
	s6 =	sor.u32 s10, s0  }
0x9: {  	s0 =	rddreg [dreg:$0x3];
	_ =	strace $0x80000047;
	s9 =	sshrl.u32 s8, $0x1  }
0xa: {  	s6 =	smul.u32 $0x580, s6;
	s7 =	sshrl.u32 s7, $0x3;
	s9 =	ssub.s32 s8, s9  }
0xb: {  	v0 =	vlaneseq.u32;
	s10 =	simm.s32 $0x1;
	s11 =	sadd.s32 s7, s5;
	s9 =	smax.u32 s9, $0x1  }
0xc: {  	v5 =	vimm.f32 $1.000000000e+00;
	v1 =	vor.u32 $0x10, v0;
	s6 =	sadd.s32 s6, s5;
	s7 =	sadd.s32 $0x18400, s11;
	s8 =	sadd.s32 $0x18900, s11  }
0xd: {  	v2 =	vor.u32 $0x20, v0;
	v3 =	vor.u32 $0x30, v0;
	v4 =	vor.u32 $0x40, v0;
	s11 =	simm.s32 $0x2C00;
	s5 =	sadd.s32 $0xCE00, s6;
	s6 =	sadd.s32 $0x1E00, s6  }
.LBB2_1:
0xe: {  	[tilespmem:s3], [sflag:$0x1] =	stream.linear.gather [hbm4b:s5+s3], $0x2900, $0x38;
	[tilespmem:$0xAD80] =	vst v63  }
0xf: {  	_ =	swait.ge [sflag:s10], $0x2900  }
0x10: {  	[sflag:s10] =	ssyncset.done $0x0  }
0x11: {  	[sflag:s10] =	ssyncadd.s32 $0xFFFFD700  }
0x12: {  	[tilespmem:s11], [sflag:$0x1] =	stream.linear.gather [hbm4b:s6+s3], $0x2900, $0x38;
	[tilespmem:$0xAD80] =	vst v63  }
0x13: {  	_ =	swait.ge [sflag:s10], $0x2900  }
0x14: {  	[sflag:s10] =	ssyncset.done $0x0  }
0x15: {  	[sflag:s10] =	ssyncadd.s32 $0xFFFFD700  }
0x16: {  	[tilespmem:s12], [sflag:$0x1] =	stream.linear.gather [hbm4b:s4+s3], $0x2800, $0x38;
	[tilespmem:$0xAD80] =	vst v63  }
0x17: {  	_ =	swait.ge [sflag:s10], $0x2800  }
0x18: {  	[sflag:s10] =	ssyncset.done $0x0  }
0x19: {  	[sflag:s10] =	ssyncadd.s32 $0xFFFFD800  }
0x1a: {  	[tilespmem:s13], [sflag:$0x1] =	stream.linear.gather [hbm4b:s4+s3], $0x2800, $0x38;
	[tilespmem:$0xAD80] =	vst v63  }
0x1b: {  	_ =	swait.ge [sflag:s10], $0x2800  }
0x1c: {  	[sflag:s10] =	ssyncset.done $0x0  }
0x1d: {  	s19 =	simm.s32 @!p0 $0x1C01;
	s20 =	simm.s32 @!p0 $0x1;
	[sflag:s10] =	ssyncadd.s32 $0xFFFFD800  }
0x1e: {  	[spmem:s14], [sflag:s19] =	dma.local @!p0 [hbm:s4], $0x500  }
0x1f: {  	_ =	swait.ge @!p0 [sflag:s20], $0x500  }
0x20: {  	[sflag:s20] =	ssyncset.done @!p0 $0x0  }
0x21: {  	[sflag:s20] =	ssyncadd.s32 @!p0 $0xFFFFFB00  }
0x22: {  	[spmem:s15], [sflag:s19] =	dma.local @!p0 [hbm:s4], $0x500  }
0x23: {  	_ =	swait.ge @!p0 [sflag:s20], $0x500  }
0x24: {  	[sflag:s20] =	ssyncset.done @!p0 $0x0  }
0x25: {  	[sflag:s20] =	ssyncadd.s32 @!p0 $0xFFFFFB00  }
0x26: {  	[tilespmem:$0xA800] =	vst v0  }
0x27: {  	[tilespmem:$0xA810] =	vst v1  }
0x28: {  	[tilespmem:$0xA820] =	vst v2  }
0x29: {  	[tilespmem:$0xA830] =	vst v3  }
0x2a: {  	[tilespmem:$0xA840] =	vst v4  }
0x2b: {  	s19 =	simm.s32 $0x0;
	[bflag:$0x0] =	sbarrier.arrive $0xFFFF  }
.LBB2_2:
0x2c: {  	s20 =	sshra.s32 s19, $0x2  }
0x2d: {  	v6 =	vld [tilespmem:s20+$0x0]  }
0x2e: {  	v7 =	vld [tilespmem:s20+$0x2C00];
	_ =	sdelay $0x6  }
0x2f: {  	[tilespmem:v6+s12+$0x0] =	vst.idx.add.f32.msk $0xffff, v5  }
0x30: {  	[tilespmem:v7+s13+$0x0] =	vst.idx.add.f32.msk $0xffff, v5  }
0x31: {  	v6 =	vld [tilespmem:s20+$0x10]  }
0x32: {  	v7 =	vld [tilespmem:s20+$0x2C10];
	_ =	sdelay $0x6  }
0x33: {  	[tilespmem:v6+s12+$0x0] =	vst.idx.add.f32.msk $0xffff, v5  }
0x34: {  	[tilespmem:v7+s13+$0x0] =	vst.idx.add.f32.msk $0xffff, v5  }
0x35: {  	v6 =	vld [tilespmem:s20+$0x20]  }
0x36: {  	v7 =	vld [tilespmem:s20+$0x2C20];
	_ =	sdelay $0x6  }
0x37: {  	[tilespmem:v6+s12+$0x0] =	vst.idx.add.f32.msk $0xffff, v5  }
0x38: {  	[tilespmem:v7+s13+$0x0] =	vst.idx.add.f32.msk $0xffff, v5  }
0x39: {  	v6 =	vld [tilespmem:s20+$0x30]  }
0x3a: {  	v7 =	vld [tilespmem:s20+$0x2C30];
	_ =	sdelay $0x6  }
0x3b: {  	[tilespmem:v6+s12+$0x0] =	vst.idx.add.f32.msk $0xffff, v5  }
0x3c: {  	[tilespmem:v7+s13+$0x0] =	vst.idx.add.f32.msk $0xffff, v5  }
0x3d: {  	v6 =	vld [tilespmem:s20+$0x40]  }
0x3e: {  	v7 =	vld [tilespmem:s20+$0x2C40];
	_ =	sdelay $0x6  }
0x3f: {  	[tilespmem:v6+s12+$0x0] =	vst.idx.add.f32.msk $0xffff, v5  }
0x40: {  	[tilespmem:v7+s13+$0x0] =	vst.idx.add.f32.msk $0xffff, v5  }
0x41: {  	v6 =	vld [tilespmem:s20+$0x50]  }
0x42: {  	v7 =	vld [tilespmem:s20+$0x2C50];
	_ =	sdelay $0x6  }
0x43: {  	[tilespmem:v6+s12+$0x0] =	vst.idx.add.f32.msk $0xffff, v5  }
0x44: {  	[tilespmem:v7+s13+$0x0] =	vst.idx.add.f32.msk $0xffff, v5  }
0x45: {  	v6 =	vld [tilespmem:s20+$0x60]  }
0x46: {  	v7 =	vld [tilespmem:s20+$0x2C60];
	_ =	sdelay $0x6  }
0x47: {  	[tilespmem:v6+s12+$0x0] =	vst.idx.add.f32.msk $0xffff, v5  }
0x48: {  	[tilespmem:v7+s13+$0x0] =	vst.idx.add.f32.msk $0xffff, v5  }
0x49: {  	v6 =	vld [tilespmem:s20+$0x70]  }
0x4a: {  	v7 =	vld [tilespmem:s20+$0x2C70];
	_ =	sdelay $0x2  }
0x4b: {  	p1 =	sne.s32 s19, $0x9A00  }
.Ltmp0:
0x4c: {  	_ = 	snop;
	(pc) =	sbr.rel @p1 .LBB2_2-.Ltmp0, $3  }
0x4d: {  	_ =	sdelay $0x1  }
0x4e: {  	[tilespmem:v6+s12+$0x0] =	vst.idx.add.f32.msk $0xffff, v5  }
0x4f: {  	s19 =	sadd.s32 $0x200, s19;
	[tilespmem:v7+s13+$0x0] =	vst.idx.add.f32.msk $0xffff, v5  }
0x50: {  	v6 =	vld [tilespmem:$0x2700]  }
0x51: {  	v7 =	vld [tilespmem:$0x5300];
	_ =	sdelay $0x6  }
0x52: {  	[tilespmem:v6+s12+$0x0] =	vst.idx.add.f32.msk $0xffff, v5  }
0x53: {  	[tilespmem:v7+s13+$0x0] =	vst.idx.add.f32.msk $0xffff, v5  }
0x54: {  	[spmem:s1] =	stream.indirect.scatter.add.f32 [tilespmem:s12], [sflag:$0x1], $0x80, s17, s16, $0xb8;
	[tilespmem:$0xAD80] =	vst v63  }
0x55: {  	_ =	swait.ge [sflag:s10], $0x2800  }
0x56: {  	[sflag:s10] =	ssyncset.done $0x0  }
0x57: {  	[sflag:s10] =	ssyncadd.s32 $0xFFFFD800  }
0x58: {  	[spmem:s2] =	stream.indirect.scatter.add.f32 [tilespmem:s13], [sflag:$0x1], $0x80, s17, s16, $0xb8;
	[tilespmem:$0xAD80] =	vst v63  }
0x59: {  	_ =	swait.ge [sflag:s10], $0x2800  }
0x5a: {  	[sflag:s10] =	ssyncset.done $0x0  }
0x5b: {  	[sflag:s10] =	ssyncadd.s32 $0xFFFFD800  }
0x5c: {  	s19 =	simm.s32 @!p0 $0x1C01;
	s20 =	simm.s32 @!p0 $0x1;
	[bflag:$0x0] =	sbarrier.arrive $0xFFFF  }
0x5d: {  	[hbm:s7], [sflag:s19] =	dma.local @!p0 [spmem:s14], $0x500  }
0x5e: {  	s18 =	sadd.s32 $0x1, s18;
	_ =	swait.ge @!p0 [sflag:s20], $0x500  }
0x5f: {  	p1 =	sne.s32 s18, s9;
	[sflag:s20] =	ssyncset.done @!p0 $0x0  }
.Ltmp1:
0x60: {  	[sflag:s20] =	ssyncadd.s32 @!p0 $0xFFFFFB00;
	(pc) =	sbr.rel @p1 .LBB2_1-.Ltmp1, $4  }
0x61: {  	[hbm:s8], [sflag:s19] =	dma.local @!p0 [spmem:s15], $0x500  }
0x62: {  	_ =	swait.ge @!p0 [sflag:s20], $0x500  }
0x63: {  	[sflag:s20] =	ssyncset.done @!p0 $0x0  }
0x64: {  	[sflag:s20] =	ssyncadd.s32 @!p0 $0xFFFFFB00  }
0x65: {  	_ =	sfence.sel $0x180000  }
0x66: {  	[bflag:$0x0] =	sbarrier.arrive $0xFFFF  }
0x67: {  	_ =	strace $0x90000047  }
0x68: {  	s0 =	sadd.s32 @!p0 $0x100000, s0;
	[bflag:$0x2] =	sbarrier.arrive $0xFFFF  }
0x69: {  	[sflag:s0] =	ssyncadd.tile.s32 @!p0 $0x1;
	_ =	shalt  }
.Lfunc_end2:
_tile_overlayer_lowered:
.L_overlay_start_2:
0x6a: {  	(tag) =	ssettag $0x2  }
0x6b: {  	s0 =	rddreg [dreg:$0x0];
	s2 =	stileid.u32  }
0x6c: {  	s1 =	rddreg [dreg:$0x1];
	p0 =	sne.s32 s2, $0x0  }
0x6d: {  	s3 =	rddreg [dreg:$0x2];
	[bflag:$0x3] =	sbarrier.arrive $0xFFFF;
	s2 =	simm.s32 @!p0 $0x1C01  }
0x6e: {  	[timem:s3], [sflag:s2] =	dma.local @!p0 [hbm:s0], s1  }
0x6f: {  	s0 =	simm.s32 @!p0 $0x1  }
0x70: {  	_ =	swait.ge @!p0 [sflag:s0], s1  }
0x71: {  	s1 =	ssub.s32 @!p0 $0x0, s1;
	[sflag:s0] =	ssyncset.done @!p0 $0x0  }
0x72: {  	[sflag:s0] =	ssyncadd.s32 @!p0 s1  }
0x73: {  	[bflag:$0x3] =	sbarrier.arrive $0xFFFF  }
0x74: {  	_ =	shalt  }

</sc_bundles>
